<compile_context>
chip_gen: v7x
topology: tpu7x:2x2x1
jax: 0.10.2.dev20260603
libtpu: 0.0.44.dev20260713+nightly
codegen_flags: <defaults>
</compile_context>

<pallas_src>
import functools

import jax
import jax.numpy as jnp
from jax import lax
from jax.experimental import pallas as pl
from jax.experimental.pallas import tpu as pltpu
from jax.experimental.pallas import tpu_sc as plsc

N = 10000
E = 160000
H = 256
NORM = 0.01

NPAD = 10240
CH = 128
NCHUNK = E // CH
NBLK = 1000
EBLK = 6400
NW_G = 32
NW_S = 16
NPW = NPAD // NW_S


HW = H // 2


def _pack_bf16_pair(even_f32, odd_f32):
    ie = lax.bitcast_convert_type(
        even_f32.astype(jnp.bfloat16).astype(jnp.float32), jnp.int32)
    io = lax.bitcast_convert_type(
        odd_f32.astype(jnp.bfloat16).astype(jnp.float32), jnp.int32)
    return io | lax.shift_right_logical(ie, 16)


def _precompute_body(h1_ref, h2_ref, w0ae_ref, w0ao_ref, w0be_ref,
                     w0bo_ref, a1_ref, a2_ref):
    a1_ref[...] = _pack_bf16_pair(
        jnp.dot(h1_ref[...], w0ae_ref[...],
                preferred_element_type=jnp.float32),
        jnp.dot(h1_ref[...], w0ao_ref[...],
                preferred_element_type=jnp.float32))
    a2_ref[...] = _pack_bf16_pair(
        jnp.dot(h2_ref[...], w0be_ref[...],
                preferred_element_type=jnp.float32),
        jnp.dot(h2_ref[...], w0bo_ref[...],
                preferred_element_type=jnp.float32))


_precompute = pl.pallas_call(
    _precompute_body,
    grid=(N // NBLK,),
    in_specs=[
        pl.BlockSpec((NBLK, H), lambda i: (i, 0)),
        pl.BlockSpec((NBLK, H), lambda i: (i, 0)),
        pl.BlockSpec((H, HW), lambda i: (0, 0)),
        pl.BlockSpec((H, HW), lambda i: (0, 0)),
        pl.BlockSpec((H, HW), lambda i: (0, 0)),
        pl.BlockSpec((H, HW), lambda i: (0, 0)),
    ],
    out_specs=[
        pl.BlockSpec((NBLK, HW), lambda i: (i, 0)),
        pl.BlockSpec((NBLK, HW), lambda i: (i, 0)),
    ],
    out_shape=[
        jax.ShapeDtypeStruct((N, HW), jnp.int32),
        jax.ShapeDtypeStruct((N, HW), jnp.int32),
    ],
)


_MESH_G = plsc.VectorSubcoreMesh(core_axis_name="c", subcore_axis_name="s")


def _make_gather(c0, nch):
    cpw = -(-nch // NW_G)
    assert cpw % 2 == 0

    @functools.partial(
        pl.kernel,
        out_type=(jax.ShapeDtypeStruct((nch * CH, HW), jnp.int32),
                  jax.ShapeDtypeStruct((nch * CH, HW), jnp.int32)),
        mesh=_MESH_G,
        scratch_types=[
            pltpu.VMEM((cpw * CH,), jnp.int32),
            pltpu.VMEM((cpw * CH,), jnp.int32),
            pltpu.VMEM((CH, HW), jnp.int32),
            pltpu.VMEM((CH, HW), jnp.int32),
            pltpu.VMEM((CH, HW), jnp.int32),
            pltpu.VMEM((CH, HW), jnp.int32),
            pltpu.SemaphoreType.DMA,
            pltpu.SemaphoreType.DMA,
        ],
    )
    def gather(n1p, n2p, a1, a2, g1, g2, idx1f, idx2f, r1a, r1b, r2a, r2b,
               semL, semG):
        wid = lax.axis_index("s") * 2 + lax.axis_index("c")
        rows1 = (r1a, r1b)
        rows2 = (r2a, r2b)
        wchunk = wid * cpw
        nchunks = jnp.clip(nch - wchunk, 0, cpw)
        estart = pl.multiple_of((c0 + wchunk) * CH, CH)
        cpi1 = pltpu.async_copy(n1p.at[pl.ds(estart, cpw * CH)], idx1f,
                                semL)
        cpi2 = pltpu.async_copy(n2p.at[pl.ds(estart, cpw * CH)], idx2f,
                                semL)
        cpi1.wait()
        cpi2.wait()

        def fire(j, s):
            off = pl.multiple_of(j * CH, CH)
            pltpu.async_copy(a1.at[idx1f.at[pl.ds(off, CH)]], rows1[s],
                             semG)
            pltpu.async_copy(a2.at[idx2f.at[pl.ds(off, CH)]], rows2[s],
                             semG)

        def wait_pair(s):
            pltpu.make_async_copy(a1.at[pl.ds(0, CH)], rows1[s],
                                  semG).wait()
            pltpu.make_async_copy(a2.at[pl.ds(0, CH)], rows2[s],
                                  semG).wait()

        @pl.when(nchunks > 0)
        def _():
            fire(0, 0)

        def body(ip, carry):
            for s in (0, 1):
                j = 2 * ip + s

                @pl.when(j + 1 < nchunks)
                def _():
                    fire(j + 1, 1 - s)

                wait_pair(s)
                base = pl.multiple_of((wchunk + j) * CH, CH)
                pltpu.sync_copy(rows1[s], g1.at[pl.ds(base, CH)])
                pltpu.sync_copy(rows2[s], g2.at[pl.ds(base, CH)])
            return carry

        lax.fori_loop(0, nchunks // 2, body, 0)

    return gather


SPLIT_CH = 500
_gather_a = _make_gather(0, SPLIT_CH)
_gather_b = _make_gather(SPLIT_CH, NCHUNK - SPLIT_CH)


def _mlp_body(g1, g2, ea, cdx, cdy, cdz, w0cl, w0ch, b0l, b0h, w1, b1,
              w2t, outx, outy, outz):
    i1 = g1[...]
    i2 = g2[...]
    hi = jnp.int32(-65536)
    e1 = lax.bitcast_convert_type(i1 << 16, jnp.float32)
    o1 = lax.bitcast_convert_type(i1 & hi, jnp.float32)
    e2 = lax.bitcast_convert_type(i2 << 16, jnp.float32)
    o2 = lax.bitcast_convert_type(i2 & hi, jnp.float32)
    eac = ea[...]
    eav = jnp.concatenate(
        [jnp.transpose(eac[0, c].reshape(1, CH))
         for c in range(EBLK // CH)], axis=0)
    pre_l = e1 + e2 + eav * w0cl[...] + b0l[...]
    pre_h = o1 + o2 + eav * w0ch[...] + b0h[...]
    x0l = (pre_l * jax.nn.sigmoid(pre_l)).astype(jnp.bfloat16)
    x0h = (pre_h * jax.nn.sigmoid(pre_h)).astype(jnp.bfloat16)
    x0 = jnp.concatenate([x0l, x0h], axis=1)
    pre1 = (jnp.dot(x0, w1[...], preferred_element_type=jnp.float32)
            + b1[...])
    x1 = pre1 * jax.nn.sigmoid(pre1)
    m = jnp.sum(x1 * w2t[...], axis=1, keepdims=True)
    mr = jnp.concatenate(
        [jnp.transpose(m[c * CH:(c + 1) * CH]) for c in range(EBLK // CH)],
        axis=0)
    outx[...] = (cdx[...].reshape(EBLK // CH, CH) * mr).reshape(
        1, EBLK // CH, CH)
    outy[...] = (cdy[...].reshape(EBLK // CH, CH) * mr).reshape(
        1, EBLK // CH, CH)
    outz[...] = (cdz[...].reshape(EBLK // CH, CH) * mr).reshape(
        1, EBLK // CH, CH)


def _make_mlp(b0, nb):
    chunk_in = pl.BlockSpec((1, EBLK // CH, CH), lambda i: (b0 + i, 0, 0))
    chunk_out = pl.BlockSpec((1, EBLK // CH, CH), lambda i: (i, 0, 0))
    return pl.pallas_call(
        _mlp_body,
        grid=(nb,),
        in_specs=[
            pl.BlockSpec((EBLK, HW), lambda i: (i, 0)),
            pl.BlockSpec((EBLK, HW), lambda i: (i, 0)),
            chunk_in,
            chunk_in,
            chunk_in,
            chunk_in,
            pl.BlockSpec((1, HW), lambda i: (0, 0)),
            pl.BlockSpec((1, HW), lambda i: (0, 0)),
            pl.BlockSpec((1, HW), lambda i: (0, 0)),
            pl.BlockSpec((1, HW), lambda i: (0, 0)),
            pl.BlockSpec((H, H), lambda i: (0, 0)),
            pl.BlockSpec((1, H), lambda i: (0, 0)),
            pl.BlockSpec((1, H), lambda i: (0, 0)),
        ],
        out_specs=[chunk_out] * 3,
        out_shape=[jax.ShapeDtypeStruct((nb, EBLK // CH, CH),
                                        jnp.float32)] * 3,
    )


_BPH_A = SPLIT_CH * CH // EBLK
_BPH_B = (NCHUNK - SPLIT_CH) * CH // EBLK
_mlp_a = _make_mlp(0, _BPH_A)
_mlp_b = _make_mlp(_BPH_A, _BPH_B)


_MESH_S = plsc.VectorSubcoreMesh(core_axis_name="c", subcore_axis_name="s",
                                 num_cores=1)


MAXC = 80
NCHUNKP = MAXC * NW_S
DRAIN = 8


@functools.partial(
    pl.kernel,
    out_type=tuple(jax.ShapeDtypeStruct((NPAD,), jnp.float32)
                   for _ in range(3)),
    mesh=_MESH_S,
    scratch_types=[
        pltpu.VMEM((MAXC, CH), jnp.int32),
        pltpu.VMEM((MAXC * CH,), jnp.float32),
        pltpu.VMEM((MAXC * CH,), jnp.float32),
        pltpu.VMEM((MAXC * CH,), jnp.float32),
        pltpu.VMEM((NPW,), jnp.float32),
        pltpu.VMEM((CH * 3,), jnp.float32),
        pltpu.VMEM_SHARED((NPAD,), jnp.float32),
        pltpu.VMEM_SHARED((NPAD,), jnp.float32),
        pltpu.VMEM_SHARED((NPAD,), jnp.float32),
        pltpu.SemaphoreType.DMA,
        pltpu.SemaphoreType.DMA,
    ],
)
def _scatter_combine(n1r, tx, ty, tz, c1x, c1y, c1z, ox, oy, oz, idx2d,
                     stx, sty, stz, zbuf, dummy_v, acc_x, acc_y,
                     acc_z, semL, semS):
    sid = lax.axis_index("s")
    accs = (acc_x, acc_y, acc_z)
    stg = (stx, sty, stz)
    t_c = (tx, ty, tz)
    c1_c = (c1x, c1y, c1z)
    out_c = (ox, oy, oz)

    start = pl.multiple_of(sid * MAXC, 8)
    nchunks = jnp.minimum(MAXC, NCHUNK - sid * MAXC)
    cps = [pltpu.async_copy(n1r.at[pl.ds(start, MAXC)], idx2d, semL)]
    for comp in range(3):
        cps.append(pltpu.async_copy(
            t_c[comp].at[pl.ds(start * CH, MAXC * CH)], stg[comp], semL))

    def zbody(i, carry):
        zbuf[pl.ds(pl.multiple_of(i * 16, 16), 16)] = jnp.zeros(
            (16,), jnp.float32)
        return carry

    lax.fori_loop(0, NPW // 16, zbody, 0)
    for comp in range(3):
        pltpu.sync_copy(zbuf, accs[comp].at[pl.ds(sid * NPW, NPW)])
    plsc.subcore_barrier()
    for cp in cps:
        cp.wait()

    def fire(j, carry):
        sbase = pl.multiple_of(j * CH, CH)
        for comp in range(3):
            pltpu.async_copy(stg[comp].at[pl.ds(sbase, CH)],
                             accs[comp].at[idx2d.at[j]], semS, add=True)

        @pl.when(j >= DRAIN)
        def _():
            pltpu.make_async_copy(tx.at[pl.ds(0, CH * 3)], dummy_v,
                                  semS).wait()

        return carry

    lax.fori_loop(0, nchunks, fire, 0)

    def drain(j, carry):
        pltpu.make_async_copy(tx.at[pl.ds(0, CH * 3)], dummy_v,
                              semS).wait()
        return carry

    lax.fori_loop(0, DRAIN, drain, 0)
    plsc.subcore_barrier()

    for comp in range(3):
        pltpu.sync_copy(accs[comp].at[pl.ds(sid * NPW, NPW)],
                        stg[comp].at[pl.ds(0, NPW)])
        pltpu.sync_copy(c1_c[comp].at[pl.ds(sid * NPW, NPW)], zbuf)

        def fbody(i, carry):
            sl = pl.ds(pl.multiple_of(i * 16, 16), 16)
            stg[comp][sl] = zbuf[sl] + stg[comp][sl] * jnp.float32(NORM)
            return carry

        lax.fori_loop(0, NPW // 16, fbody, 0)
        pltpu.sync_copy(stg[comp].at[pl.ds(0, NPW)],
                        out_c[comp].at[pl.ds(sid * NPW, NPW)])


def kernel(h1, h2, coord1, coord2, edge_index, coord_diff, edge_attr, W0,
           b0, W1, b1, W2):
    del coord2
    n1 = edge_index[0].astype(jnp.int32)
    n2 = edge_index[1].astype(jnp.int32)
    w0a = W0[:H]
    w0b = W0[H:2 * H]
    w0c = W0[2 * H:].reshape(1, H)
    b0r = b0.reshape(1, H)
    b1r = b1.reshape(1, H)
    w2t = W2.reshape(1, H)

    n1r = jnp.pad(n1.reshape(NCHUNK, CH), ((0, NCHUNKP - NCHUNK), (0, 0)))
    n2r = jnp.pad(n2.reshape(NCHUNK, CH), ((0, NCHUNKP - NCHUNK), (0, 0)))
    a1, a2 = _precompute(h1, h2, w0a[:, :HW], w0a[:, HW:],
                         w0b[:, :HW], w0b[:, HW:])
    n1p = n1r.reshape(NCHUNKP * CH)
    n2p = n2r.reshape(NCHUNKP * CH)
    ga1, ga2 = _gather_a(n1p, n2p, a1, a2)
    gb1, gb2 = _gather_b(n1p, n2p, a1, a2)
    ea3 = edge_attr.reshape(E // EBLK, EBLK // CH, CH)
    cd3 = coord_diff.T.reshape(3, E // EBLK, EBLK // CH, CH)
    w1b = W1.astype(jnp.bfloat16)
    consts = (w0c[:, :HW], w0c[:, HW:], b0r[:, :HW], b0r[:, HW:],
              w1b, b1r, w2t)
    ta = _mlp_a(ga1, ga2, ea3, cd3[0], cd3[1], cd3[2], *consts)
    tb = _mlp_b(gb1, gb2, ea3, cd3[0], cd3[1], cd3[2], *consts)
    txp, typ, tzp = (jnp.concatenate([a_, b_], axis=0)
                     for a_, b_ in zip(ta, tb))
    c1p = jnp.pad(coord1, ((0, NPAD - N), (0, 0)))
    epad = (NCHUNKP - NCHUNK) * CH
    ox, oy, oz = _scatter_combine(
        n1r, jnp.pad(txp.reshape(E), (0, epad)),
        jnp.pad(typ.reshape(E), (0, epad)),
        jnp.pad(tzp.reshape(E), (0, epad)),
        c1p[:, 0], c1p[:, 1], c1p[:, 2])
    return jnp.stack([ox, oy, oz], axis=1)[:N]

# --- scband reference (transcript-rebuilt; emitter-appended) ---
"""Pipeline reference for scband-equivariant-update-26336739459402 (READ-ONLY COPY).

The authoritative reference and input builder live on the scoring server;
editing this copy changes nothing except your own understanding.
"""

import jax, jax.numpy as jnp
import numpy as np

N = 10000
E = 160000
H = 256
ED = 1
INPUT_EDGE = 2 * H + ED
NORM_FACTOR = 100.0


def _silu(x):
    return x * jax.nn.sigmoid(x)


def setup_inputs(seed: int = 0) -> dict:
    key = jax.random.key(seed)
    ks = jax.random.split(key, 12)
    h1 = jax.random.normal(ks[0], (N, H), dtype=jnp.float32)
    h2 = jax.random.normal(ks[1], (N, H), dtype=jnp.float32)
    coord1 = jax.random.normal(ks[2], (N, 3), dtype=jnp.float32)
    coord2 = jax.random.normal(ks[3], (N, 3), dtype=jnp.float32)
    edge_index = jax.random.randint(ks[4], (2, E), 0, N, dtype=jnp.int64 if jax.config.jax_enable_x64 else jnp.int32)
    coord_diff = jax.random.normal(ks[5], (E, 3), dtype=jnp.float32)
    edge_attr = jax.random.normal(ks[6], (E, ED), dtype=jnp.float32)
    # coord_mlp params: Linear(input_edge, H) -> SiLU -> Linear(H, H) -> SiLU -> Linear(H, 1, bias=False, xavier gain=0.001)
    lim0 = 1.0 / np.sqrt(INPUT_EDGE)
    W0 = jax.random.uniform(ks[7], (INPUT_EDGE, H), dtype=jnp.float32, minval=-lim0, maxval=lim0)
    b0 = jax.random.uniform(ks[8], (H,), dtype=jnp.float32, minval=-lim0, maxval=lim0)
    lim1 = 1.0 / np.sqrt(H)
    W1 = jax.random.uniform(ks[9], (H, H), dtype=jnp.float32, minval=-lim1, maxval=lim1)
    b1 = jax.random.uniform(ks[10], (H,), dtype=jnp.float32, minval=-lim1, maxval=lim1)
    gain = 0.001
    xav = gain * np.sqrt(6.0 / (H + 1))
    W2 = jax.random.uniform(ks[11], (H, 1), dtype=jnp.float32, minval=-xav, maxval=xav)
    return {"h1": h1, "h2": h2, "coord1": coord1, "coord2": coord2, "edge_index": edge_index, "coord_diff": coord_diff, "edge_attr": edge_attr, "W0": W0, "b0": b0, "W1": W1, "b1": b1, "W2": W2}


def reference(h1, h2, coord1, coord2, edge_index, coord_diff, edge_attr, W0, b0, W1, b1, W2):
    n1 = edge_index[0]
    n2 = edge_index[1]
    input_tensor = jnp.concatenate([jnp.take(h1, n1, axis=0), jnp.take(h2, n2, axis=0), edge_attr], axis=1)
    x = _silu(input_tensor @ W0 + b0)
    x = _silu(x @ W1 + b1)
    mlp_out = x @ W2  # [E, 1]
    # tanh=False branch
    trans = coord_diff * mlp_out
    # unsorted_segment_sum with aggregation_method='sum': scatter-add then divide by normalization_factor
    agg = jax.ops.segment_sum(trans, n1, num_segments=coord1.shape[0]) / NORM_FACTOR
    coord1_new = coord1 + agg
    return coord1_new

if __name__ == "__main__":
    import jax
    _d = setup_inputs()
    print(jax.jit(kernel)(*tuple(_d.values())))

</pallas_src>

<mosaic_0001>
#map = affine_map<(d0, d1) -> (0)>
#map1 = affine_map<(d0, d1) -> (0, 0)>
module attributes {stable_mosaic.version = 14 : i64} {
  func.func @gather(%arg0: i32, %arg1: i32, %arg2: memref<163840xi32, #tpu.memory_space<hbm>>, %arg3: memref<163840xi32, #tpu.memory_space<hbm>>, %arg4: memref<10000x128xi32, #tpu.memory_space<hbm>>, %arg5: memref<10000x128xi32, #tpu.memory_space<hbm>>, %arg6: memref<64000x128xi32, #tpu.memory_space<hbm>>, %arg7: memref<64000x128xi32, #tpu.memory_space<hbm>>, %arg8: memref<2048xi32, #tpu.memory_space<vmem>>, %arg9: memref<2048xi32, #tpu.memory_space<vmem>>, %arg10: memref<128x128xi32, #tpu.memory_space<vmem>>, %arg11: memref<128x128xi32, #tpu.memory_space<vmem>>, %arg12: memref<128x128xi32, #tpu.memory_space<vmem>>, %arg13: memref<128x128xi32, #tpu.memory_space<vmem>>, %arg14: memref<!tpu.dma_semaphore, #tpu.memory_space<semaphore_mem>>, %arg15: memref<!tpu.dma_semaphore, #tpu.memory_space<semaphore_mem>>) attributes {dimension_semantics = [#tpu.dimension_semantics<core_parallel>, #tpu.dimension_semantics<subcore_parallel>], iteration_bounds = array<i64: 2, 16>, scalar_prefetch = 0 : i64, scratch_operands = 8 : i64, tpu.core_type = #tpu.core_type<sc_vector_subcore>, window_params = [{transform_indices = #map}, {transform_indices = #map}, {transform_indices = #map1}, {transform_indices = #map1}, {transform_indices = #map1}, {transform_indices = #map1}]} {
    %mul3A = arith.constant 2 : i32
    %mul3A_0 = arith.muli %arg1, %mul3A : i32
    %add3A = arith.addi %mul3A_0, %arg0 : i32
    %mul3A_1 = arith.constant 16 : i32
    %mul3A_2 = arith.muli %add3A, %mul3A_1 : i32
    %sub3A = arith.constant 500 : i32
    %sub3A_3 = arith.subi %sub3A, %mul3A_2 : i32
    %jit3A = arith.constant 0 : i32
    %jit3A_4 = arith.constant 16 : i32
    %max3A = arith.maxsi %jit3A, %sub3A_3 : i32
    %min3A = arith.minsi %jit3A_4, %max3A : i32
    %add3A_5 = arith.constant 0 : i32
    %add3A_6 = arith.addi %add3A_5, %mul3A_2 : i32
    %mul3A_7 = arith.constant 128 : i32
    %mul3A_8 = arith.muli %add3A_6, %mul3A_7 : i32
    %multiple_of3A = tpu.assume_multiple %mul3A_8, 128 : i32
    %dma_start3A = tpu.memref_slice %arg2[%multiple_of3A] : memref<163840xi32, #tpu.memory_space<hbm>> -> memref<2048xi32, #tpu.memory_space<hbm>>
    %dma_start3A_9 = tpu.memref_slice %arg2[%multiple_of3A] : memref<163840xi32, #tpu.memory_space<hbm>> -> memref<2048xi32, #tpu.memory_space<hbm>>
    tpu.enqueue_dma source(%dma_start3A_9 : memref<2048xi32, #tpu.memory_space<hbm>>) target(%arg8 : memref<2048xi32, #tpu.memory_space<vmem>>) target_semaphore(%arg14 : memref<!tpu.dma_semaphore, #tpu.memory_space<semaphore_mem>>)
    %dma_start3A_10 = tpu.memref_slice %arg3[%multiple_of3A] : memref<163840xi32, #tpu.memory_space<hbm>> -> memref<2048xi32, #tpu.memory_space<hbm>>
    %dma_start3A_11 = tpu.memref_slice %arg3[%multiple_of3A] : memref<163840xi32, #tpu.memory_space<hbm>> -> memref<2048xi32, #tpu.memory_space<hbm>>
    tpu.enqueue_dma source(%dma_start3A_11 : memref<2048xi32, #tpu.memory_space<hbm>>) target(%arg9 : memref<2048xi32, #tpu.memory_space<vmem>>) target_semaphore(%arg14 : memref<!tpu.dma_semaphore, #tpu.memory_space<semaphore_mem>>)
    %dma_wait3A = tpu.memref_slice %arg2[%multiple_of3A] : memref<163840xi32, #tpu.memory_space<hbm>> -> memref<2048xi32, #tpu.memory_space<hbm>>
    %dma_wait3A_12 = tpu.memref_slice %arg2[%multiple_of3A] : memref<163840xi32, #tpu.memory_space<hbm>> -> memref<2048xi32, #tpu.memory_space<hbm>>
    tpu.wait_dma2 semaphore(%arg14 : memref<!tpu.dma_semaphore, #tpu.memory_space<semaphore_mem>>) src(%dma_wait3A_12 : memref<2048xi32, #tpu.memory_space<hbm>>) dst(%arg8 : memref<2048xi32, #tpu.memory_space<vmem>>)
    %dma_wait3A_13 = tpu.memref_slice %arg3[%multiple_of3A] : memref<163840xi32, #tpu.memory_space<hbm>> -> memref<2048xi32, #tpu.memory_space<hbm>>
    %dma_wait3A_14 = tpu.memref_slice %arg3[%multiple_of3A] : memref<163840xi32, #tpu.memory_space<hbm>> -> memref<2048xi32, #tpu.memory_space<hbm>>
    tpu.wait_dma2 semaphore(%arg14 : memref<!tpu.dma_semaphore, #tpu.memory_space<semaphore_mem>>) src(%dma_wait3A_14 : memref<2048xi32, #tpu.memory_space<hbm>>) dst(%arg9 : memref<2048xi32, #tpu.memory_space<vmem>>)
    %gt3A = arith.constant 0 : i32
    %gt3A_15 = arith.cmpi sgt, %min3A, %gt3A : i32
    %convert_element_type3A = arith.extui %gt3A_15 : i1 to i32
    %cond3A = arith.constant 0 : i32
    %cond3A_16 = arith.cmpi ne, %convert_element_type3A, %cond3A : i32
    scf.if %cond3A_16 {
      %multiple_of3A_44 = arith.constant 0 : i32
      %multiple_of3A_45 = tpu.assume_multiple %multiple_of3A_44, 128 : i32
      %dma_start3A_46 = tpu.memref_slice %arg8[%multiple_of3A_45] : memref<2048xi32, #tpu.memory_space<vmem>> -> memref<128xi32, #tpu.memory_space<vmem>>
      %dma_start3A_47 = arith.constant 0 : i32
      %dma_start3A_48 = arith.constant 0 : i32
      %dma_start3A_49 = tpu.memref_slice %arg4[%dma_start3A_47, %dma_start3A_48] : memref<10000x128xi32, #tpu.memory_space<hbm>> -> memref<10000x128xi32, #tpu.memory_space<hbm>>
      tpu.enqueue_indirect_dma source(%dma_start3A_49 : memref<10000x128xi32, #tpu.memory_space<hbm>>) target(%arg10 : memref<128x128xi32, #tpu.memory_space<vmem>>) offsets(%dma_start3A_46 : memref<128xi32, #tpu.memory_space<vmem>>) semaphore(%arg15 : memref<!tpu.dma_semaphore, #tpu.memory_space<semaphore_mem>>)
      %dma_start3A_50 = tpu.memref_slice %arg9[%multiple_of3A_45] : memref<2048xi32, #tpu.memory_space<vmem>> -> memref<128xi32, #tpu.memory_space<vmem>>
      %dma_start3A_51 = arith.constant 0 : i32
      %dma_start3A_52 = arith.constant 0 : i32
      %dma_start3A_53 = tpu.memref_slice %arg5[%dma_start3A_51, %dma_start3A_52] : memref<10000x128xi32, #tpu.memory_space<hbm>> -> memref<10000x128xi32, #tpu.memory_space<hbm>>
      tpu.enqueue_indirect_dma source(%dma_start3A_53 : memref<10000x128xi32, #tpu.memory_space<hbm>>) target(%arg12 : memref<128x128xi32, #tpu.memory_space<vmem>>) offsets(%dma_start3A_50 : memref<128xi32, #tpu.memory_space<vmem>>) semaphore(%arg15 : memref<!tpu.dma_semaphore, #tpu.memory_space<semaphore_mem>>)
    } else {
    }
    %jit3A_17 = arith.constant 2 : i32
    %div3A = arith.divsi %min3A, %jit3A_17 : i32
    %sign3A = arith.constant 0 : i32
    %sign3A_18 = arith.cmpi sgt, %min3A, %sign3A : i32
    %sign3A_19 = arith.extui %sign3A_18 : i1 to i32
    %sign3A_20 = arith.constant 0 : i32
    %sign3A_21 = arith.cmpi slt, %min3A, %sign3A_20 : i32
    %sign3A_22 = arith.extui %sign3A_21 : i1 to i32
    %sign3A_23 = arith.subi %sign3A_19, %sign3A_22 : i32
    %sign3A_24 = arith.constant 0 : i32
    %sign3A_25 = arith.cmpi sgt, %jit3A_17, %sign3A_24 : i32
    %sign3A_26 = arith.extui %sign3A_25 : i1 to i32
    %sign3A_27 = arith.constant 0 : i32
    %sign3A_28 = arith.cmpi slt, %jit3A_17, %sign3A_27 : i32
    %sign3A_29 = arith.extui %sign3A_28 : i1 to i32
    %sign3A_30 = arith.subi %sign3A_26, %sign3A_29 : i32
    %ne3A = arith.cmpi ne, %sign3A_23, %sign3A_30 : i32
    %rem3A = arith.remsi %min3A, %jit3A_17 : i32
    %ne3A_31 = arith.constant 0 : i32
    %ne3A_32 = arith.cmpi ne, %rem3A, %ne3A_31 : i32
    %and3A = arith.andi %ne3A, %ne3A_32 : i1
    %sub3A_33 = arith.constant 1 : i32
    %sub3A_34 = arith.subi %div3A, %sub3A_33 : i32
    %select_n3A = arith.select %and3A, %sub3A_34, %div3A : i32
    %while3A = arith.constant 0 : i32
    %while3A_35 = arith.constant 0 : i32
    %while3A_36 = arith.subi %select_n3A, %while3A_35 : i32
    %while3A_37 = arith.addi %while3A_35, %while3A_36 : i32
    %while3A_38 = arith.constant 1 : i32
    %while3A_39 = arith.divsi %while3A_36, %while3A_38 : i32
    %while3A_40 = arith.muli %while3A_39, %while3A_38 : i32
    %while3A_41 = arith.addi %while3A_35, %while3A_40 : i32
    %while3A_42 = arith.constant 1 : i32
    scf.for %while3A_44 = %while3A_35 to %while3A_41 step %while3A_42  : i32 {
      %mul3A_45 = arith.constant 2 : i32
      %mul3A_46 = arith.muli %mul3A_45, %while3A_44 : i32
      %add3A_47 = arith.constant 0 : i32
      %add3A_48 = arith.addi %mul3A_46, %add3A_47 : i32
      %add3A_49 = arith.constant 1 : i32
      %add3A_50 = arith.addi %add3A_48, %add3A_49 : i32
      %lt3A = arith.cmpi slt, %add3A_50, %min3A : i32
      %convert_element_type3A_51 = arith.extui %lt3A : i1 to i32
      %cond3A_52 = arith.constant 0 : i32
      %cond3A_53 = arith.cmpi ne, %convert_element_type3A_51, %cond3A_52 : i32
      scf.if %cond3A_53 {
        %add3A_96 = arith.constant 1 : i32
        %add3A_97 = arith.addi %add3A_48, %add3A_96 : i32
        %mul3A_98 = arith.constant 128 : i32
        %mul3A_99 = arith.muli %add3A_97, %mul3A_98 : i32
        %multiple_of3A_100 = tpu.assume_multiple %mul3A_99, 128 : i32
        %dma_start3A_101 = tpu.memref_slice %arg8[%multiple_of3A_100] : memref<2048xi32, #tpu.memory_space<vmem>> -> memref<128xi32, #tpu.memory_space<vmem>>
        %dma_start3A_102 = arith.constant 0 : i32
        %dma_start3A_103 = arith.constant 0 : i32
        %dma_start3A_104 = tpu.memref_slice %arg4[%dma_start3A_102, %dma_start3A_103] : memref<10000x128xi32, #tpu.memory_space<hbm>> -> memref<10000x128xi32, #tpu.memory_space<hbm>>
        tpu.enqueue_indirect_dma source(%dma_start3A_104 : memref<10000x128xi32, #tpu.memory_space<hbm>>) target(%arg11 : memref<128x128xi32, #tpu.memory_space<vmem>>) offsets(%dma_start3A_101 : memref<128xi32, #tpu.memory_space<vmem>>) semaphore(%arg15 : memref<!tpu.dma_semaphore, #tpu.memory_space<semaphore_mem>>)
        %dma_start3A_105 = tpu.memref_slice %arg9[%multiple_of3A_100] : memref<2048xi32, #tpu.memory_space<vmem>> -> memref<128xi32, #tpu.memory_space<vmem>>
        %dma_start3A_106 = arith.constant 0 : i32
        %dma_start3A_107 = arith.constant 0 : i32
        %dma_start3A_108 = tpu.memref_slice %arg5[%dma_start3A_106, %dma_start3A_107] : memref<10000x128xi32, #tpu.memory_space<hbm>> -> memref<10000x128xi32, #tpu.memory_space<hbm>>
        tpu.enqueue_indirect_dma source(%dma_start3A_108 : memref<10000x128xi32, #tpu.memory_space<hbm>>) target(%arg13 : memref<128x128xi32, #tpu.memory_space<vmem>>) offsets(%dma_start3A_105 : memref<128xi32, #tpu.memory_space<vmem>>) semaphore(%arg15 : memref<!tpu.dma_semaphore, #tpu.memory_space<semaphore_mem>>)
      } else {
      }
      %dma_wait3A_54 = arith.constant 0 : i32
      %dma_wait3A_55 = arith.constant 0 : i32
      %dma_wait3A_56 = tpu.memref_slice %arg4[%dma_wait3A_54, %dma_wait3A_55] : memref<10000x128xi32, #tpu.memory_space<hbm>> -> memref<128x128xi32, #tpu.memory_space<hbm>>
      %dma_wait3A_57 = arith.constant 0 : i32
      %dma_wait3A_58 = arith.constant 0 : i32
      %dma_wait3A_59 = tpu.memref_slice %arg4[%dma_wait3A_57, %dma_wait3A_58] : memref<10000x128xi32, #tpu.memory_space<hbm>> -> memref<128x128xi32, #tpu.memory_space<hbm>>
      tpu.wait_dma2 semaphore(%arg15 : memref<!tpu.dma_semaphore, #tpu.memory_space<semaphore_mem>>) src(%dma_wait3A_59 : memref<128x128xi32, #tpu.memory_space<hbm>>) dst(%arg10 : memref<128x128xi32, #tpu.memory_space<vmem>>)
      %dma_wait3A_60 = arith.constant 0 : i32
      %dma_wait3A_61 = arith.constant 0 : i32
      %dma_wait3A_62 = tpu.memref_slice %arg5[%dma_wait3A_60, %dma_wait3A_61] : memref<10000x128xi32, #tpu.memory_space<hbm>> -> memref<128x128xi32, #tpu.memory_space<hbm>>
      %dma_wait3A_63 = arith.constant 0 : i32
      %dma_wait3A_64 = arith.constant 0 : i32
      %dma_wait3A_65 = tpu.memref_slice %arg5[%dma_wait3A_63, %dma_wait3A_64] : memref<10000x128xi32, #tpu.memory_space<hbm>> -> memref<128x128xi32, #tpu.memory_space<hbm>>
      tpu.wait_dma2 semaphore(%arg15 : memref<!tpu.dma_semaphore, #tpu.memory_space<semaphore_mem>>) src(%dma_wait3A_65 : memref<128x128xi32, #tpu.memory_space<hbm>>) dst(%arg12 : memref<128x128xi32, #tpu.memory_space<vmem>>)
      %add3A_66 = arith.addi %mul3A_2, %add3A_48 : i32
      %mul3A_67 = arith.constant 128 : i32
      %mul3A_68 = arith.muli %add3A_66, %mul3A_67 : i32
      %multiple_of3A_69 = tpu.assume_multiple %mul3A_68, 128 : i32
      "tpu.region"() ({
        %run_scoped3A = tpu.sem_alloc : memref<!tpu.dma_semaphore, #tpu.memory_space<semaphore_mem>>
        %dma_start3A_96 = arith.constant 0 : i32
        %dma_start3A_97 = tpu.memref_slice %arg6[%multiple_of3A_69, %dma_start3A_96] : memref<64000x128xi32, #tpu.memory_space<hbm>> -> memref<128x128xi32, #tpu.memory_space<hbm>>
        %dma_start3A_98 = arith.constant 0 : i32
        %dma_start3A_99 = tpu.memref_slice %arg6[%multiple_of3A_69, %dma_start3A_98] : memref<64000x128xi32, #tpu.memory_space<hbm>> -> memref<128x128xi32, #tpu.memory_space<hbm>>
        tpu.enqueue_dma source(%arg10 : memref<128x128xi32, #tpu.memory_space<vmem>>) target(%dma_start3A_99 : memref<128x128xi32, #tpu.memory_space<hbm>>) target_semaphore(%run_scoped3A : memref<!tpu.dma_semaphore, #tpu.memory_space<semaphore_mem>>)
        %dma_wait3A_100 = arith.constant 0 : i32
        %dma_wait3A_101 = tpu.memref_slice %arg6[%multiple_of3A_69, %dma_wait3A_100] : memref<64000x128xi32, #tpu.memory_space<hbm>> -> memref<128x128xi32, #tpu.memory_space<hbm>>
        %dma_wait3A_102 = arith.constant 0 : i32
        %dma_wait3A_103 = tpu.memref_slice %arg6[%multiple_of3A_69, %dma_wait3A_102] : memref<64000x128xi32, #tpu.memory_space<hbm>> -> memref<128x128xi32, #tpu.memory_space<hbm>>
        tpu.wait_dma2 semaphore(%run_scoped3A : memref<!tpu.dma_semaphore, #tpu.memory_space<semaphore_mem>>) src(%arg10 : memref<128x128xi32, #tpu.memory_space<vmem>>) dst(%dma_wait3A_103 : memref<128x128xi32, #tpu.memory_space<hbm>>)
        tpu.yield
      }) : () -> ()
      "tpu.region"() ({
        %run_scoped3A = tpu.sem_alloc : memref<!tpu.dma_semaphore, #tpu.memory_space<semaphore_mem>>
        %dma_start3A_96 = arith.constant 0 : i32
        %dma_start3A_97 = tpu.memref_slice %arg7[%multiple_of3A_69, %dma_start3A_96] : memref<64000x128xi32, #tpu.memory_space<hbm>> -> memref<128x128xi32, #tpu.memory_space<hbm>>
        %dma_start3A_98 = arith.constant 0 : i32
        %dma_start3A_99 = tpu.memref_slice %arg7[%multiple_of3A_69, %dma_start3A_98] : memref<64000x128xi32, #tpu.memory_space<hbm>> -> memref<128x128xi32, #tpu.memory_space<hbm>>
        tpu.enqueue_dma source(%arg12 : memref<128x128xi32, #tpu.memory_space<vmem>>) target(%dma_start3A_99 : memref<128x128xi32, #tpu.memory_space<hbm>>) target_semaphore(%run_scoped3A : memref<!tpu.dma_semaphore, #tpu.memory_space<semaphore_mem>>)
        %dma_wait3A_100 = arith.constant 0 : i32
        %dma_wait3A_101 = tpu.memref_slice %arg7[%multiple_of3A_69, %dma_wait3A_100] : memref<64000x128xi32, #tpu.memory_space<hbm>> -> memref<128x128xi32, #tpu.memory_space<hbm>>
        %dma_wait3A_102 = arith.constant 0 : i32
        %dma_wait3A_103 = tpu.memref_slice %arg7[%multiple_of3A_69, %dma_wait3A_102] : memref<64000x128xi32, #tpu.memory_space<hbm>> -> memref<128x128xi32, #tpu.memory_space<hbm>>
        tpu.wait_dma2 semaphore(%run_scoped3A : memref<!tpu.dma_semaphore, #tpu.memory_space<semaphore_mem>>) src(%arg12 : memref<128x128xi32, #tpu.memory_space<vmem>>) dst(%dma_wait3A_103 : memref<128x128xi32, #tpu.memory_space<hbm>>)
        tpu.yield
      }) : () -> ()
      %mul3A_70 = arith.constant 2 : i32
      %mul3A_71 = arith.muli %mul3A_70, %while3A_44 : i32
      %add3A_72 = arith.constant 1 : i32
      %add3A_73 = arith.addi %mul3A_71, %add3A_72 : i32
      %add3A_74 = arith.constant 1 : i32
      %add3A_75 = arith.addi %add3A_73, %add3A_74 : i32
      %lt3A_76 = arith.cmpi slt, %add3A_75, %min3A : i32
      %convert_element_type3A_77 = arith.extui %lt3A_76 : i1 to i32
      %cond3A_78 = arith.constant 0 : i32
      %cond3A_79 = arith.cmpi ne, %convert_element_type3A_77, %cond3A_78 : i32
      scf.if %cond3A_79 {
        %add3A_96 = arith.constant 1 : i32
        %add3A_97 = arith.addi %add3A_73, %add3A_96 : i32
        %mul3A_98 = arith.constant 128 : i32
        %mul3A_99 = arith.muli %add3A_97, %mul3A_98 : i32
        %multiple_of3A_100 = tpu.assume_multiple %mul3A_99, 128 : i32
        %dma_start3A_101 = tpu.memref_slice %arg8[%multiple_of3A_100] : memref<2048xi32, #tpu.memory_space<vmem>> -> memref<128xi32, #tpu.memory_space<vmem>>
        %dma_start3A_102 = arith.constant 0 : i32
        %dma_start3A_103 = arith.constant 0 : i32
        %dma_start3A_104 = tpu.memref_slice %arg4[%dma_start3A_102, %dma_start3A_103] : memref<10000x128xi32, #tpu.memory_space<hbm>> -> memref<10000x128xi32, #tpu.memory_space<hbm>>
        tpu.enqueue_indirect_dma source(%dma_start3A_104 : memref<10000x128xi32, #tpu.memory_space<hbm>>) target(%arg10 : memref<128x128xi32, #tpu.memory_space<vmem>>) offsets(%dma_start3A_101 : memref<128xi32, #tpu.memory_space<vmem>>) semaphore(%arg15 : memref<!tpu.dma_semaphore, #tpu.memory_space<semaphore_mem>>)
        %dma_start3A_105 = tpu.memref_slice %arg9[%multiple_of3A_100] : memref<2048xi32, #tpu.memory_space<vmem>> -> memref<128xi32, #tpu.memory_space<vmem>>
        %dma_start3A_106 = arith.constant 0 : i32
        %dma_start3A_107 = arith.constant 0 : i32
        %dma_start3A_108 = tpu.memref_slice %arg5[%dma_start3A_106, %dma_start3A_107] : memref<10000x128xi32, #tpu.memory_space<hbm>> -> memref<10000x128xi32, #tpu.memory_space<hbm>>
        tpu.enqueue_indirect_dma source(%dma_start3A_108 : memref<10000x128xi32, #tpu.memory_space<hbm>>) target(%arg12 : memref<128x128xi32, #tpu.memory_space<vmem>>) offsets(%dma_start3A_105 : memref<128xi32, #tpu.memory_space<vmem>>) semaphore(%arg15 : memref<!tpu.dma_semaphore, #tpu.memory_space<semaphore_mem>>)
      } else {
      }
      %dma_wait3A_80 = arith.constant 0 : i32
      %dma_wait3A_81 = arith.constant 0 : i32
      %dma_wait3A_82 = tpu.memref_slice %arg4[%dma_wait3A_80, %dma_wait3A_81] : memref<10000x128xi32, #tpu.memory_space<hbm>> -> memref<128x128xi32, #tpu.memory_space<hbm>>
      %dma_wait3A_83 = arith.constant 0 : i32
      %dma_wait3A_84 = arith.constant 0 : i32
      %dma_wait3A_85 = tpu.memref_slice %arg4[%dma_wait3A_83, %dma_wait3A_84] : memref<10000x128xi32, #tpu.memory_space<hbm>> -> memref<128x128xi32, #tpu.memory_space<hbm>>
      tpu.wait_dma2 semaphore(%arg15 : memref<!tpu.dma_semaphore, #tpu.memory_space<semaphore_mem>>) src(%dma_wait3A_85 : memref<128x128xi32, #tpu.memory_space<hbm>>) dst(%arg11 : memref<128x128xi32, #tpu.memory_space<vmem>>)
      %dma_wait3A_86 = arith.constant 0 : i32
      %dma_wait3A_87 = arith.constant 0 : i32
      %dma_wait3A_88 = tpu.memref_slice %arg5[%dma_wait3A_86, %dma_wait3A_87] : memref<10000x128xi32, #tpu.memory_space<hbm>> -> memref<128x128xi32, #tpu.memory_space<hbm>>
      %dma_wait3A_89 = arith.constant 0 : i32
      %dma_wait3A_90 = arith.constant 0 : i32
      %dma_wait3A_91 = tpu.memref_slice %arg5[%dma_wait3A_89, %dma_wait3A_90] : memref<10000x128xi32, #tpu.memory_space<hbm>> -> memref<128x128xi32, #tpu.memory_space<hbm>>
      tpu.wait_dma2 semaphore(%arg15 : memref<!tpu.dma_semaphore, #tpu.memory_space<semaphore_mem>>) src(%dma_wait3A_91 : memref<128x128xi32, #tpu.memory_space<hbm>>) dst(%arg13 : memref<128x128xi32, #tpu.memory_space<vmem>>)
      %add3A_92 = arith.addi %mul3A_2, %add3A_73 : i32
      %mul3A_93 = arith.constant 128 : i32
      %mul3A_94 = arith.muli %add3A_92, %mul3A_93 : i32
      %multiple_of3A_95 = tpu.assume_multiple %mul3A_94, 128 : i32
      "tpu.region"() ({
        %run_scoped3A = tpu.sem_alloc : memref<!tpu.dma_semaphore, #tpu.memory_space<semaphore_mem>>
        %dma_start3A_96 = arith.constant 0 : i32
        %dma_start3A_97 = tpu.memref_slice %arg6[%multiple_of3A_95, %dma_start3A_96] : memref<64000x128xi32, #tpu.memory_space<hbm>> -> memref<128x128xi32, #tpu.memory_space<hbm>>
        %dma_start3A_98 = arith.constant 0 : i32
        %dma_start3A_99 = tpu.memref_slice %arg6[%multiple_of3A_95, %dma_start3A_98] : memref<64000x128xi32, #tpu.memory_space<hbm>> -> memref<128x128xi32, #tpu.memory_space<hbm>>
        tpu.enqueue_dma source(%arg11 : memref<128x128xi32, #tpu.memory_space<vmem>>) target(%dma_start3A_99 : memref<128x128xi32, #tpu.memory_space<hbm>>) target_semaphore(%run_scoped3A : memref<!tpu.dma_semaphore, #tpu.memory_space<semaphore_mem>>)
        %dma_wait3A_100 = arith.constant 0 : i32
        %dma_wait3A_101 = tpu.memref_slice %arg6[%multiple_of3A_95, %dma_wait3A_100] : memref<64000x128xi32, #tpu.memory_space<hbm>> -> memref<128x128xi32, #tpu.memory_space<hbm>>
        %dma_wait3A_102 = arith.constant 0 : i32
        %dma_wait3A_103 = tpu.memref_slice %arg6[%multiple_of3A_95, %dma_wait3A_102] : memref<64000x128xi32, #tpu.memory_space<hbm>> -> memref<128x128xi32, #tpu.memory_space<hbm>>
        tpu.wait_dma2 semaphore(%run_scoped3A : memref<!tpu.dma_semaphore, #tpu.memory_space<semaphore_mem>>) src(%arg11 : memref<128x128xi32, #tpu.memory_space<vmem>>) dst(%dma_wait3A_103 : memref<128x128xi32, #tpu.memory_space<hbm>>)
        tpu.yield
      }) : () -> ()
      "tpu.region"() ({
        %run_scoped3A = tpu.sem_alloc : memref<!tpu.dma_semaphore, #tpu.memory_space<semaphore_mem>>
        %dma_start3A_96 = arith.constant 0 : i32
        %dma_start3A_97 = tpu.memref_slice %arg7[%multiple_of3A_95, %dma_start3A_96] : memref<64000x128xi32, #tpu.memory_space<hbm>> -> memref<128x128xi32, #tpu.memory_space<hbm>>
        %dma_start3A_98 = arith.constant 0 : i32
        %dma_start3A_99 = tpu.memref_slice %arg7[%multiple_of3A_95, %dma_start3A_98] : memref<64000x128xi32, #tpu.memory_space<hbm>> -> memref<128x128xi32, #tpu.memory_space<hbm>>
        tpu.enqueue_dma source(%arg13 : memref<128x128xi32, #tpu.memory_space<vmem>>) target(%dma_start3A_99 : memref<128x128xi32, #tpu.memory_space<hbm>>) target_semaphore(%run_scoped3A : memref<!tpu.dma_semaphore, #tpu.memory_space<semaphore_mem>>)
        %dma_wait3A_100 = arith.constant 0 : i32
        %dma_wait3A_101 = tpu.memref_slice %arg7[%multiple_of3A_95, %dma_wait3A_100] : memref<64000x128xi32, #tpu.memory_space<hbm>> -> memref<128x128xi32, #tpu.memory_space<hbm>>
        %dma_wait3A_102 = arith.constant 0 : i32
        %dma_wait3A_103 = tpu.memref_slice %arg7[%multiple_of3A_95, %dma_wait3A_102] : memref<64000x128xi32, #tpu.memory_space<hbm>> -> memref<128x128xi32, #tpu.memory_space<hbm>>
        tpu.wait_dma2 semaphore(%run_scoped3A : memref<!tpu.dma_semaphore, #tpu.memory_space<semaphore_mem>>) src(%arg13 : memref<128x128xi32, #tpu.memory_space<vmem>>) dst(%dma_wait3A_103 : memref<128x128xi32, #tpu.memory_space<hbm>>)
        tpu.yield
      }) : () -> ()
    }
    %while3A_43 = arith.constant 1 : i32
    scf.for %while3A_44 = %while3A_41 to %while3A_37 step %while3A_43  : i32 {
      %mul3A_45 = arith.constant 2 : i32
      %mul3A_46 = arith.muli %mul3A_45, %while3A_44 : i32
      %add3A_47 = arith.constant 0 : i32
      %add3A_48 = arith.addi %mul3A_46, %add3A_47 : i32
      %add3A_49 = arith.constant 1 : i32
      %add3A_50 = arith.addi %add3A_48, %add3A_49 : i32
      %lt3A = arith.cmpi slt, %add3A_50, %min3A : i32
      %convert_element_type3A_51 = arith.extui %lt3A : i1 to i32
      %cond3A_52 = arith.constant 0 : i32
      %cond3A_53 = arith.cmpi ne, %convert_element_type3A_51, %cond3A_52 : i32
      scf.if %cond3A_53 {
        %add3A_96 = arith.constant 1 : i32
        %add3A_97 = arith.addi %add3A_48, %add3A_96 : i32
        %mul3A_98 = arith.constant 128 : i32
        %mul3A_99 = arith.muli %add3A_97, %mul3A_98 : i32
        %multiple_of3A_100 = tpu.assume_multiple %mul3A_99, 128 : i32
        %dma_start3A_101 = tpu.memref_slice %arg8[%multiple_of3A_100] : memref<2048xi32, #tpu.memory_space<vmem>> -> memref<128xi32, #tpu.memory_space<vmem>>
        %dma_start3A_102 = arith.constant 0 : i32
        %dma_start3A_103 = arith.constant 0 : i32
        %dma_start3A_104 = tpu.memref_slice %arg4[%dma_start3A_102, %dma_start3A_103] : memref<10000x128xi32, #tpu.memory_space<hbm>> -> memref<10000x128xi32, #tpu.memory_space<hbm>>
        tpu.enqueue_indirect_dma source(%dma_start3A_104 : memref<10000x128xi32, #tpu.memory_space<hbm>>) target(%arg11 : memref<128x128xi32, #tpu.memory_space<vmem>>) offsets(%dma_start3A_101 : memref<128xi32, #tpu.memory_space<vmem>>) semaphore(%arg15 : memref<!tpu.dma_semaphore, #tpu.memory_space<semaphore_mem>>)
        %dma_start3A_105 = tpu.memref_slice %arg9[%multiple_of3A_100] : memref<2048xi32, #tpu.memory_space<vmem>> -> memref<128xi32, #tpu.memory_space<vmem>>
        %dma_start3A_106 = arith.constant 0 : i32
        %dma_start3A_107 = arith.constant 0 : i32
        %dma_start3A_108 = tpu.memref_slice %arg5[%dma_start3A_106, %dma_start3A_107] : memref<10000x128xi32, #tpu.memory_space<hbm>> -> memref<10000x128xi32, #tpu.memory_space<hbm>>
        tpu.enqueue_indirect_dma source(%dma_start3A_108 : memref<10000x128xi32, #tpu.memory_space<hbm>>) target(%arg13 : memref<128x128xi32, #tpu.memory_space<vmem>>) offsets(%dma_start3A_105 : memref<128xi32, #tpu.memory_space<vmem>>) semaphore(%arg15 : memref<!tpu.dma_semaphore, #tpu.memory_space<semaphore_mem>>)
      } else {
      }
      %dma_wait3A_54 = arith.constant 0 : i32
      %dma_wait3A_55 = arith.constant 0 : i32
      %dma_wait3A_56 = tpu.memref_slice %arg4[%dma_wait3A_54, %dma_wait3A_55] : memref<10000x128xi32, #tpu.memory_space<hbm>> -> memref<128x128xi32, #tpu.memory_space<hbm>>
      %dma_wait3A_57 = arith.constant 0 : i32
      %dma_wait3A_58 = arith.constant 0 : i32
      %dma_wait3A_59 = tpu.memref_slice %arg4[%dma_wait3A_57, %dma_wait3A_58] : memref<10000x128xi32, #tpu.memory_space<hbm>> -> memref<128x128xi32, #tpu.memory_space<hbm>>
      tpu.wait_dma2 semaphore(%arg15 : memref<!tpu.dma_semaphore, #tpu.memory_space<semaphore_mem>>) src(%dma_wait3A_59 : memref<128x128xi32, #tpu.memory_space<hbm>>) dst(%arg10 : memref<128x128xi32, #tpu.memory_space<vmem>>)
      %dma_wait3A_60 = arith.constant 0 : i32
      %dma_wait3A_61 = arith.constant 0 : i32
      %dma_wait3A_62 = tpu.memref_slice %arg5[%dma_wait3A_60, %dma_wait3A_61] : memref<10000x128xi32, #tpu.memory_space<hbm>> -> memref<128x128xi32, #tpu.memory_space<hbm>>
      %dma_wait3A_63 = arith.constant 0 : i32
      %dma_wait3A_64 = arith.constant 0 : i32
      %dma_wait3A_65 = tpu.memref_slice %arg5[%dma_wait3A_63, %dma_wait3A_64] : memref<10000x128xi32, #tpu.memory_space<hbm>> -> memref<128x128xi32, #tpu.memory_space<hbm>>
      tpu.wait_dma2 semaphore(%arg15 : memref<!tpu.dma_semaphore, #tpu.memory_space<semaphore_mem>>) src(%dma_wait3A_65 : memref<128x128xi32, #tpu.memory_space<hbm>>) dst(%arg12 : memref<128x128xi32, #tpu.memory_space<vmem>>)
      %add3A_66 = arith.addi %mul3A_2, %add3A_48 : i32
      %mul3A_67 = arith.constant 128 : i32
      %mul3A_68 = arith.muli %add3A_66, %mul3A_67 : i32
      %multiple_of3A_69 = tpu.assume_multiple %mul3A_68, 128 : i32
      "tpu.region"() ({
        %run_scoped3A = tpu.sem_alloc : memref<!tpu.dma_semaphore, #tpu.memory_space<semaphore_mem>>
        %dma_start3A_96 = arith.constant 0 : i32
        %dma_start3A_97 = tpu.memref_slice %arg6[%multiple_of3A_69, %dma_start3A_96] : memref<64000x128xi32, #tpu.memory_space<hbm>> -> memref<128x128xi32, #tpu.memory_space<hbm>>
        %dma_start3A_98 = arith.constant 0 : i32
        %dma_start3A_99 = tpu.memref_slice %arg6[%multiple_of3A_69, %dma_start3A_98] : memref<64000x128xi32, #tpu.memory_space<hbm>> -> memref<128x128xi32, #tpu.memory_space<hbm>>
        tpu.enqueue_dma source(%arg10 : memref<128x128xi32, #tpu.memory_space<vmem>>) target(%dma_start3A_99 : memref<128x128xi32, #tpu.memory_space<hbm>>) target_semaphore(%run_scoped3A : memref<!tpu.dma_semaphore, #tpu.memory_space<semaphore_mem>>)
        %dma_wait3A_100 = arith.constant 0 : i32
        %dma_wait3A_101 = tpu.memref_slice %arg6[%multiple_of3A_69, %dma_wait3A_100] : memref<64000x128xi32, #tpu.memory_space<hbm>> -> memref<128x128xi32, #tpu.memory_space<hbm>>
        %dma_wait3A_102 = arith.constant 0 : i32
        %dma_wait3A_103 = tpu.memref_slice %arg6[%multiple_of3A_69, %dma_wait3A_102] : memref<64000x128xi32, #tpu.memory_space<hbm>> -> memref<128x128xi32, #tpu.memory_space<hbm>>
        tpu.wait_dma2 semaphore(%run_scoped3A : memref<!tpu.dma_semaphore, #tpu.memory_space<semaphore_mem>>) src(%arg10 : memref<128x128xi32, #tpu.memory_space<vmem>>) dst(%dma_wait3A_103 : memref<128x128xi32, #tpu.memory_space<hbm>>)
        tpu.yield
      }) : () -> ()
      "tpu.region"() ({
        %run_scoped3A = tpu.sem_alloc : memref<!tpu.dma_semaphore, #tpu.memory_space<semaphore_mem>>
        %dma_start3A_96 = arith.constant 0 : i32
        %dma_start3A_97 = tpu.memref_slice %arg7[%multiple_of3A_69, %dma_start3A_96] : memref<64000x128xi32, #tpu.memory_space<hbm>> -> memref<128x128xi32, #tpu.memory_space<hbm>>
        %dma_start3A_98 = arith.constant 0 : i32
        %dma_start3A_99 = tpu.memref_slice %arg7[%multiple_of3A_69, %dma_start3A_98] : memref<64000x128xi32, #tpu.memory_space<hbm>> -> memref<128x128xi32, #tpu.memory_space<hbm>>
        tpu.enqueue_dma source(%arg12 : memref<128x128xi32, #tpu.memory_space<vmem>>) target(%dma_start3A_99 : memref<128x128xi32, #tpu.memory_space<hbm>>) target_semaphore(%run_scoped3A : memref<!tpu.dma_semaphore, #tpu.memory_space<semaphore_mem>>)
        %dma_wait3A_100 = arith.constant 0 : i32
        %dma_wait3A_101 = tpu.memref_slice %arg7[%multiple_of3A_69, %dma_wait3A_100] : memref<64000x128xi32, #tpu.memory_space<hbm>> -> memref<128x128xi32, #tpu.memory_space<hbm>>
        %dma_wait3A_102 = arith.constant 0 : i32
        %dma_wait3A_103 = tpu.memref_slice %arg7[%multiple_of3A_69, %dma_wait3A_102] : memref<64000x128xi32, #tpu.memory_space<hbm>> -> memref<128x128xi32, #tpu.memory_space<hbm>>
        tpu.wait_dma2 semaphore(%run_scoped3A : memref<!tpu.dma_semaphore, #tpu.memory_space<semaphore_mem>>) src(%arg12 : memref<128x128xi32, #tpu.memory_space<vmem>>) dst(%dma_wait3A_103 : memref<128x128xi32, #tpu.memory_space<hbm>>)
        tpu.yield
      }) : () -> ()
      %mul3A_70 = arith.constant 2 : i32
      %mul3A_71 = arith.muli %mul3A_70, %while3A_44 : i32
      %add3A_72 = arith.constant 1 : i32
      %add3A_73 = arith.addi %mul3A_71, %add3A_72 : i32
      %add3A_74 = arith.constant 1 : i32
      %add3A_75 = arith.addi %add3A_73, %add3A_74 : i32
      %lt3A_76 = arith.cmpi slt, %add3A_75, %min3A : i32
      %convert_element_type3A_77 = arith.extui %lt3A_76 : i1 to i32
      %cond3A_78 = arith.constant 0 : i32
      %cond3A_79 = arith.cmpi ne, %convert_element_type3A_77, %cond3A_78 : i32
      scf.if %cond3A_79 {
        %add3A_96 = arith.constant 1 : i32
        %add3A_97 = arith.addi %add3A_73, %add3A_96 : i32
        %mul3A_98 = arith.constant 128 : i32
        %mul3A_99 = arith.muli %add3A_97, %mul3A_98 : i32
        %multiple_of3A_100 = tpu.assume_multiple %mul3A_99, 128 : i32
        %dma_start3A_101 = tpu.memref_slice %arg8[%multiple_of3A_100] : memref<2048xi32, #tpu.memory_space<vmem>> -> memref<128xi32, #tpu.memory_space<vmem>>
        %dma_start3A_102 = arith.constant 0 : i32
        %dma_start3A_103 = arith.constant 0 : i32
        %dma_start3A_104 = tpu.memref_slice %arg4[%dma_start3A_102, %dma_start3A_103] : memref<10000x128xi32, #tpu.memory_space<hbm>> -> memref<10000x128xi32, #tpu.memory_space<hbm>>
        tpu.enqueue_indirect_dma source(%dma_start3A_104 : memref<10000x128xi32, #tpu.memory_space<hbm>>) target(%arg10 : memref<128x128xi32, #tpu.memory_space<vmem>>) offsets(%dma_start3A_101 : memref<128xi32, #tpu.memory_space<vmem>>) semaphore(%arg15 : memref<!tpu.dma_semaphore, #tpu.memory_space<semaphore_mem>>)
        %dma_start3A_105 = tpu.memref_slice %arg9[%multiple_of3A_100] : memref<2048xi32, #tpu.memory_space<vmem>> -> memref<128xi32, #tpu.memory_space<vmem>>
        %dma_start3A_106 = arith.constant 0 : i32
        %dma_start3A_107 = arith.constant 0 : i32
        %dma_start3A_108 = tpu.memref_slice %arg5[%dma_start3A_106, %dma_start3A_107] : memref<10000x128xi32, #tpu.memory_space<hbm>> -> memref<10000x128xi32, #tpu.memory_space<hbm>>
        tpu.enqueue_indirect_dma source(%dma_start3A_108 : memref<10000x128xi32, #tpu.memory_space<hbm>>) target(%arg12 : memref<128x128xi32, #tpu.memory_space<vmem>>) offsets(%dma_start3A_105 : memref<128xi32, #tpu.memory_space<vmem>>) semaphore(%arg15 : memref<!tpu.dma_semaphore, #tpu.memory_space<semaphore_mem>>)
      } else {
      }
      %dma_wait3A_80 = arith.constant 0 : i32
      %dma_wait3A_81 = arith.constant 0 : i32
      %dma_wait3A_82 = tpu.memref_slice %arg4[%dma_wait3A_80, %dma_wait3A_81] : memref<10000x128xi32, #tpu.memory_space<hbm>> -> memref<128x128xi32, #tpu.memory_space<hbm>>
      %dma_wait3A_83 = arith.constant 0 : i32
      %dma_wait3A_84 = arith.constant 0 : i32
      %dma_wait3A_85 = tpu.memref_slice %arg4[%dma_wait3A_83, %dma_wait3A_84] : memref<10000x128xi32, #tpu.memory_space<hbm>> -> memref<128x128xi32, #tpu.memory_space<hbm>>
      tpu.wait_dma2 semaphore(%arg15 : memref<!tpu.dma_semaphore, #tpu.memory_space<semaphore_mem>>) src(%dma_wait3A_85 : memref<128x128xi32, #tpu.memory_space<hbm>>) dst(%arg11 : memref<128x128xi32, #tpu.memory_space<vmem>>)
      %dma_wait3A_86 = arith.constant 0 : i32
      %dma_wait3A_87 = arith.constant 0 : i32
      %dma_wait3A_88 = tpu.memref_slice %arg5[%dma_wait3A_86, %dma_wait3A_87] : memref<10000x128xi32, #tpu.memory_space<hbm>> -> memref<128x128xi32, #tpu.memory_space<hbm>>
      %dma_wait3A_89 = arith.constant 0 : i32
      %dma_wait3A_90 = arith.constant 0 : i32
      %dma_wait3A_91 = tpu.memref_slice %arg5[%dma_wait3A_89, %dma_wait3A_90] : memref<10000x128xi32, #tpu.memory_space<hbm>> -> memref<128x128xi32, #tpu.memory_space<hbm>>
      tpu.wait_dma2 semaphore(%arg15 : memref<!tpu.dma_semaphore, #tpu.memory_space<semaphore_mem>>) src(%dma_wait3A_91 : memref<128x128xi32, #tpu.memory_space<hbm>>) dst(%arg13 : memref<128x128xi32, #tpu.memory_space<vmem>>)
      %add3A_92 = arith.addi %mul3A_2, %add3A_73 : i32
      %mul3A_93 = arith.constant 128 : i32
      %mul3A_94 = arith.muli %add3A_92, %mul3A_93 : i32
      %multiple_of3A_95 = tpu.assume_multiple %mul3A_94, 128 : i32
      "tpu.region"() ({
        %run_scoped3A = tpu.sem_alloc : memref<!tpu.dma_semaphore, #tpu.memory_space<semaphore_mem>>
        %dma_start3A_96 = arith.constant 0 : i32
        %dma_start3A_97 = tpu.memref_slice %arg6[%multiple_of3A_95, %dma_start3A_96] : memref<64000x128xi32, #tpu.memory_space<hbm>> -> memref<128x128xi32, #tpu.memory_space<hbm>>
        %dma_start3A_98 = arith.constant 0 : i32
        %dma_start3A_99 = tpu.memref_slice %arg6[%multiple_of3A_95, %dma_start3A_98] : memref<64000x128xi32, #tpu.memory_space<hbm>> -> memref<128x128xi32, #tpu.memory_space<hbm>>
        tpu.enqueue_dma source(%arg11 : memref<128x128xi32, #tpu.memory_space<vmem>>) target(%dma_start3A_99 : memref<128x128xi32, #tpu.memory_space<hbm>>) target_semaphore(%run_scoped3A : memref<!tpu.dma_semaphore, #tpu.memory_space<semaphore_mem>>)
        %dma_wait3A_100 = arith.constant 0 : i32
        %dma_wait3A_101 = tpu.memref_slice %arg6[%multiple_of3A_95, %dma_wait3A_100] : memref<64000x128xi32, #tpu.memory_space<hbm>> -> memref<128x128xi32, #tpu.memory_space<hbm>>
        %dma_wait3A_102 = arith.constant 0 : i32
        %dma_wait3A_103 = tpu.memref_slice %arg6[%multiple_of3A_95, %dma_wait3A_102] : memref<64000x128xi32, #tpu.memory_space<hbm>> -> memref<128x128xi32, #tpu.memory_space<hbm>>
        tpu.wait_dma2 semaphore(%run_scoped3A : memref<!tpu.dma_semaphore, #tpu.memory_space<semaphore_mem>>) src(%arg11 : memref<128x128xi32, #tpu.memory_space<vmem>>) dst(%dma_wait3A_103 : memref<128x128xi32, #tpu.memory_space<hbm>>)
        tpu.yield
      }) : () -> ()
      "tpu.region"() ({
        %run_scoped3A = tpu.sem_alloc : memref<!tpu.dma_semaphore, #tpu.memory_space<semaphore_mem>>
        %dma_start3A_96 = arith.constant 0 : i32
        %dma_start3A_97 = tpu.memref_slice %arg7[%multiple_of3A_95, %dma_start3A_96] : memref<64000x128xi32, #tpu.memory_space<hbm>> -> memref<128x128xi32, #tpu.memory_space<hbm>>
        %dma_start3A_98 = arith.constant 0 : i32
        %dma_start3A_99 = tpu.memref_slice %arg7[%multiple_of3A_95, %dma_start3A_98] : memref<64000x128xi32, #tpu.memory_space<hbm>> -> memref<128x128xi32, #tpu.memory_space<hbm>>
        tpu.enqueue_dma source(%arg13 : memref<128x128xi32, #tpu.memory_space<vmem>>) target(%dma_start3A_99 : memref<128x128xi32, #tpu.memory_space<hbm>>) target_semaphore(%run_scoped3A : memref<!tpu.dma_semaphore, #tpu.memory_space<semaphore_mem>>)
        %dma_wait3A_100 = arith.constant 0 : i32
        %dma_wait3A_101 = tpu.memref_slice %arg7[%multiple_of3A_95, %dma_wait3A_100] : memref<64000x128xi32, #tpu.memory_space<hbm>> -> memref<128x128xi32, #tpu.memory_space<hbm>>
        %dma_wait3A_102 = arith.constant 0 : i32
        %dma_wait3A_103 = tpu.memref_slice %arg7[%multiple_of3A_95, %dma_wait3A_102] : memref<64000x128xi32, #tpu.memory_space<hbm>> -> memref<128x128xi32, #tpu.memory_space<hbm>>
        tpu.wait_dma2 semaphore(%run_scoped3A : memref<!tpu.dma_semaphore, #tpu.memory_space<semaphore_mem>>) src(%arg13 : memref<128x128xi32, #tpu.memory_space<vmem>>) dst(%dma_wait3A_103 : memref<128x128xi32, #tpu.memory_space<hbm>>)
        tpu.yield
      }) : () -> ()
    }
    return
  }
}

#map = affine_map<(d0, d1) -> (0)>
#map1 = affine_map<(d0, d1) -> (0, 0)>
module attributes {stable_mosaic.version = 14 : i64} {
  func.func @gather(%arg0: i32, %arg1: i32, %arg2: memref<163840xi32, #tpu.memory_space<hbm>>, %arg3: memref<163840xi32, #tpu.memory_space<hbm>>, %arg4: memref<10000x128xi32, #tpu.memory_space<hbm>>, %arg5: memref<10000x128xi32, #tpu.memory_space<hbm>>, %arg6: memref<96000x128xi32, #tpu.memory_space<hbm>>, %arg7: memref<96000x128xi32, #tpu.memory_space<hbm>>, %arg8: memref<3072xi32, #tpu.memory_space<vmem>>, %arg9: memref<3072xi32, #tpu.memory_space<vmem>>, %arg10: memref<128x128xi32, #tpu.memory_space<vmem>>, %arg11: memref<128x128xi32, #tpu.memory_space<vmem>>, %arg12: memref<128x128xi32, #tpu.memory_space<vmem>>, %arg13: memref<128x128xi32, #tpu.memory_space<vmem>>, %arg14: memref<!tpu.dma_semaphore, #tpu.memory_space<semaphore_mem>>, %arg15: memref<!tpu.dma_semaphore, #tpu.memory_space<semaphore_mem>>) attributes {dimension_semantics = [#tpu.dimension_semantics<core_parallel>, #tpu.dimension_semantics<subcore_parallel>], iteration_bounds = array<i64: 2, 16>, scalar_prefetch = 0 : i64, scratch_operands = 8 : i64, tpu.core_type = #tpu.core_type<sc_vector_subcore>, window_params = [{transform_indices = #map}, {transform_indices = #map}, {transform_indices = #map1}, {transform_indices = #map1}, {transform_indices = #map1}, {transform_indices = #map1}]} {
    %mul3A = arith.constant 2 : i32
    %mul3A_0 = arith.muli %arg1, %mul3A : i32
    %add3A = arith.addi %mul3A_0, %arg0 : i32
    %mul3A_1 = arith.constant 24 : i32
    %mul3A_2 = arith.muli %add3A, %mul3A_1 : i32
    %sub3A = arith.constant 750 : i32
    %sub3A_3 = arith.subi %sub3A, %mul3A_2 : i32
    %jit3A = arith.constant 0 : i32
    %jit3A_4 = arith.constant 24 : i32
    %max3A = arith.maxsi %jit3A, %sub3A_3 : i32
    %min3A = arith.minsi %jit3A_4, %max3A : i32
    %add3A_5 = arith.constant 500 : i32
    %add3A_6 = arith.addi %add3A_5, %mul3A_2 : i32
    %mul3A_7 = arith.constant 128 : i32
    %mul3A_8 = arith.muli %add3A_6, %mul3A_7 : i32
    %multiple_of3A = tpu.assume_multiple %mul3A_8, 128 : i32
    %dma_start3A = tpu.memref_slice %arg2[%multiple_of3A] : memref<163840xi32, #tpu.memory_space<hbm>> -> memref<3072xi32, #tpu.memory_space<hbm>>
    %dma_start3A_9 = tpu.memref_slice %arg2[%multiple_of3A] : memref<163840xi32, #tpu.memory_space<hbm>> -> memref<3072xi32, #tpu.memory_space<hbm>>
    tpu.enqueue_dma source(%dma_start3A_9 : memref<3072xi32, #tpu.memory_space<hbm>>) target(%arg8 : memref<3072xi32, #tpu.memory_space<vmem>>) target_semaphore(%arg14 : memref<!tpu.dma_semaphore, #tpu.memory_space<semaphore_mem>>)
    %dma_start3A_10 = tpu.memref_slice %arg3[%multiple_of3A] : memref<163840xi32, #tpu.memory_space<hbm>> -> memref<3072xi32, #tpu.memory_space<hbm>>
    %dma_start3A_11 = tpu.memref_slice %arg3[%multiple_of3A] : memref<163840xi32, #tpu.memory_space<hbm>> -> memref<3072xi32, #tpu.memory_space<hbm>>
    tpu.enqueue_dma source(%dma_start3A_11 : memref<3072xi32, #tpu.memory_space<hbm>>) target(%arg9 : memref<3072xi32, #tpu.memory_space<vmem>>) target_semaphore(%arg14 : memref<!tpu.dma_semaphore, #tpu.memory_space<semaphore_mem>>)
    %dma_wait3A = tpu.memref_slice %arg2[%multiple_of3A] : memref<163840xi32, #tpu.memory_space<hbm>> -> memref<3072xi32, #tpu.memory_space<hbm>>
    %dma_wait3A_12 = tpu.memref_slice %arg2[%multiple_of3A] : memref<163840xi32, #tpu.memory_space<hbm>> -> memref<3072xi32, #tpu.memory_space<hbm>>
    tpu.wait_dma2 semaphore(%arg14 : memref<!tpu.dma_semaphore, #tpu.memory_space<semaphore_mem>>) src(%dma_wait3A_12 : memref<3072xi32, #tpu.memory_space<hbm>>) dst(%arg8 : memref<3072xi32, #tpu.memory_space<vmem>>)
    %dma_wait3A_13 = tpu.memref_slice %arg3[%multiple_of3A] : memref<163840xi32, #tpu.memory_space<hbm>> -> memref<3072xi32, #tpu.memory_space<hbm>>
    %dma_wait3A_14 = tpu.memref_slice %arg3[%multiple_of3A] : memref<163840xi32, #tpu.memory_space<hbm>> -> memref<3072xi32, #tpu.memory_space<hbm>>
    tpu.wait_dma2 semaphore(%arg14 : memref<!tpu.dma_semaphore, #tpu.memory_space<semaphore_mem>>) src(%dma_wait3A_14 : memref<3072xi32, #tpu.memory_space<hbm>>) dst(%arg9 : memref<3072xi32, #tpu.memory_space<vmem>>)
    %gt3A = arith.constant 0 : i32
    %gt3A_15 = arith.cmpi sgt, %min3A, %gt3A : i32
    %convert_element_type3A = arith.extui %gt3A_15 : i1 to i32
    %cond3A = arith.constant 0 : i32
    %cond3A_16 = arith.cmpi ne, %convert_element_type3A, %cond3A : i32
    scf.if %cond3A_16 {
      %multiple_of3A_44 = arith.constant 0 : i32
      %multiple_of3A_45 = tpu.assume_multiple %multiple_of3A_44, 128 : i32
      %dma_start3A_46 = tpu.memref_slice %arg8[%multiple_of3A_45] : memref<3072xi32, #tpu.memory_space<vmem>> -> memref<128xi32, #tpu.memory_space<vmem>>
      %dma_start3A_47 = arith.constant 0 : i32
      %dma_start3A_48 = arith.constant 0 : i32
      %dma_start3A_49 = tpu.memref_slice %arg4[%dma_start3A_47, %dma_start3A_48] : memref<10000x128xi32, #tpu.memory_space<hbm>> -> memref<10000x128xi32, #tpu.memory_space<hbm>>
      tpu.enqueue_indirect_dma source(%dma_start3A_49 : memref<10000x128xi32, #tpu.memory_space<hbm>>) target(%arg10 : memref<128x128xi32, #tpu.memory_space<vmem>>) offsets(%dma_start3A_46 : memref<128xi32, #tpu.memory_space<vmem>>) semaphore(%arg15 : memref<!tpu.dma_semaphore, #tpu.memory_space<semaphore_mem>>)
      %dma_start3A_50 = tpu.memref_slice %arg9[%multiple_of3A_45] : memref<3072xi32, #tpu.memory_space<vmem>> -> memref<128xi32, #tpu.memory_space<vmem>>
      %dma_start3A_51 = arith.constant 0 : i32
      %dma_start3A_52 = arith.constant 0 : i32
      %dma_start3A_53 = tpu.memref_slice %arg5[%dma_start3A_51, %dma_start3A_52] : memref<10000x128xi32, #tpu.memory_space<hbm>> -> memref<10000x128xi32, #tpu.memory_space<hbm>>
      tpu.enqueue_indirect_dma source(%dma_start3A_53 : memref<10000x128xi32, #tpu.memory_space<hbm>>) target(%arg12 : memref<128x128xi32, #tpu.memory_space<vmem>>) offsets(%dma_start3A_50 : memref<128xi32, #tpu.memory_space<vmem>>) semaphore(%arg15 : memref<!tpu.dma_semaphore, #tpu.memory_space<semaphore_mem>>)
    } else {
    }
    %jit3A_17 = arith.constant 2 : i32
    %div3A = arith.divsi %min3A, %jit3A_17 : i32
    %sign3A = arith.constant 0 : i32
    %sign3A_18 = arith.cmpi sgt, %min3A, %sign3A : i32
    %sign3A_19 = arith.extui %sign3A_18 : i1 to i32
    %sign3A_20 = arith.constant 0 : i32
    %sign3A_21 = arith.cmpi slt, %min3A, %sign3A_20 : i32
    %sign3A_22 = arith.extui %sign3A_21 : i1 to i32
    %sign3A_23 = arith.subi %sign3A_19, %sign3A_22 : i32
    %sign3A_24 = arith.constant 0 : i32
    %sign3A_25 = arith.cmpi sgt, %jit3A_17, %sign3A_24 : i32
    %sign3A_26 = arith.extui %sign3A_25 : i1 to i32
    %sign3A_27 = arith.constant 0 : i32
    %sign3A_28 = arith.cmpi slt, %jit3A_17, %sign3A_27 : i32
    %sign3A_29 = arith.extui %sign3A_28 : i1 to i32
    %sign3A_30 = arith.subi %sign3A_26, %sign3A_29 : i32
    %ne3A = arith.cmpi ne, %sign3A_23, %sign3A_30 : i32
    %rem3A = arith.remsi %min3A, %jit3A_17 : i32
    %ne3A_31 = arith.constant 0 : i32
    %ne3A_32 = arith.cmpi ne, %rem3A, %ne3A_31 : i32
    %and3A = arith.andi %ne3A, %ne3A_32 : i1
    %sub3A_33 = arith.constant 1 : i32
    %sub3A_34 = arith.subi %div3A, %sub3A_33 : i32
    %select_n3A = arith.select %and3A, %sub3A_34, %div3A : i32
    %while3A = arith.constant 0 : i32
    %while3A_35 = arith.constant 0 : i32
    %while3A_36 = arith.subi %select_n3A, %while3A_35 : i32
    %while3A_37 = arith.addi %while3A_35, %while3A_36 : i32
    %while3A_38 = arith.constant 1 : i32
    %while3A_39 = arith.divsi %while3A_36, %while3A_38 : i32
    %while3A_40 = arith.muli %while3A_39, %while3A_38 : i32
    %while3A_41 = arith.addi %while3A_35, %while3A_40 : i32
    %while3A_42 = arith.constant 1 : i32
    scf.for %while3A_44 = %while3A_35 to %while3A_41 step %while3A_42  : i32 {
      %mul3A_45 = arith.constant 2 : i32
      %mul3A_46 = arith.muli %mul3A_45, %while3A_44 : i32
      %add3A_47 = arith.constant 0 : i32
      %add3A_48 = arith.addi %mul3A_46, %add3A_47 : i32
      %add3A_49 = arith.constant 1 : i32
      %add3A_50 = arith.addi %add3A_48, %add3A_49 : i32
      %lt3A = arith.cmpi slt, %add3A_50, %min3A : i32
      %convert_element_type3A_51 = arith.extui %lt3A : i1 to i32
      %cond3A_52 = arith.constant 0 : i32
      %cond3A_53 = arith.cmpi ne, %convert_element_type3A_51, %cond3A_52 : i32
      scf.if %cond3A_53 {
        %add3A_96 = arith.constant 1 : i32
        %add3A_97 = arith.addi %add3A_48, %add3A_96 : i32
        %mul3A_98 = arith.constant 128 : i32
        %mul3A_99 = arith.muli %add3A_97, %mul3A_98 : i32
        %multiple_of3A_100 = tpu.assume_multiple %mul3A_99, 128 : i32
        %dma_start3A_101 = tpu.memref_slice %arg8[%multiple_of3A_100] : memref<3072xi32, #tpu.memory_space<vmem>> -> memref<128xi32, #tpu.memory_space<vmem>>
        %dma_start3A_102 = arith.constant 0 : i32
        %dma_start3A_103 = arith.constant 0 : i32
        %dma_start3A_104 = tpu.memref_slice %arg4[%dma_start3A_102, %dma_start3A_103] : memref<10000x128xi32, #tpu.memory_space<hbm>> -> memref<10000x128xi32, #tpu.memory_space<hbm>>
        tpu.enqueue_indirect_dma source(%dma_start3A_104 : memref<10000x128xi32, #tpu.memory_space<hbm>>) target(%arg11 : memref<128x128xi32, #tpu.memory_space<vmem>>) offsets(%dma_start3A_101 : memref<128xi32, #tpu.memory_space<vmem>>) semaphore(%arg15 : memref<!tpu.dma_semaphore, #tpu.memory_space<semaphore_mem>>)
        %dma_start3A_105 = tpu.memref_slice %arg9[%multiple_of3A_100] : memref<3072xi32, #tpu.memory_space<vmem>> -> memref<128xi32, #tpu.memory_space<vmem>>
        %dma_start3A_106 = arith.constant 0 : i32
        %dma_start3A_107 = arith.constant 0 : i32
        %dma_start3A_108 = tpu.memref_slice %arg5[%dma_start3A_106, %dma_start3A_107] : memref<10000x128xi32, #tpu.memory_space<hbm>> -> memref<10000x128xi32, #tpu.memory_space<hbm>>
        tpu.enqueue_indirect_dma source(%dma_start3A_108 : memref<10000x128xi32, #tpu.memory_space<hbm>>) target(%arg13 : memref<128x128xi32, #tpu.memory_space<vmem>>) offsets(%dma_start3A_105 : memref<128xi32, #tpu.memory_space<vmem>>) semaphore(%arg15 : memref<!tpu.dma_semaphore, #tpu.memory_space<semaphore_mem>>)
      } else {
      }
      %dma_wait3A_54 = arith.constant 0 : i32
      %dma_wait3A_55 = arith.constant 0 : i32
      %dma_wait3A_56 = tpu.memref_slice %arg4[%dma_wait3A_54, %dma_wait3A_55] : memref<10000x128xi32, #tpu.memory_space<hbm>> -> memref<128x128xi32, #tpu.memory_space<hbm>>
      %dma_wait3A_57 = arith.constant 0 : i32
      %dma_wait3A_58 = arith.constant 0 : i32
      %dma_wait3A_59 = tpu.memref_slice %arg4[%dma_wait3A_57, %dma_wait3A_58] : memref<10000x128xi32, #tpu.memory_space<hbm>> -> memref<128x128xi32, #tpu.memory_space<hbm>>
      tpu.wait_dma2 semaphore(%arg15 : memref<!tpu.dma_semaphore, #tpu.memory_space<semaphore_mem>>) src(%dma_wait3A_59 : memref<128x128xi32, #tpu.memory_space<hbm>>) dst(%arg10 : memref<128x128xi32, #tpu.memory_space<vmem>>)
      %dma_wait3A_60 = arith.constant 0 : i32
      %dma_wait3A_61 = arith.constant 0 : i32
      %dma_wait3A_62 = tpu.memref_slice %arg5[%dma_wait3A_60, %dma_wait3A_61] : memref<10000x128xi32, #tpu.memory_space<hbm>> -> memref<128x128xi32, #tpu.memory_space<hbm>>
      %dma_wait3A_63 = arith.constant 0 : i32
      %dma_wait3A_64 = arith.constant 0 : i32
      %dma_wait3A_65 = tpu.memref_slice %arg5[%dma_wait3A_63, %dma_wait3A_64] : memref<10000x128xi32, #tpu.memory_space<hbm>> -> memref<128x128xi32, #tpu.memory_space<hbm>>
      tpu.wait_dma2 semaphore(%arg15 : memref<!tpu.dma_semaphore, #tpu.memory_space<semaphore_mem>>) src(%dma_wait3A_65 : memref<128x128xi32, #tpu.memory_space<hbm>>) dst(%arg12 : memref<128x128xi32, #tpu.memory_space<vmem>>)
      %add3A_66 = arith.addi %mul3A_2, %add3A_48 : i32
      %mul3A_67 = arith.constant 128 : i32
      %mul3A_68 = arith.muli %add3A_66, %mul3A_67 : i32
      %multiple_of3A_69 = tpu.assume_multiple %mul3A_68, 128 : i32
      "tpu.region"() ({
        %run_scoped3A = tpu.sem_alloc : memref<!tpu.dma_semaphore, #tpu.memory_space<semaphore_mem>>
        %dma_start3A_96 = arith.constant 0 : i32
        %dma_start3A_97 = tpu.memref_slice %arg6[%multiple_of3A_69, %dma_start3A_96] : memref<96000x128xi32, #tpu.memory_space<hbm>> -> memref<128x128xi32, #tpu.memory_space<hbm>>
        %dma_start3A_98 = arith.constant 0 : i32
        %dma_start3A_99 = tpu.memref_slice %arg6[%multiple_of3A_69, %dma_start3A_98] : memref<96000x128xi32, #tpu.memory_space<hbm>> -> memref<128x128xi32, #tpu.memory_space<hbm>>
        tpu.enqueue_dma source(%arg10 : memref<128x128xi32, #tpu.memory_space<vmem>>) target(%dma_start3A_99 : memref<128x128xi32, #tpu.memory_space<hbm>>) target_semaphore(%run_scoped3A : memref<!tpu.dma_semaphore, #tpu.memory_space<semaphore_mem>>)
        %dma_wait3A_100 = arith.constant 0 : i32
        %dma_wait3A_101 = tpu.memref_slice %arg6[%multiple_of3A_69, %dma_wait3A_100] : memref<96000x128xi32, #tpu.memory_space<hbm>> -> memref<128x128xi32, #tpu.memory_space<hbm>>
        %dma_wait3A_102 = arith.constant 0 : i32
        %dma_wait3A_103 = tpu.memref_slice %arg6[%multiple_of3A_69, %dma_wait3A_102] : memref<96000x128xi32, #tpu.memory_space<hbm>> -> memref<128x128xi32, #tpu.memory_space<hbm>>
        tpu.wait_dma2 semaphore(%run_scoped3A : memref<!tpu.dma_semaphore, #tpu.memory_space<semaphore_mem>>) src(%arg10 : memref<128x128xi32, #tpu.memory_space<vmem>>) dst(%dma_wait3A_103 : memref<128x128xi32, #tpu.memory_space<hbm>>)
        tpu.yield
      }) : () -> ()
      "tpu.region"() ({
        %run_scoped3A = tpu.sem_alloc : memref<!tpu.dma_semaphore, #tpu.memory_space<semaphore_mem>>
        %dma_start3A_96 = arith.constant 0 : i32
        %dma_start3A_97 = tpu.memref_slice %arg7[%multiple_of3A_69, %dma_start3A_96] : memref<96000x128xi32, #tpu.memory_space<hbm>> -> memref<128x128xi32, #tpu.memory_space<hbm>>
        %dma_start3A_98 = arith.constant 0 : i32
        %dma_start3A_99 = tpu.memref_slice %arg7[%multiple_of3A_69, %dma_start3A_98] : memref<96000x128xi32, #tpu.memory_space<hbm>> -> memref<128x128xi32, #tpu.memory_space<hbm>>
        tpu.enqueue_dma source(%arg12 : memref<128x128xi32, #tpu.memory_space<vmem>>) target(%dma_start3A_99 : memref<128x128xi32, #tpu.memory_space<hbm>>) target_semaphore(%run_scoped3A : memref<!tpu.dma_semaphore, #tpu.memory_space<semaphore_mem>>)
        %dma_wait3A_100 = arith.constant 0 : i32
        %dma_wait3A_101 = tpu.memref_slice %arg7[%multiple_of3A_69, %dma_wait3A_100] : memref<96000x128xi32, #tpu.memory_space<hbm>> -> memref<128x128xi32, #tpu.memory_space<hbm>>
        %dma_wait3A_102 = arith.constant 0 : i32
        %dma_wait3A_103 = tpu.memref_slice %arg7[%multiple_of3A_69, %dma_wait3A_102] : memref<96000x128xi32, #tpu.memory_space<hbm>> -> memref<128x128xi32, #tpu.memory_space<hbm>>
        tpu.wait_dma2 semaphore(%run_scoped3A : memref<!tpu.dma_semaphore, #tpu.memory_space<semaphore_mem>>) src(%arg12 : memref<128x128xi32, #tpu.memory_space<vmem>>) dst(%dma_wait3A_103 : memref<128x128xi32, #tpu.memory_space<hbm>>)
        tpu.yield
      }) : () -> ()
      %mul3A_70 = arith.constant 2 : i32
      %mul3A_71 = arith.muli %mul3A_70, %while3A_44 : i32
      %add3A_72 = arith.constant 1 : i32
      %add3A_73 = arith.addi %mul3A_71, %add3A_72 : i32
      %add3A_74 = arith.constant 1 : i32
      %add3A_75 = arith.addi %add3A_73, %add3A_74 : i32
      %lt3A_76 = arith.cmpi slt, %add3A_75, %min3A : i32
      %convert_element_type3A_77 = arith.extui %lt3A_76 : i1 to i32
      %cond3A_78 = arith.constant 0 : i32
      %cond3A_79 = arith.cmpi ne, %convert_element_type3A_77, %cond3A_78 : i32
      scf.if %cond3A_79 {
        %add3A_96 = arith.constant 1 : i32
        %add3A_97 = arith.addi %add3A_73, %add3A_96 : i32
        %mul3A_98 = arith.constant 128 : i32
        %mul3A_99 = arith.muli %add3A_97, %mul3A_98 : i32
        %multiple_of3A_100 = tpu.assume_multiple %mul3A_99, 128 : i32
        %dma_start3A_101 = tpu.memref_slice %arg8[%multiple_of3A_100] : memref<3072xi32, #tpu.memory_space<vmem>> -> memref<128xi32, #tpu.memory_space<vmem>>
        %dma_start3A_102 = arith.constant 0 : i32
        %dma_start3A_103 = arith.constant 0 : i32
        %dma_start3A_104 = tpu.memref_slice %arg4[%dma_start3A_102, %dma_start3A_103] : memref<10000x128xi32, #tpu.memory_space<hbm>> -> memref<10000x128xi32, #tpu.memory_space<hbm>>
        tpu.enqueue_indirect_dma source(%dma_start3A_104 : memref<10000x128xi32, #tpu.memory_space<hbm>>) target(%arg10 : memref<128x128xi32, #tpu.memory_space<vmem>>) offsets(%dma_start3A_101 : memref<128xi32, #tpu.memory_space<vmem>>) semaphore(%arg15 : memref<!tpu.dma_semaphore, #tpu.memory_space<semaphore_mem>>)
        %dma_start3A_105 = tpu.memref_slice %arg9[%multiple_of3A_100] : memref<3072xi32, #tpu.memory_space<vmem>> -> memref<128xi32, #tpu.memory_space<vmem>>
        %dma_start3A_106 = arith.constant 0 : i32
        %dma_start3A_107 = arith.constant 0 : i32
        %dma_start3A_108 = tpu.memref_slice %arg5[%dma_start3A_106, %dma_start3A_107] : memref<10000x128xi32, #tpu.memory_space<hbm>> -> memref<10000x128xi32, #tpu.memory_space<hbm>>
        tpu.enqueue_indirect_dma source(%dma_start3A_108 : memref<10000x128xi32, #tpu.memory_space<hbm>>) target(%arg12 : memref<128x128xi32, #tpu.memory_space<vmem>>) offsets(%dma_start3A_105 : memref<128xi32, #tpu.memory_space<vmem>>) semaphore(%arg15 : memref<!tpu.dma_semaphore, #tpu.memory_space<semaphore_mem>>)
      } else {
      }
      %dma_wait3A_80 = arith.constant 0 : i32
      %dma_wait3A_81 = arith.constant 0 : i32
      %dma_wait3A_82 = tpu.memref_slice %arg4[%dma_wait3A_80, %dma_wait3A_81] : memref<10000x128xi32, #tpu.memory_space<hbm>> -> memref<128x128xi32, #tpu.memory_space<hbm>>
      %dma_wait3A_83 = arith.constant 0 : i32
      %dma_wait3A_84 = arith.constant 0 : i32
      %dma_wait3A_85 = tpu.memref_slice %arg4[%dma_wait3A_83, %dma_wait3A_84] : memref<10000x128xi32, #tpu.memory_space<hbm>> -> memref<128x128xi32, #tpu.memory_space<hbm>>
      tpu.wait_dma2 semaphore(%arg15 : memref<!tpu.dma_semaphore, #tpu.memory_space<semaphore_mem>>) src(%dma_wait3A_85 : memref<128x128xi32, #tpu.memory_space<hbm>>) dst(%arg11 : memref<128x128xi32, #tpu.memory_space<vmem>>)
      %dma_wait3A_86 = arith.constant 0 : i32
      %dma_wait3A_87 = arith.constant 0 : i32
      %dma_wait3A_88 = tpu.memref_slice %arg5[%dma_wait3A_86, %dma_wait3A_87] : memref<10000x128xi32, #tpu.memory_space<hbm>> -> memref<128x128xi32, #tpu.memory_space<hbm>>
      %dma_wait3A_89 = arith.constant 0 : i32
      %dma_wait3A_90 = arith.constant 0 : i32
      %dma_wait3A_91 = tpu.memref_slice %arg5[%dma_wait3A_89, %dma_wait3A_90] : memref<10000x128xi32, #tpu.memory_space<hbm>> -> memref<128x128xi32, #tpu.memory_space<hbm>>
      tpu.wait_dma2 semaphore(%arg15 : memref<!tpu.dma_semaphore, #tpu.memory_space<semaphore_mem>>) src(%dma_wait3A_91 : memref<128x128xi32, #tpu.memory_space<hbm>>) dst(%arg13 : memref<128x128xi32, #tpu.memory_space<vmem>>)
      %add3A_92 = arith.addi %mul3A_2, %add3A_73 : i32
      %mul3A_93 = arith.constant 128 : i32
      %mul3A_94 = arith.muli %add3A_92, %mul3A_93 : i32
      %multiple_of3A_95 = tpu.assume_multiple %mul3A_94, 128 : i32
      "tpu.region"() ({
        %run_scoped3A = tpu.sem_alloc : memref<!tpu.dma_semaphore, #tpu.memory_space<semaphore_mem>>
        %dma_start3A_96 = arith.constant 0 : i32
        %dma_start3A_97 = tpu.memref_slice %arg6[%multiple_of3A_95, %dma_start3A_96] : memref<96000x128xi32, #tpu.memory_space<hbm>> -> memref<128x128xi32, #tpu.memory_space<hbm>>
        %dma_start3A_98 = arith.constant 0 : i32
        %dma_start3A_99 = tpu.memref_slice %arg6[%multiple_of3A_95, %dma_start3A_98] : memref<96000x128xi32, #tpu.memory_space<hbm>> -> memref<128x128xi32, #tpu.memory_space<hbm>>
        tpu.enqueue_dma source(%arg11 : memref<128x128xi32, #tpu.memory_space<vmem>>) target(%dma_start3A_99 : memref<128x128xi32, #tpu.memory_space<hbm>>) target_semaphore(%run_scoped3A : memref<!tpu.dma_semaphore, #tpu.memory_space<semaphore_mem>>)
        %dma_wait3A_100 = arith.constant 0 : i32
        %dma_wait3A_101 = tpu.memref_slice %arg6[%multiple_of3A_95, %dma_wait3A_100] : memref<96000x128xi32, #tpu.memory_space<hbm>> -> memref<128x128xi32, #tpu.memory_space<hbm>>
        %dma_wait3A_102 = arith.constant 0 : i32
        %dma_wait3A_103 = tpu.memref_slice %arg6[%multiple_of3A_95, %dma_wait3A_102] : memref<96000x128xi32, #tpu.memory_space<hbm>> -> memref<128x128xi32, #tpu.memory_space<hbm>>
        tpu.wait_dma2 semaphore(%run_scoped3A : memref<!tpu.dma_semaphore, #tpu.memory_space<semaphore_mem>>) src(%arg11 : memref<128x128xi32, #tpu.memory_space<vmem>>) dst(%dma_wait3A_103 : memref<128x128xi32, #tpu.memory_space<hbm>>)
        tpu.yield
      }) : () -> ()
      "tpu.region"() ({
        %run_scoped3A = tpu.sem_alloc : memref<!tpu.dma_semaphore, #tpu.memory_space<semaphore_mem>>
        %dma_start3A_96 = arith.constant 0 : i32
        %dma_start3A_97 = tpu.memref_slice %arg7[%multiple_of3A_95, %dma_start3A_96] : memref<96000x128xi32, #tpu.memory_space<hbm>> -> memref<128x128xi32, #tpu.memory_space<hbm>>
        %dma_start3A_98 = arith.constant 0 : i32
        %dma_start3A_99 = tpu.memref_slice %arg7[%multiple_of3A_95, %dma_start3A_98] : memref<96000x128xi32, #tpu.memory_space<hbm>> -> memref<128x128xi32, #tpu.memory_space<hbm>>
        tpu.enqueue_dma source(%arg13 : memref<128x128xi32, #tpu.memory_space<vmem>>) target(%dma_start3A_99 : memref<128x128xi32, #tpu.memory_space<hbm>>) target_semaphore(%run_scoped3A : memref<!tpu.dma_semaphore, #tpu.memory_space<semaphore_mem>>)
        %dma_wait3A_100 = arith.constant 0 : i32
        %dma_wait3A_101 = tpu.memref_slice %arg7[%multiple_of3A_95, %dma_wait3A_100] : memref<96000x128xi32, #tpu.memory_space<hbm>> -> memref<128x128xi32, #tpu.memory_space<hbm>>
        %dma_wait3A_102 = arith.constant 0 : i32
        %dma_wait3A_103 = tpu.memref_slice %arg7[%multiple_of3A_95, %dma_wait3A_102] : memref<96000x128xi32, #tpu.memory_space<hbm>> -> memref<128x128xi32, #tpu.memory_space<hbm>>
        tpu.wait_dma2 semaphore(%run_scoped3A : memref<!tpu.dma_semaphore, #tpu.memory_space<semaphore_mem>>) src(%arg13 : memref<128x128xi32, #tpu.memory_space<vmem>>) dst(%dma_wait3A_103 : memref<128x128xi32, #tpu.memory_space<hbm>>)
        tpu.yield
      }) : () -> ()
    }
    %while3A_43 = arith.constant 1 : i32
    scf.for %while3A_44 = %while3A_41 to %while3A_37 step %while3A_43  : i32 {
      %mul3A_45 = arith.constant 2 : i32
      %mul3A_46 = arith.muli %mul3A_45, %while3A_44 : i32
      %add3A_47 = arith.constant 0 : i32
      %add3A_48 = arith.addi %mul3A_46, %add3A_47 : i32
      %add3A_49 = arith.constant 1 : i32
      %add3A_50 = arith.addi %add3A_48, %add3A_49 : i32
      %lt3A = arith.cmpi slt, %add3A_50, %min3A : i32
      %convert_element_type3A_51 = arith.extui %lt3A : i1 to i32
      %cond3A_52 = arith.constant 0 : i32
      %cond3A_53 = arith.cmpi ne, %convert_element_type3A_51, %cond3A_52 : i32
      scf.if %cond3A_53 {
        %add3A_96 = arith.constant 1 : i32
        %add3A_97 = arith.addi %add3A_48, %add3A_96 : i32
        %mul3A_98 = arith.constant 128 : i32
        %mul3A_99 = arith.muli %add3A_97, %mul3A_98 : i32
        %multiple_of3A_100 = tpu.assume_multiple %mul3A_99, 128 : i32
        %dma_start3A_101 = tpu.memref_slice %arg8[%multiple_of3A_100] : memref<3072xi32, #tpu.memory_space<vmem>> -> memref<128xi32, #tpu.memory_space<vmem>>
        %dma_start3A_102 = arith.constant 0 : i32
        %dma_start3A_103 = arith.constant 0 : i32
        %dma_start3A_104 = tpu.memref_slice %arg4[%dma_start3A_102, %dma_start3A_103] : memref<10000x128xi32, #tpu.memory_space<hbm>> -> memref<10000x128xi32, #tpu.memory_space<hbm>>
        tpu.enqueue_indirect_dma source(%dma_start3A_104 : memref<10000x128xi32, #tpu.memory_space<hbm>>) target(%arg11 : memref<128x128xi32, #tpu.memory_space<vmem>>) offsets(%dma_start3A_101 : memref<128xi32, #tpu.memory_space<vmem>>) semaphore(%arg15 : memref<!tpu.dma_semaphore, #tpu.memory_space<semaphore_mem>>)
        %dma_start3A_105 = tpu.memref_slice %arg9[%multiple_of3A_100] : memref<3072xi32, #tpu.memory_space<vmem>> -> memref<128xi32, #tpu.memory_space<vmem>>
        %dma_start3A_106 = arith.constant 0 : i32
        %dma_start3A_107 = arith.constant 0 : i32
        %dma_start3A_108 = tpu.memref_slice %arg5[%dma_start3A_106, %dma_start3A_107] : memref<10000x128xi32, #tpu.memory_space<hbm>> -> memref<10000x128xi32, #tpu.memory_space<hbm>>
        tpu.enqueue_indirect_dma source(%dma_start3A_108 : memref<10000x128xi32, #tpu.memory_space<hbm>>) target(%arg13 : memref<128x128xi32, #tpu.memory_space<vmem>>) offsets(%dma_start3A_105 : memref<128xi32, #tpu.memory_space<vmem>>) semaphore(%arg15 : memref<!tpu.dma_semaphore, #tpu.memory_space<semaphore_mem>>)
      } else {
      }
      %dma_wait3A_54 = arith.constant 0 : i32
      %dma_wait3A_55 = arith.constant 0 : i32
      %dma_wait3A_56 = tpu.memref_slice %arg4[%dma_wait3A_54, %dma_wait3A_55] : memref<10000x128xi32, #tpu.memory_space<hbm>> -> memref<128x128xi32, #tpu.memory_space<hbm>>
      %dma_wait3A_57 = arith.constant 0 : i32
      %dma_wait3A_58 = arith.constant 0 : i32
      %dma_wait3A_59 = tpu.memref_slice %arg4[%dma_wait3A_57, %dma_wait3A_58] : memref<10000x128xi32, #tpu.memory_space<hbm>> -> memref<128x128xi32, #tpu.memory_space<hbm>>
      tpu.wait_dma2 semaphore(%arg15 : memref<!tpu.dma_semaphore, #tpu.memory_space<semaphore_mem>>) src(%dma_wait3A_59 : memref<128x128xi32, #tpu.memory_space<hbm>>) dst(%arg10 : memref<128x128xi32, #tpu.memory_space<vmem>>)
      %dma_wait3A_60 = arith.constant 0 : i32
      %dma_wait3A_61 = arith.constant 0 : i32
      %dma_wait3A_62 = tpu.memref_slice %arg5[%dma_wait3A_60, %dma_wait3A_61] : memref<10000x128xi32, #tpu.memory_space<hbm>> -> memref<128x128xi32, #tpu.memory_space<hbm>>
      %dma_wait3A_63 = arith.constant 0 : i32
      %dma_wait3A_64 = arith.constant 0 : i32
      %dma_wait3A_65 = tpu.memref_slice %arg5[%dma_wait3A_63, %dma_wait3A_64] : memref<10000x128xi32, #tpu.memory_space<hbm>> -> memref<128x128xi32, #tpu.memory_space<hbm>>
      tpu.wait_dma2 semaphore(%arg15 : memref<!tpu.dma_semaphore, #tpu.memory_space<semaphore_mem>>) src(%dma_wait3A_65 : memref<128x128xi32, #tpu.memory_space<hbm>>) dst(%arg12 : memref<128x128xi32, #tpu.memory_space<vmem>>)
      %add3A_66 = arith.addi %mul3A_2, %add3A_48 : i32
      %mul3A_67 = arith.constant 128 : i32
      %mul3A_68 = arith.muli %add3A_66, %mul3A_67 : i32
      %multiple_of3A_69 = tpu.assume_multiple %mul3A_68, 128 : i32
      "tpu.region"() ({
        %run_scoped3A = tpu.sem_alloc : memref<!tpu.dma_semaphore, #tpu.memory_space<semaphore_mem>>
        %dma_start3A_96 = arith.constant 0 : i32
        %dma_start3A_97 = tpu.memref_slice %arg6[%multiple_of3A_69, %dma_start3A_96] : memref<96000x128xi32, #tpu.memory_space<hbm>> -> memref<128x128xi32, #tpu.memory_space<hbm>>
        %dma_start3A_98 = arith.constant 0 : i32
        %dma_start3A_99 = tpu.memref_slice %arg6[%multiple_of3A_69, %dma_start3A_98] : memref<96000x128xi32, #tpu.memory_space<hbm>> -> memref<128x128xi32, #tpu.memory_space<hbm>>
        tpu.enqueue_dma source(%arg10 : memref<128x128xi32, #tpu.memory_space<vmem>>) target(%dma_start3A_99 : memref<128x128xi32, #tpu.memory_space<hbm>>) target_semaphore(%run_scoped3A : memref<!tpu.dma_semaphore, #tpu.memory_space<semaphore_mem>>)
        %dma_wait3A_100 = arith.constant 0 : i32
        %dma_wait3A_101 = tpu.memref_slice %arg6[%multiple_of3A_69, %dma_wait3A_100] : memref<96000x128xi32, #tpu.memory_space<hbm>> -> memref<128x128xi32, #tpu.memory_space<hbm>>
        %dma_wait3A_102 = arith.constant 0 : i32
        %dma_wait3A_103 = tpu.memref_slice %arg6[%multiple_of3A_69, %dma_wait3A_102] : memref<96000x128xi32, #tpu.memory_space<hbm>> -> memref<128x128xi32, #tpu.memory_space<hbm>>
        tpu.wait_dma2 semaphore(%run_scoped3A : memref<!tpu.dma_semaphore, #tpu.memory_space<semaphore_mem>>) src(%arg10 : memref<128x128xi32, #tpu.memory_space<vmem>>) dst(%dma_wait3A_103 : memref<128x128xi32, #tpu.memory_space<hbm>>)
        tpu.yield
      }) : () -> ()
      "tpu.region"() ({
        %run_scoped3A = tpu.sem_alloc : memref<!tpu.dma_semaphore, #tpu.memory_space<semaphore_mem>>
        %dma_start3A_96 = arith.constant 0 : i32
        %dma_start3A_97 = tpu.memref_slice %arg7[%multiple_of3A_69, %dma_start3A_96] : memref<96000x128xi32, #tpu.memory_space<hbm>> -> memref<128x128xi32, #tpu.memory_space<hbm>>
        %dma_start3A_98 = arith.constant 0 : i32
        %dma_start3A_99 = tpu.memref_slice %arg7[%multiple_of3A_69, %dma_start3A_98] : memref<96000x128xi32, #tpu.memory_space<hbm>> -> memref<128x128xi32, #tpu.memory_space<hbm>>
        tpu.enqueue_dma source(%arg12 : memref<128x128xi32, #tpu.memory_space<vmem>>) target(%dma_start3A_99 : memref<128x128xi32, #tpu.memory_space<hbm>>) target_semaphore(%run_scoped3A : memref<!tpu.dma_semaphore, #tpu.memory_space<semaphore_mem>>)
        %dma_wait3A_100 = arith.constant 0 : i32
        %dma_wait3A_101 = tpu.memref_slice %arg7[%multiple_of3A_69, %dma_wait3A_100] : memref<96000x128xi32, #tpu.memory_space<hbm>> -> memref<128x128xi32, #tpu.memory_space<hbm>>
        %dma_wait3A_102 = arith.constant 0 : i32
        %dma_wait3A_103 = tpu.memref_slice %arg7[%multiple_of3A_69, %dma_wait3A_102] : memref<96000x128xi32, #tpu.memory_space<hbm>> -> memref<128x128xi32, #tpu.memory_space<hbm>>
        tpu.wait_dma2 semaphore(%run_scoped3A : memref<!tpu.dma_semaphore, #tpu.memory_space<semaphore_mem>>) src(%arg12 : memref<128x128xi32, #tpu.memory_space<vmem>>) dst(%dma_wait3A_103 : memref<128x128xi32, #tpu.memory_space<hbm>>)
        tpu.yield
      }) : () -> ()
      %mul3A_70 = arith.constant 2 : i32
      %mul3A_71 = arith.muli %mul3A_70, %while3A_44 : i32
      %add3A_72 = arith.constant 1 : i32
      %add3A_73 = arith.addi %mul3A_71, %add3A_72 : i32
      %add3A_74 = arith.constant 1 : i32
      %add3A_75 = arith.addi %add3A_73, %add3A_74 : i32
      %lt3A_76 = arith.cmpi slt, %add3A_75, %min3A : i32
      %convert_element_type3A_77 = arith.extui %lt3A_76 : i1 to i32
      %cond3A_78 = arith.constant 0 : i32
      %cond3A_79 = arith.cmpi ne, %convert_element_type3A_77, %cond3A_78 : i32
      scf.if %cond3A_79 {
        %add3A_96 = arith.constant 1 : i32
        %add3A_97 = arith.addi %add3A_73, %add3A_96 : i32
        %mul3A_98 = arith.constant 128 : i32
        %mul3A_99 = arith.muli %add3A_97, %mul3A_98 : i32
        %multiple_of3A_100 = tpu.assume_multiple %mul3A_99, 128 : i32
        %dma_start3A_101 = tpu.memref_slice %arg8[%multiple_of3A_100] : memref<3072xi32, #tpu.memory_space<vmem>> -> memref<128xi32, #tpu.memory_space<vmem>>
        %dma_start3A_102 = arith.constant 0 : i32
        %dma_start3A_103 = arith.constant 0 : i32
        %dma_start3A_104 = tpu.memref_slice %arg4[%dma_start3A_102, %dma_start3A_103] : memref<10000x128xi32, #tpu.memory_space<hbm>> -> memref<10000x128xi32, #tpu.memory_space<hbm>>
        tpu.enqueue_indirect_dma source(%dma_start3A_104 : memref<10000x128xi32, #tpu.memory_space<hbm>>) target(%arg10 : memref<128x128xi32, #tpu.memory_space<vmem>>) offsets(%dma_start3A_101 : memref<128xi32, #tpu.memory_space<vmem>>) semaphore(%arg15 : memref<!tpu.dma_semaphore, #tpu.memory_space<semaphore_mem>>)
        %dma_start3A_105 = tpu.memref_slice %arg9[%multiple_of3A_100] : memref<3072xi32, #tpu.memory_space<vmem>> -> memref<128xi32, #tpu.memory_space<vmem>>
        %dma_start3A_106 = arith.constant 0 : i32
        %dma_start3A_107 = arith.constant 0 : i32
        %dma_start3A_108 = tpu.memref_slice %arg5[%dma_start3A_106, %dma_start3A_107] : memref<10000x128xi32, #tpu.memory_space<hbm>> -> memref<10000x128xi32, #tpu.memory_space<hbm>>
        tpu.enqueue_indirect_dma source(%dma_start3A_108 : memref<10000x128xi32, #tpu.memory_space<hbm>>) target(%arg12 : memref<128x128xi32, #tpu.memory_space<vmem>>) offsets(%dma_start3A_105 : memref<128xi32, #tpu.memory_space<vmem>>) semaphore(%arg15 : memref<!tpu.dma_semaphore, #tpu.memory_space<semaphore_mem>>)
      } else {
      }
      %dma_wait3A_80 = arith.constant 0 : i32
      %dma_wait3A_81 = arith.constant 0 : i32
      %dma_wait3A_82 = tpu.memref_slice %arg4[%dma_wait3A_80, %dma_wait3A_81] : memref<10000x128xi32, #tpu.memory_space<hbm>> -> memref<128x128xi32, #tpu.memory_space<hbm>>
      %dma_wait3A_83 = arith.constant 0 : i32
      %dma_wait3A_84 = arith.constant 0 : i32
      %dma_wait3A_85 = tpu.memref_slice %arg4[%dma_wait3A_83, %dma_wait3A_84] : memref<10000x128xi32, #tpu.memory_space<hbm>> -> memref<128x128xi32, #tpu.memory_space<hbm>>
      tpu.wait_dma2 semaphore(%arg15 : memref<!tpu.dma_semaphore, #tpu.memory_space<semaphore_mem>>) src(%dma_wait3A_85 : memref<128x128xi32, #tpu.memory_space<hbm>>) dst(%arg11 : memref<128x128xi32, #tpu.memory_space<vmem>>)
      %dma_wait3A_86 = arith.constant 0 : i32
      %dma_wait3A_87 = arith.constant 0 : i32
      %dma_wait3A_88 = tpu.memref_slice %arg5[%dma_wait3A_86, %dma_wait3A_87] : memref<10000x128xi32, #tpu.memory_space<hbm>> -> memref<128x128xi32, #tpu.memory_space<hbm>>
      %dma_wait3A_89 = arith.constant 0 : i32
      %dma_wait3A_90 = arith.constant 0 : i32
      %dma_wait3A_91 = tpu.memref_slice %arg5[%dma_wait3A_89, %dma_wait3A_90] : memref<10000x128xi32, #tpu.memory_space<hbm>> -> memref<128x128xi32, #tpu.memory_space<hbm>>
      tpu.wait_dma2 semaphore(%arg15 : memref<!tpu.dma_semaphore, #tpu.memory_space<semaphore_mem>>) src(%dma_wait3A_91 : memref<128x128xi32, #tpu.memory_space<hbm>>) dst(%arg13 : memref<128x128xi32, #tpu.memory_space<vmem>>)
      %add3A_92 = arith.addi %mul3A_2, %add3A_73 : i32
      %mul3A_93 = arith.constant 128 : i32
      %mul3A_94 = arith.muli %add3A_92, %mul3A_93 : i32
      %multiple_of3A_95 = tpu.assume_multiple %mul3A_94, 128 : i32
      "tpu.region"() ({
        %run_scoped3A = tpu.sem_alloc : memref<!tpu.dma_semaphore, #tpu.memory_space<semaphore_mem>>
        %dma_start3A_96 = arith.constant 0 : i32
        %dma_start3A_97 = tpu.memref_slice %arg6[%multiple_of3A_95, %dma_start3A_96] : memref<96000x128xi32, #tpu.memory_space<hbm>> -> memref<128x128xi32, #tpu.memory_space<hbm>>
        %dma_start3A_98 = arith.constant 0 : i32
        %dma_start3A_99 = tpu.memref_slice %arg6[%multiple_of3A_95, %dma_start3A_98] : memref<96000x128xi32, #tpu.memory_space<hbm>> -> memref<128x128xi32, #tpu.memory_space<hbm>>
        tpu.enqueue_dma source(%arg11 : memref<128x128xi32, #tpu.memory_space<vmem>>) target(%dma_start3A_99 : memref<128x128xi32, #tpu.memory_space<hbm>>) target_semaphore(%run_scoped3A : memref<!tpu.dma_semaphore, #tpu.memory_space<semaphore_mem>>)
        %dma_wait3A_100 = arith.constant 0 : i32
        %dma_wait3A_101 = tpu.memref_slice %arg6[%multiple_of3A_95, %dma_wait3A_100] : memref<96000x128xi32, #tpu.memory_space<hbm>> -> memref<128x128xi32, #tpu.memory_space<hbm>>
        %dma_wait3A_102 = arith.constant 0 : i32
        %dma_wait3A_103 = tpu.memref_slice %arg6[%multiple_of3A_95, %dma_wait3A_102] : memref<96000x128xi32, #tpu.memory_space<hbm>> -> memref<128x128xi32, #tpu.memory_space<hbm>>
        tpu.wait_dma2 semaphore(%run_scoped3A : memref<!tpu.dma_semaphore, #tpu.memory_space<semaphore_mem>>) src(%arg11 : memref<128x128xi32, #tpu.memory_space<vmem>>) dst(%dma_wait3A_103 : memref<128x128xi32, #tpu.memory_space<hbm>>)
        tpu.yield
      }) : () -> ()
      "tpu.region"() ({
        %run_scoped3A = tpu.sem_alloc : memref<!tpu.dma_semaphore, #tpu.memory_space<semaphore_mem>>
        %dma_start3A_96 = arith.constant 0 : i32
        %dma_start3A_97 = tpu.memref_slice %arg7[%multiple_of3A_95, %dma_start3A_96] : memref<96000x128xi32, #tpu.memory_space<hbm>> -> memref<128x128xi32, #tpu.memory_space<hbm>>
        %dma_start3A_98 = arith.constant 0 : i32
        %dma_start3A_99 = tpu.memref_slice %arg7[%multiple_of3A_95, %dma_start3A_98] : memref<96000x128xi32, #tpu.memory_space<hbm>> -> memref<128x128xi32, #tpu.memory_space<hbm>>
        tpu.enqueue_dma source(%arg13 : memref<128x128xi32, #tpu.memory_space<vmem>>) target(%dma_start3A_99 : memref<128x128xi32, #tpu.memory_space<hbm>>) target_semaphore(%run_scoped3A : memref<!tpu.dma_semaphore, #tpu.memory_space<semaphore_mem>>)
        %dma_wait3A_100 = arith.constant 0 : i32
        %dma_wait3A_101 = tpu.memref_slice %arg7[%multiple_of3A_95, %dma_wait3A_100] : memref<96000x128xi32, #tpu.memory_space<hbm>> -> memref<128x128xi32, #tpu.memory_space<hbm>>
        %dma_wait3A_102 = arith.constant 0 : i32
        %dma_wait3A_103 = tpu.memref_slice %arg7[%multiple_of3A_95, %dma_wait3A_102] : memref<96000x128xi32, #tpu.memory_space<hbm>> -> memref<128x128xi32, #tpu.memory_space<hbm>>
        tpu.wait_dma2 semaphore(%run_scoped3A : memref<!tpu.dma_semaphore, #tpu.memory_space<semaphore_mem>>) src(%arg13 : memref<128x128xi32, #tpu.memory_space<vmem>>) dst(%dma_wait3A_103 : memref<128x128xi32, #tpu.memory_space<hbm>>)
        tpu.yield
      }) : () -> ()
    }
    return
  }
}

#map = affine_map<(d0, d1) -> (0, 0)>
#map1 = affine_map<(d0, d1) -> (0)>
module attributes {stable_mosaic.version = 14 : i64} {
  func.func @_scatter_combine(%arg0: i32, %arg1: i32, %arg2: memref<1280x128xi32, #tpu.memory_space<hbm>>, %arg3: memref<163840xf32, #tpu.memory_space<hbm>>, %arg4: memref<163840xf32, #tpu.memory_space<hbm>>, %arg5: memref<163840xf32, #tpu.memory_space<hbm>>, %arg6: memref<10240xf32, #tpu.memory_space<hbm>>, %arg7: memref<10240xf32, #tpu.memory_space<hbm>>, %arg8: memref<10240xf32, #tpu.memory_space<hbm>>, %arg9: memref<10240xf32, #tpu.memory_space<hbm>>, %arg10: memref<10240xf32, #tpu.memory_space<hbm>>, %arg11: memref<10240xf32, #tpu.memory_space<hbm>>, %arg12: memref<80x128xi32, #tpu.memory_space<vmem>>, %arg13: memref<10240xf32, #tpu.memory_space<vmem>>, %arg14: memref<10240xf32, #tpu.memory_space<vmem>>, %arg15: memref<10240xf32, #tpu.memory_space<vmem>>, %arg16: memref<640xf32, #tpu.memory_space<vmem>>, %arg17: memref<384xf32, #tpu.memory_space<vmem>>, %arg18: memref<10240xf32, #tpu.memory_space<vmem_shared>>, %arg19: memref<10240xf32, #tpu.memory_space<vmem_shared>>, %arg20: memref<10240xf32, #tpu.memory_space<vmem_shared>>, %arg21: memref<!tpu.dma_semaphore, #tpu.memory_space<semaphore_mem>>, %arg22: memref<!tpu.dma_semaphore, #tpu.memory_space<semaphore_mem>>) attributes {dimension_semantics = [#tpu.dimension_semantics<core_parallel>, #tpu.dimension_semantics<subcore_parallel>], iteration_bounds = array<i64: 1, 16>, scalar_prefetch = 0 : i64, scratch_operands = 11 : i64, tpu.core_type = #tpu.core_type<sc_vector_subcore>, window_params = [{transform_indices = #map}, {transform_indices = #map1}, {transform_indices = #map1}, {transform_indices = #map1}, {transform_indices = #map1}, {transform_indices = #map1}, {transform_indices = #map1}, {transform_indices = #map1}, {transform_indices = #map1}, {transform_indices = #map1}]} {
    %mul3A = arith.constant 80 : i32
    %mul3A_0 = arith.muli %arg1, %mul3A : i32
    %multiple_of3A = tpu.assume_multiple %mul3A_0, 8 : i32
    %mul3A_1 = arith.constant 80 : i32
    %mul3A_2 = arith.muli %arg1, %mul3A_1 : i32
    %sub3A = arith.constant 1250 : i32
    %sub3A_3 = arith.subi %sub3A, %mul3A_2 : i32
    %min3A = arith.constant 80 : i32
    %min3A_4 = arith.minsi %min3A, %sub3A_3 : i32
    %dma_start3A = arith.constant 0 : i32
    %dma_start3A_5 = tpu.memref_slice %arg2[%multiple_of3A, %dma_start3A] : memref<1280x128xi32, #tpu.memory_space<hbm>> -> memref<80x128xi32, #tpu.memory_space<hbm>>
    %dma_start3A_6 = arith.constant 0 : i32
    %dma_start3A_7 = tpu.memref_slice %arg2[%multiple_of3A, %dma_start3A_6] : memref<1280x128xi32, #tpu.memory_space<hbm>> -> memref<80x128xi32, #tpu.memory_space<hbm>>
    tpu.enqueue_dma source(%dma_start3A_7 : memref<80x128xi32, #tpu.memory_space<hbm>>) target(%arg12 : memref<80x128xi32, #tpu.memory_space<vmem>>) target_semaphore(%arg21 : memref<!tpu.dma_semaphore, #tpu.memory_space<semaphore_mem>>)
    %mul3A_8 = arith.constant 128 : i32
    %mul3A_9 = arith.muli %multiple_of3A, %mul3A_8 : i32
    %dma_start3A_10 = tpu.memref_slice %arg3[%mul3A_9] : memref<163840xf32, #tpu.memory_space<hbm>> -> memref<10240xf32, #tpu.memory_space<hbm>>
    %dma_start3A_11 = tpu.memref_slice %arg3[%mul3A_9] : memref<163840xf32, #tpu.memory_space<hbm>> -> memref<10240xf32, #tpu.memory_space<hbm>>
    tpu.enqueue_dma source(%dma_start3A_11 : memref<10240xf32, #tpu.memory_space<hbm>>) target(%arg13 : memref<10240xf32, #tpu.memory_space<vmem>>) target_semaphore(%arg21 : memref<!tpu.dma_semaphore, #tpu.memory_space<semaphore_mem>>)
    %mul3A_12 = arith.constant 128 : i32
    %mul3A_13 = arith.muli %multiple_of3A, %mul3A_12 : i32
    %dma_start3A_14 = tpu.memref_slice %arg4[%mul3A_13] : memref<163840xf32, #tpu.memory_space<hbm>> -> memref<10240xf32, #tpu.memory_space<hbm>>
    %dma_start3A_15 = tpu.memref_slice %arg4[%mul3A_13] : memref<163840xf32, #tpu.memory_space<hbm>> -> memref<10240xf32, #tpu.memory_space<hbm>>
    tpu.enqueue_dma source(%dma_start3A_15 : memref<10240xf32, #tpu.memory_space<hbm>>) target(%arg14 : memref<10240xf32, #tpu.memory_space<vmem>>) target_semaphore(%arg21 : memref<!tpu.dma_semaphore, #tpu.memory_space<semaphore_mem>>)
    %mul3A_16 = arith.constant 128 : i32
    %mul3A_17 = arith.muli %multiple_of3A, %mul3A_16 : i32
    %dma_start3A_18 = tpu.memref_slice %arg5[%mul3A_17] : memref<163840xf32, #tpu.memory_space<hbm>> -> memref<10240xf32, #tpu.memory_space<hbm>>
    %dma_start3A_19 = tpu.memref_slice %arg5[%mul3A_17] : memref<163840xf32, #tpu.memory_space<hbm>> -> memref<10240xf32, #tpu.memory_space<hbm>>
    tpu.enqueue_dma source(%dma_start3A_19 : memref<10240xf32, #tpu.memory_space<hbm>>) target(%arg15 : memref<10240xf32, #tpu.memory_space<vmem>>) target_semaphore(%arg21 : memref<!tpu.dma_semaphore, #tpu.memory_space<semaphore_mem>>)
    %scan3A = arith.constant 0 : i32
    %scan3A_20 = arith.constant 0 : i32
    %scan3A_21 = arith.constant 40 : i32
    %scan3A_22 = arith.addi %scan3A_20, %scan3A_21 : i32
    %scan3A_23 = arith.constant 1 : i32
    scf.for %scan3A_92 = %scan3A_20 to %scan3A_22 step %scan3A_23  : i32 {
      %broadcast_in_dim3A = arith.constant 0.000000e+00 : f32
      %broadcast_in_dim3A_93 = vector.broadcast %broadcast_in_dim3A : f32 to vector<16xf32>
      %mul3A_94 = arith.constant 16 : i32
      %mul3A_95 = arith.muli %scan3A_92, %mul3A_94 : i32
      %multiple_of3A_96 = tpu.assume_multiple %mul3A_95, 16 : i32
      %swap3A = arith.index_cast %multiple_of3A_96 : i32 to index
      %swap3A_97 = tpu.vector_load %arg16[%swap3A] {strides = array<i32>} : memref<640xf32, #tpu.memory_space<vmem>>, vector<16xf32>,
      %swap3A_98 = vector.shape_cast %swap3A_97 : vector<16xf32> to vector<16xf32>
      %swap3A_99 = vector.shape_cast %broadcast_in_dim3A_93 : vector<16xf32> to vector<16xf32>
      tpu.vector_store %arg16[%swap3A], %swap3A_99 {strides = array<i32>} : memref<640xf32, #tpu.memory_space<vmem>>, vector<16xf32>,
    }
    %scan3A_24 = arith.constant 40 : i32
    %mul3A_25 = arith.constant 640 : i32
    %mul3A_26 = arith.muli %arg1, %mul3A_25 : i32
    "tpu.region"() ({
      %run_scoped3A = tpu.sem_alloc : memref<!tpu.dma_semaphore, #tpu.memory_space<semaphore_mem>>
      %dma_start3A_92 = tpu.memref_slice %arg18[%mul3A_26] : memref<10240xf32, #tpu.memory_space<vmem_shared>> -> memref<640xf32, #tpu.memory_space<vmem_shared>>
      %dma_start3A_93 = tpu.memref_slice %arg18[%mul3A_26] : memref<10240xf32, #tpu.memory_space<vmem_shared>> -> memref<640xf32, #tpu.memory_space<vmem_shared>>
      tpu.enqueue_dma source(%arg16 : memref<640xf32, #tpu.memory_space<vmem>>) target(%dma_start3A_93 : memref<640xf32, #tpu.memory_space<vmem_shared>>) target_semaphore(%run_scoped3A : memref<!tpu.dma_semaphore, #tpu.memory_space<semaphore_mem>>)
      %dma_wait3A_94 = tpu.memref_slice %arg18[%mul3A_26] : memref<10240xf32, #tpu.memory_space<vmem_shared>> -> memref<640xf32, #tpu.memory_space<vmem_shared>>
      %dma_wait3A_95 = tpu.memref_slice %arg18[%mul3A_26] : memref<10240xf32, #tpu.memory_space<vmem_shared>> -> memref<640xf32, #tpu.memory_space<vmem_shared>>
      tpu.wait_dma2 semaphore(%run_scoped3A : memref<!tpu.dma_semaphore, #tpu.memory_space<semaphore_mem>>) src(%arg16 : memref<640xf32, #tpu.memory_space<vmem>>) dst(%dma_wait3A_95 : memref<640xf32, #tpu.memory_space<vmem_shared>>)
      tpu.yield
    }) : () -> ()
    %mul3A_27 = arith.constant 640 : i32
    %mul3A_28 = arith.muli %arg1, %mul3A_27 : i32
    "tpu.region"() ({
      %run_scoped3A = tpu.sem_alloc : memref<!tpu.dma_semaphore, #tpu.memory_space<semaphore_mem>>
      %dma_start3A_92 = tpu.memref_slice %arg19[%mul3A_28] : memref<10240xf32, #tpu.memory_space<vmem_shared>> -> memref<640xf32, #tpu.memory_space<vmem_shared>>
      %dma_start3A_93 = tpu.memref_slice %arg19[%mul3A_28] : memref<10240xf32, #tpu.memory_space<vmem_shared>> -> memref<640xf32, #tpu.memory_space<vmem_shared>>
      tpu.enqueue_dma source(%arg16 : memref<640xf32, #tpu.memory_space<vmem>>) target(%dma_start3A_93 : memref<640xf32, #tpu.memory_space<vmem_shared>>) target_semaphore(%run_scoped3A : memref<!tpu.dma_semaphore, #tpu.memory_space<semaphore_mem>>)
      %dma_wait3A_94 = tpu.memref_slice %arg19[%mul3A_28] : memref<10240xf32, #tpu.memory_space<vmem_shared>> -> memref<640xf32, #tpu.memory_space<vmem_shared>>
      %dma_wait3A_95 = tpu.memref_slice %arg19[%mul3A_28] : memref<10240xf32, #tpu.memory_space<vmem_shared>> -> memref<640xf32, #tpu.memory_space<vmem_shared>>
      tpu.wait_dma2 semaphore(%run_scoped3A : memref<!tpu.dma_semaphore, #tpu.memory_space<semaphore_mem>>) src(%arg16 : memref<640xf32, #tpu.memory_space<vmem>>) dst(%dma_wait3A_95 : memref<640xf32, #tpu.memory_space<vmem_shared>>)
      tpu.yield
    }) : () -> ()
    %mul3A_29 = arith.constant 640 : i32
    %mul3A_30 = arith.muli %arg1, %mul3A_29 : i32
    "tpu.region"() ({
      %run_scoped3A = tpu.sem_alloc : memref<!tpu.dma_semaphore, #tpu.memory_space<semaphore_mem>>
      %dma_start3A_92 = tpu.memref_slice %arg20[%mul3A_30] : memref<10240xf32, #tpu.memory_space<vmem_shared>> -> memref<640xf32, #tpu.memory_space<vmem_shared>>
      %dma_start3A_93 = tpu.memref_slice %arg20[%mul3A_30] : memref<10240xf32, #tpu.memory_space<vmem_shared>> -> memref<640xf32, #tpu.memory_space<vmem_shared>>
      tpu.enqueue_dma source(%arg16 : memref<640xf32, #tpu.memory_space<vmem>>) target(%dma_start3A_93 : memref<640xf32, #tpu.memory_space<vmem_shared>>) target_semaphore(%run_scoped3A : memref<!tpu.dma_semaphore, #tpu.memory_space<semaphore_mem>>)
      %dma_wait3A_94 = tpu.memref_slice %arg20[%mul3A_30] : memref<10240xf32, #tpu.memory_space<vmem_shared>> -> memref<640xf32, #tpu.memory_space<vmem_shared>>
      %dma_wait3A_95 = tpu.memref_slice %arg20[%mul3A_30] : memref<10240xf32, #tpu.memory_space<vmem_shared>> -> memref<640xf32, #tpu.memory_space<vmem_shared>>
      tpu.wait_dma2 semaphore(%run_scoped3A : memref<!tpu.dma_semaphore, #tpu.memory_space<semaphore_mem>>) src(%arg16 : memref<640xf32, #tpu.memory_space<vmem>>) dst(%dma_wait3A_95 : memref<640xf32, #tpu.memory_space<vmem_shared>>)
      tpu.yield
    }) : () -> ()
    %barrier3A = arith.constant 0 : index
    tpu.barrier barrier_id(%barrier3A)
    %dma_wait3A = arith.constant 0 : i32
    %dma_wait3A_31 = tpu.memref_slice %arg2[%multiple_of3A, %dma_wait3A] : memref<1280x128xi32, #tpu.memory_space<hbm>> -> memref<80x128xi32, #tpu.memory_space<hbm>>
    %dma_wait3A_32 = arith.constant 0 : i32
    %dma_wait3A_33 = tpu.memref_slice %arg2[%multiple_of3A, %dma_wait3A_32] : memref<1280x128xi32, #tpu.memory_space<hbm>> -> memref<80x128xi32, #tpu.memory_space<hbm>>
    tpu.wait_dma2 semaphore(%arg21 : memref<!tpu.dma_semaphore, #tpu.memory_space<semaphore_mem>>) src(%dma_wait3A_33 : memref<80x128xi32, #tpu.memory_space<hbm>>) dst(%arg12 : memref<80x128xi32, #tpu.memory_space<vmem>>)
    %dma_wait3A_34 = tpu.memref_slice %arg3[%mul3A_9] : memref<163840xf32, #tpu.memory_space<hbm>> -> memref<10240xf32, #tpu.memory_space<hbm>>
    %dma_wait3A_35 = tpu.memref_slice %arg3[%mul3A_9] : memref<163840xf32, #tpu.memory_space<hbm>> -> memref<10240xf32, #tpu.memory_space<hbm>>
    tpu.wait_dma2 semaphore(%arg21 : memref<!tpu.dma_semaphore, #tpu.memory_space<semaphore_mem>>) src(%dma_wait3A_35 : memref<10240xf32, #tpu.memory_space<hbm>>) dst(%arg13 : memref<10240xf32, #tpu.memory_space<vmem>>)
    %dma_wait3A_36 = tpu.memref_slice %arg4[%mul3A_13] : memref<163840xf32, #tpu.memory_space<hbm>> -> memref<10240xf32, #tpu.memory_space<hbm>>
    %dma_wait3A_37 = tpu.memref_slice %arg4[%mul3A_13] : memref<163840xf32, #tpu.memory_space<hbm>> -> memref<10240xf32, #tpu.memory_space<hbm>>
    tpu.wait_dma2 semaphore(%arg21 : memref<!tpu.dma_semaphore, #tpu.memory_space<semaphore_mem>>) src(%dma_wait3A_37 : memref<10240xf32, #tpu.memory_space<hbm>>) dst(%arg14 : memref<10240xf32, #tpu.memory_space<vmem>>)
    %dma_wait3A_38 = tpu.memref_slice %arg5[%mul3A_17] : memref<163840xf32, #tpu.memory_space<hbm>> -> memref<10240xf32, #tpu.memory_space<hbm>>
    %dma_wait3A_39 = tpu.memref_slice %arg5[%mul3A_17] : memref<163840xf32, #tpu.memory_space<hbm>> -> memref<10240xf32, #tpu.memory_space<hbm>>
    tpu.wait_dma2 semaphore(%arg21 : memref<!tpu.dma_semaphore, #tpu.memory_space<semaphore_mem>>) src(%dma_wait3A_39 : memref<10240xf32, #tpu.memory_space<hbm>>) dst(%arg15 : memref<10240xf32, #tpu.memory_space<vmem>>)
    %while3A = arith.constant 0 : i32
    %while3A_40 = arith.constant 0 : i32
    %while3A_41 = arith.subi %min3A_4, %while3A_40 : i32
    %while3A_42 = arith.addi %while3A_40, %while3A_41 : i32
    %while3A_43 = arith.constant 1 : i32
    %while3A_44 = arith.divsi %while3A_41, %while3A_43 : i32
    %while3A_45 = arith.muli %while3A_44, %while3A_43 : i32
    %while3A_46 = arith.addi %while3A_40, %while3A_45 : i32
    %while3A_47 = arith.constant 1 : i32
    scf.for %while3A_92 = %while3A_40 to %while3A_46 step %while3A_47  : i32 {
      %mul3A_93 = arith.constant 128 : i32
      %mul3A_94 = arith.muli %while3A_92, %mul3A_93 : i32
      %multiple_of3A_95 = tpu.assume_multiple %mul3A_94, 128 : i32
      %dma_start3A_96 = tpu.memref_slice %arg13[%multiple_of3A_95] : memref<10240xf32, #tpu.memory_space<vmem>> -> memref<128xf32, #tpu.memory_space<vmem>>
      %dma_start3A_97 = arith.constant 0 : i32
      %dma_start3A_98 = tpu.memref_slice %arg12[%while3A_92, %dma_start3A_97] : memref<80x128xi32, #tpu.memory_space<vmem>> -> memref<1x128xi32, #tpu.memory_space<vmem>>
      %dma_start3A_99 = tpu.memref_squeeze %dma_start3A_98 : memref<1x128xi32, #tpu.memory_space<vmem>> -> memref<128xi32, #tpu.memory_space<vmem>>
      %dma_start3A_100 = arith.constant 0 : i32
      %dma_start3A_101 = tpu.memref_slice %arg18[%dma_start3A_100] : memref<10240xf32, #tpu.memory_space<vmem_shared>> -> memref<10240xf32, #tpu.memory_space<vmem_shared>>
      tpu.enqueue_indirect_dma source(%dma_start3A_96 : memref<128xf32, #tpu.memory_space<vmem>>) target(%dma_start3A_101 : memref<10240xf32, #tpu.memory_space<vmem_shared>>) offsets(%dma_start3A_99 : memref<128xi32, #tpu.memory_space<vmem>>) semaphore(%arg22 : memref<!tpu.dma_semaphore, #tpu.memory_space<semaphore_mem>>) {add = true}
      %dma_start3A_102 = tpu.memref_slice %arg14[%multiple_of3A_95] : memref<10240xf32, #tpu.memory_space<vmem>> -> memref<128xf32, #tpu.memory_space<vmem>>
      %dma_start3A_103 = arith.constant 0 : i32
      %dma_start3A_104 = tpu.memref_slice %arg12[%while3A_92, %dma_start3A_103] : memref<80x128xi32, #tpu.memory_space<vmem>> -> memref<1x128xi32, #tpu.memory_space<vmem>>
      %dma_start3A_105 = tpu.memref_squeeze %dma_start3A_104 : memref<1x128xi32, #tpu.memory_space<vmem>> -> memref<128xi32, #tpu.memory_space<vmem>>
      %dma_start3A_106 = arith.constant 0 : i32
      %dma_start3A_107 = tpu.memref_slice %arg19[%dma_start3A_106] : memref<10240xf32, #tpu.memory_space<vmem_shared>> -> memref<10240xf32, #tpu.memory_space<vmem_shared>>
      tpu.enqueue_indirect_dma source(%dma_start3A_102 : memref<128xf32, #tpu.memory_space<vmem>>) target(%dma_start3A_107 : memref<10240xf32, #tpu.memory_space<vmem_shared>>) offsets(%dma_start3A_105 : memref<128xi32, #tpu.memory_space<vmem>>) semaphore(%arg22 : memref<!tpu.dma_semaphore, #tpu.memory_space<semaphore_mem>>) {add = true}
      %dma_start3A_108 = tpu.memref_slice %arg15[%multiple_of3A_95] : memref<10240xf32, #tpu.memory_space<vmem>> -> memref<128xf32, #tpu.memory_space<vmem>>
      %dma_start3A_109 = arith.constant 0 : i32
      %dma_start3A_110 = tpu.memref_slice %arg12[%while3A_92, %dma_start3A_109] : memref<80x128xi32, #tpu.memory_space<vmem>> -> memref<1x128xi32, #tpu.memory_space<vmem>>
      %dma_start3A_111 = tpu.memref_squeeze %dma_start3A_110 : memref<1x128xi32, #tpu.memory_space<vmem>> -> memref<128xi32, #tpu.memory_space<vmem>>
      %dma_start3A_112 = arith.constant 0 : i32
      %dma_start3A_113 = tpu.memref_slice %arg20[%dma_start3A_112] : memref<10240xf32, #tpu.memory_space<vmem_shared>> -> memref<10240xf32, #tpu.memory_space<vmem_shared>>
      tpu.enqueue_indirect_dma source(%dma_start3A_108 : memref<128xf32, #tpu.memory_space<vmem>>) target(%dma_start3A_113 : memref<10240xf32, #tpu.memory_space<vmem_shared>>) offsets(%dma_start3A_111 : memref<128xi32, #tpu.memory_space<vmem>>) semaphore(%arg22 : memref<!tpu.dma_semaphore, #tpu.memory_space<semaphore_mem>>) {add = true}
      %ge3A = arith.constant 8 : i32
      %ge3A_114 = arith.cmpi sge, %while3A_92, %ge3A : i32
      %convert_element_type3A = arith.extui %ge3A_114 : i1 to i32
      %cond3A = arith.constant 0 : i32
      %cond3A_115 = arith.cmpi ne, %convert_element_type3A, %cond3A : i32
      scf.if %cond3A_115 {
        %dma_wait3A_116 = arith.constant 0 : i32
        %dma_wait3A_117 = tpu.memref_slice %arg3[%dma_wait3A_116] : memref<163840xf32, #tpu.memory_space<hbm>> -> memref<384xf32, #tpu.memory_space<hbm>>
        %dma_wait3A_118 = arith.constant 0 : i32
        %dma_wait3A_119 = tpu.memref_slice %arg3[%dma_wait3A_118] : memref<163840xf32, #tpu.memory_space<hbm>> -> memref<384xf32, #tpu.memory_space<hbm>>
        tpu.wait_dma2 semaphore(%arg22 : memref<!tpu.dma_semaphore, #tpu.memory_space<semaphore_mem>>) src(%dma_wait3A_119 : memref<384xf32, #tpu.memory_space<hbm>>) dst(%arg17 : memref<384xf32, #tpu.memory_space<vmem>>)
      } else {
      }
    }
    %while3A_48 = arith.constant 1 : i32
    scf.for %while3A_92 = %while3A_46 to %while3A_42 step %while3A_48  : i32 {
      %mul3A_93 = arith.constant 128 : i32
      %mul3A_94 = arith.muli %while3A_92, %mul3A_93 : i32
      %multiple_of3A_95 = tpu.assume_multiple %mul3A_94, 128 : i32
      %dma_start3A_96 = tpu.memref_slice %arg13[%multiple_of3A_95] : memref<10240xf32, #tpu.memory_space<vmem>> -> memref<128xf32, #tpu.memory_space<vmem>>
      %dma_start3A_97 = arith.constant 0 : i32
      %dma_start3A_98 = tpu.memref_slice %arg12[%while3A_92, %dma_start3A_97] : memref<80x128xi32, #tpu.memory_space<vmem>> -> memref<1x128xi32, #tpu.memory_space<vmem>>
      %dma_start3A_99 = tpu.memref_squeeze %dma_start3A_98 : memref<1x128xi32, #tpu.memory_space<vmem>> -> memref<128xi32, #tpu.memory_space<vmem>>
      %dma_start3A_100 = arith.constant 0 : i32
      %dma_start3A_101 = tpu.memref_slice %arg18[%dma_start3A_100] : memref<10240xf32, #tpu.memory_space<vmem_shared>> -> memref<10240xf32, #tpu.memory_space<vmem_shared>>
      tpu.enqueue_indirect_dma source(%dma_start3A_96 : memref<128xf32, #tpu.memory_space<vmem>>) target(%dma_start3A_101 : memref<10240xf32, #tpu.memory_space<vmem_shared>>) offsets(%dma_start3A_99 : memref<128xi32, #tpu.memory_space<vmem>>) semaphore(%arg22 : memref<!tpu.dma_semaphore, #tpu.memory_space<semaphore_mem>>) {add = true}
      %dma_start3A_102 = tpu.memref_slice %arg14[%multiple_of3A_95] : memref<10240xf32, #tpu.memory_space<vmem>> -> memref<128xf32, #tpu.memory_space<vmem>>
      %dma_start3A_103 = arith.constant 0 : i32
      %dma_start3A_104 = tpu.memref_slice %arg12[%while3A_92, %dma_start3A_103] : memref<80x128xi32, #tpu.memory_space<vmem>> -> memref<1x128xi32, #tpu.memory_space<vmem>>
      %dma_start3A_105 = tpu.memref_squeeze %dma_start3A_104 : memref<1x128xi32, #tpu.memory_space<vmem>> -> memref<128xi32, #tpu.memory_space<vmem>>
      %dma_start3A_106 = arith.constant 0 : i32
      %dma_start3A_107 = tpu.memref_slice %arg19[%dma_start3A_106] : memref<10240xf32, #tpu.memory_space<vmem_shared>> -> memref<10240xf32, #tpu.memory_space<vmem_shared>>
      tpu.enqueue_indirect_dma source(%dma_start3A_102 : memref<128xf32, #tpu.memory_space<vmem>>) target(%dma_start3A_107 : memref<10240xf32, #tpu.memory_space<vmem_shared>>) offsets(%dma_start3A_105 : memref<128xi32, #tpu.memory_space<vmem>>) semaphore(%arg22 : memref<!tpu.dma_semaphore, #tpu.memory_space<semaphore_mem>>) {add = true}
      %dma_start3A_108 = tpu.memref_slice %arg15[%multiple_of3A_95] : memref<10240xf32, #tpu.memory_space<vmem>> -> memref<128xf32, #tpu.memory_space<vmem>>
      %dma_start3A_109 = arith.constant 0 : i32
      %dma_start3A_110 = tpu.memref_slice %arg12[%while3A_92, %dma_start3A_109] : memref<80x128xi32, #tpu.memory_space<vmem>> -> memref<1x128xi32, #tpu.memory_space<vmem>>
      %dma_start3A_111 = tpu.memref_squeeze %dma_start3A_110 : memref<1x128xi32, #tpu.memory_space<vmem>> -> memref<128xi32, #tpu.memory_space<vmem>>
      %dma_start3A_112 = arith.constant 0 : i32
      %dma_start3A_113 = tpu.memref_slice %arg20[%dma_start3A_112] : memref<10240xf32, #tpu.memory_space<vmem_shared>> -> memref<10240xf32, #tpu.memory_space<vmem_shared>>
      tpu.enqueue_indirect_dma source(%dma_start3A_108 : memref<128xf32, #tpu.memory_space<vmem>>) target(%dma_start3A_113 : memref<10240xf32, #tpu.memory_space<vmem_shared>>) offsets(%dma_start3A_111 : memref<128xi32, #tpu.memory_space<vmem>>) semaphore(%arg22 : memref<!tpu.dma_semaphore, #tpu.memory_space<semaphore_mem>>) {add = true}
      %ge3A = arith.constant 8 : i32
      %ge3A_114 = arith.cmpi sge, %while3A_92, %ge3A : i32
      %convert_element_type3A = arith.extui %ge3A_114 : i1 to i32
      %cond3A = arith.constant 0 : i32
      %cond3A_115 = arith.cmpi ne, %convert_element_type3A, %cond3A : i32
      scf.if %cond3A_115 {
        %dma_wait3A_116 = arith.constant 0 : i32
        %dma_wait3A_117 = tpu.memref_slice %arg3[%dma_wait3A_116] : memref<163840xf32, #tpu.memory_space<hbm>> -> memref<384xf32, #tpu.memory_space<hbm>>
        %dma_wait3A_118 = arith.constant 0 : i32
        %dma_wait3A_119 = tpu.memref_slice %arg3[%dma_wait3A_118] : memref<163840xf32, #tpu.memory_space<hbm>> -> memref<384xf32, #tpu.memory_space<hbm>>
        tpu.wait_dma2 semaphore(%arg22 : memref<!tpu.dma_semaphore, #tpu.memory_space<semaphore_mem>>) src(%dma_wait3A_119 : memref<384xf32, #tpu.memory_space<hbm>>) dst(%arg17 : memref<384xf32, #tpu.memory_space<vmem>>)
      } else {
      }
    }
    %scan3A_49 = arith.constant 0 : i32
    %scan3A_50 = arith.constant 0 : i32
    %scan3A_51 = arith.constant 8 : i32
    %scan3A_52 = arith.addi %scan3A_50, %scan3A_51 : i32
    %scan3A_53 = arith.constant 1 : i32
    scf.for %scan3A_92 = %scan3A_50 to %scan3A_52 step %scan3A_53  : i32 {
      %dma_wait3A_93 = arith.constant 0 : i32
      %dma_wait3A_94 = tpu.memref_slice %arg3[%dma_wait3A_93] : memref<163840xf32, #tpu.memory_space<hbm>> -> memref<384xf32, #tpu.memory_space<hbm>>
      %dma_wait3A_95 = arith.constant 0 : i32
      %dma_wait3A_96 = tpu.memref_slice %arg3[%dma_wait3A_95] : memref<163840xf32, #tpu.memory_space<hbm>> -> memref<384xf32, #tpu.memory_space<hbm>>
      tpu.wait_dma2 semaphore(%arg22 : memref<!tpu.dma_semaphore, #tpu.memory_space<semaphore_mem>>) src(%dma_wait3A_96 : memref<384xf32, #tpu.memory_space<hbm>>) dst(%arg17 : memref<384xf32, #tpu.memory_space<vmem>>)
    }
    %scan3A_54 = arith.constant 8 : i32
    %barrier3A_55 = arith.constant 0 : index
    tpu.barrier barrier_id(%barrier3A_55)
    %mul3A_56 = arith.constant 640 : i32
    %mul3A_57 = arith.muli %arg1, %mul3A_56 : i32
    "tpu.region"() ({
      %run_scoped3A = tpu.sem_alloc : memref<!tpu.dma_semaphore, #tpu.memory_space<semaphore_mem>>
      %dma_start3A_92 = arith.constant 0 : i32
      %dma_start3A_93 = tpu.memref_slice %arg13[%dma_start3A_92] : memref<10240xf32, #tpu.memory_space<vmem>> -> memref<640xf32, #tpu.memory_space<vmem>>
      %dma_start3A_94 = tpu.memref_slice %arg18[%mul3A_57] : memref<10240xf32, #tpu.memory_space<vmem_shared>> -> memref<640xf32, #tpu.memory_space<vmem_shared>>
      %dma_start3A_95 = arith.constant 0 : i32
      %dma_start3A_96 = tpu.memref_slice %arg13[%dma_start3A_95] : memref<10240xf32, #tpu.memory_space<vmem>> -> memref<640xf32, #tpu.memory_space<vmem>>
      %dma_start3A_97 = tpu.memref_slice %arg18[%mul3A_57] : memref<10240xf32, #tpu.memory_space<vmem_shared>> -> memref<640xf32, #tpu.memory_space<vmem_shared>>
      tpu.enqueue_dma source(%dma_start3A_97 : memref<640xf32, #tpu.memory_space<vmem_shared>>) target(%dma_start3A_96 : memref<640xf32, #tpu.memory_space<vmem>>) target_semaphore(%run_scoped3A : memref<!tpu.dma_semaphore, #tpu.memory_space<semaphore_mem>>)
      %dma_wait3A_98 = arith.constant 0 : i32
      %dma_wait3A_99 = tpu.memref_slice %arg13[%dma_wait3A_98] : memref<10240xf32, #tpu.memory_space<vmem>> -> memref<640xf32, #tpu.memory_space<vmem>>
      %dma_wait3A_100 = tpu.memref_slice %arg18[%mul3A_57] : memref<10240xf32, #tpu.memory_space<vmem_shared>> -> memref<640xf32, #tpu.memory_space<vmem_shared>>
      %dma_wait3A_101 = arith.constant 0 : i32
      %dma_wait3A_102 = tpu.memref_slice %arg13[%dma_wait3A_101] : memref<10240xf32, #tpu.memory_space<vmem>> -> memref<640xf32, #tpu.memory_space<vmem>>
      %dma_wait3A_103 = tpu.memref_slice %arg18[%mul3A_57] : memref<10240xf32, #tpu.memory_space<vmem_shared>> -> memref<640xf32, #tpu.memory_space<vmem_shared>>
      tpu.wait_dma2 semaphore(%run_scoped3A : memref<!tpu.dma_semaphore, #tpu.memory_space<semaphore_mem>>) src(%dma_wait3A_103 : memref<640xf32, #tpu.memory_space<vmem_shared>>) dst(%dma_wait3A_102 : memref<640xf32, #tpu.memory_space<vmem>>)
      tpu.yield
    }) : () -> ()
    %mul3A_58 = arith.constant 640 : i32
    %mul3A_59 = arith.muli %arg1, %mul3A_58 : i32
    "tpu.region"() ({
      %run_scoped3A = tpu.sem_alloc : memref<!tpu.dma_semaphore, #tpu.memory_space<semaphore_mem>>
      %dma_start3A_92 = tpu.memref_slice %arg6[%mul3A_59] : memref<10240xf32, #tpu.memory_space<hbm>> -> memref<640xf32, #tpu.memory_space<hbm>>
      %dma_start3A_93 = tpu.memref_slice %arg6[%mul3A_59] : memref<10240xf32, #tpu.memory_space<hbm>> -> memref<640xf32, #tpu.memory_space<hbm>>
      tpu.enqueue_dma source(%dma_start3A_93 : memref<640xf32, #tpu.memory_space<hbm>>) target(%arg16 : memref<640xf32, #tpu.memory_space<vmem>>) target_semaphore(%run_scoped3A : memref<!tpu.dma_semaphore, #tpu.memory_space<semaphore_mem>>)
      %dma_wait3A_94 = tpu.memref_slice %arg6[%mul3A_59] : memref<10240xf32, #tpu.memory_space<hbm>> -> memref<640xf32, #tpu.memory_space<hbm>>
      %dma_wait3A_95 = tpu.memref_slice %arg6[%mul3A_59] : memref<10240xf32, #tpu.memory_space<hbm>> -> memref<640xf32, #tpu.memory_space<hbm>>
      tpu.wait_dma2 semaphore(%run_scoped3A : memref<!tpu.dma_semaphore, #tpu.memory_space<semaphore_mem>>) src(%dma_wait3A_95 : memref<640xf32, #tpu.memory_space<hbm>>) dst(%arg16 : memref<640xf32, #tpu.memory_space<vmem>>)
      tpu.yield
    }) : () -> ()
    %scan3A_60 = arith.constant 0 : i32
    %scan3A_61 = arith.constant 0 : i32
    %scan3A_62 = arith.constant 40 : i32
    %scan3A_63 = arith.addi %scan3A_61, %scan3A_62 : i32
    %scan3A_64 = arith.constant 1 : i32
    scf.for %scan3A_92 = %scan3A_61 to %scan3A_63 step %scan3A_64  : i32 {
      %mul3A_93 = arith.constant 16 : i32
      %mul3A_94 = arith.muli %scan3A_92, %mul3A_93 : i32
      %multiple_of3A_95 = tpu.assume_multiple %mul3A_94, 16 : i32
      %get3A = arith.index_cast %multiple_of3A_95 : i32 to index
      %get3A_96 = tpu.vector_load %arg16[%get3A] {strides = array<i32>} : memref<640xf32, #tpu.memory_space<vmem>>, vector<16xf32>,
      %get3A_97 = vector.shape_cast %get3A_96 : vector<16xf32> to vector<16xf32>
      %get3A_98 = arith.index_cast %multiple_of3A_95 : i32 to index
      %get3A_99 = tpu.vector_load %arg13[%get3A_98] {strides = array<i32>} : memref<10240xf32, #tpu.memory_space<vmem>>, vector<16xf32>,
      %get3A_100 = vector.shape_cast %get3A_99 : vector<16xf32> to vector<16xf32>
      %mul3A_101 = arith.constant 0.00999999977 : f32
      %mul3A_102 = vector.broadcast %mul3A_101 : f32 to vector<16xf32>
      %mul3A_103 = arith.mulf %get3A_100, %mul3A_102 : vector<16xf32>
      %add3A = arith.addf %get3A_97, %mul3A_103 : vector<16xf32>
      %swap3A = arith.index_cast %multiple_of3A_95 : i32 to index
      %swap3A_104 = tpu.vector_load %arg13[%swap3A] {strides = array<i32>} : memref<10240xf32, #tpu.memory_space<vmem>>, vector<16xf32>,
      %swap3A_105 = vector.shape_cast %swap3A_104 : vector<16xf32> to vector<16xf32>
      %swap3A_106 = vector.shape_cast %add3A : vector<16xf32> to vector<16xf32>
      tpu.vector_store %arg13[%swap3A], %swap3A_106 {strides = array<i32>} : memref<10240xf32, #tpu.memory_space<vmem>>, vector<16xf32>,
    }
    %scan3A_65 = arith.constant 40 : i32
    %mul3A_66 = arith.constant 640 : i32
    %mul3A_67 = arith.muli %arg1, %mul3A_66 : i32
    "tpu.region"() ({
      %run_scoped3A = tpu.sem_alloc : memref<!tpu.dma_semaphore, #tpu.memory_space<semaphore_mem>>
      %dma_start3A_92 = arith.constant 0 : i32
      %dma_start3A_93 = tpu.memref_slice %arg13[%dma_start3A_92] : memref<10240xf32, #tpu.memory_space<vmem>> -> memref<640xf32, #tpu.memory_space<vmem>>
      %dma_start3A_94 = tpu.memref_slice %arg9[%mul3A_67] : memref<10240xf32, #tpu.memory_space<hbm>> -> memref<640xf32, #tpu.memory_space<hbm>>
      %dma_start3A_95 = tpu.memref_slice %arg9[%mul3A_67] : memref<10240xf32, #tpu.memory_space<hbm>> -> memref<640xf32, #tpu.memory_space<hbm>>
      %dma_start3A_96 = arith.constant 0 : i32
      %dma_start3A_97 = tpu.memref_slice %arg13[%dma_start3A_96] : memref<10240xf32, #tpu.memory_space<vmem>> -> memref<640xf32, #tpu.memory_space<vmem>>
      tpu.enqueue_dma source(%dma_start3A_97 : memref<640xf32, #tpu.memory_space<vmem>>) target(%dma_start3A_95 : memref<640xf32, #tpu.memory_space<hbm>>) target_semaphore(%run_scoped3A : memref<!tpu.dma_semaphore, #tpu.memory_space<semaphore_mem>>)
      %dma_wait3A_98 = arith.constant 0 : i32
      %dma_wait3A_99 = tpu.memref_slice %arg13[%dma_wait3A_98] : memref<10240xf32, #tpu.memory_space<vmem>> -> memref<640xf32, #tpu.memory_space<vmem>>
      %dma_wait3A_100 = tpu.memref_slice %arg9[%mul3A_67] : memref<10240xf32, #tpu.memory_space<hbm>> -> memref<640xf32, #tpu.memory_space<hbm>>
      %dma_wait3A_101 = tpu.memref_slice %arg9[%mul3A_67] : memref<10240xf32, #tpu.memory_space<hbm>> -> memref<640xf32, #tpu.memory_space<hbm>>
      %dma_wait3A_102 = arith.constant 0 : i32
      %dma_wait3A_103 = tpu.memref_slice %arg13[%dma_wait3A_102] : memref<10240xf32, #tpu.memory_space<vmem>> -> memref<640xf32, #tpu.memory_space<vmem>>
      tpu.wait_dma2 semaphore(%run_scoped3A : memref<!tpu.dma_semaphore, #tpu.memory_space<semaphore_mem>>) src(%dma_wait3A_103 : memref<640xf32, #tpu.memory_space<vmem>>) dst(%dma_wait3A_101 : memref<640xf32, #tpu.memory_space<hbm>>)
      tpu.yield
    }) : () -> ()
    %mul3A_68 = arith.constant 640 : i32
    %mul3A_69 = arith.muli %arg1, %mul3A_68 : i32
    "tpu.region"() ({
      %run_scoped3A = tpu.sem_alloc : memref<!tpu.dma_semaphore, #tpu.memory_space<semaphore_mem>>
      %dma_start3A_92 = arith.constant 0 : i32
      %dma_start3A_93 = tpu.memref_slice %arg14[%dma_start3A_92] : memref<10240xf32, #tpu.memory_space<vmem>> -> memref<640xf32, #tpu.memory_space<vmem>>
      %dma_start3A_94 = tpu.memref_slice %arg19[%mul3A_69] : memref<10240xf32, #tpu.memory_space<vmem_shared>> -> memref<640xf32, #tpu.memory_space<vmem_shared>>
      %dma_start3A_95 = arith.constant 0 : i32
      %dma_start3A_96 = tpu.memref_slice %arg14[%dma_start3A_95] : memref<10240xf32, #tpu.memory_space<vmem>> -> memref<640xf32, #tpu.memory_space<vmem>>
      %dma_start3A_97 = tpu.memref_slice %arg19[%mul3A_69] : memref<10240xf32, #tpu.memory_space<vmem_shared>> -> memref<640xf32, #tpu.memory_space<vmem_shared>>
      tpu.enqueue_dma source(%dma_start3A_97 : memref<640xf32, #tpu.memory_space<vmem_shared>>) target(%dma_start3A_96 : memref<640xf32, #tpu.memory_space<vmem>>) target_semaphore(%run_scoped3A : memref<!tpu.dma_semaphore, #tpu.memory_space<semaphore_mem>>)
      %dma_wait3A_98 = arith.constant 0 : i32
      %dma_wait3A_99 = tpu.memref_slice %arg14[%dma_wait3A_98] : memref<10240xf32, #tpu.memory_space<vmem>> -> memref<640xf32, #tpu.memory_space<vmem>>
      %dma_wait3A_100 = tpu.memref_slice %arg19[%mul3A_69] : memref<10240xf32, #tpu.memory_space<vmem_shared>> -> memref<640xf32, #tpu.memory_space<vmem_shared>>
      %dma_wait3A_101 = arith.constant 0 : i32
      %dma_wait3A_102 = tpu.memref_slice %arg14[%dma_wait3A_101] : memref<10240xf32, #tpu.memory_space<vmem>> -> memref<640xf32, #tpu.memory_space<vmem>>
      %dma_wait3A_103 = tpu.memref_slice %arg19[%mul3A_69] : memref<10240xf32, #tpu.memory_space<vmem_shared>> -> memref<640xf32, #tpu.memory_space<vmem_shared>>
      tpu.wait_dma2 semaphore(%run_scoped3A : memref<!tpu.dma_semaphore, #tpu.memory_space<semaphore_mem>>) src(%dma_wait3A_103 : memref<640xf32, #tpu.memory_space<vmem_shared>>) dst(%dma_wait3A_102 : memref<640xf32, #tpu.memory_space<vmem>>)
      tpu.yield
    }) : () -> ()
    %mul3A_70 = arith.constant 640 : i32
    %mul3A_71 = arith.muli %arg1, %mul3A_70 : i32
    "tpu.region"() ({
      %run_scoped3A = tpu.sem_alloc : memref<!tpu.dma_semaphore, #tpu.memory_space<semaphore_mem>>
      %dma_start3A_92 = tpu.memref_slice %arg7[%mul3A_71] : memref<10240xf32, #tpu.memory_space<hbm>> -> memref<640xf32, #tpu.memory_space<hbm>>
      %dma_start3A_93 = tpu.memref_slice %arg7[%mul3A_71] : memref<10240xf32, #tpu.memory_space<hbm>> -> memref<640xf32, #tpu.memory_space<hbm>>
      tpu.enqueue_dma source(%dma_start3A_93 : memref<640xf32, #tpu.memory_space<hbm>>) target(%arg16 : memref<640xf32, #tpu.memory_space<vmem>>) target_semaphore(%run_scoped3A : memref<!tpu.dma_semaphore, #tpu.memory_space<semaphore_mem>>)
      %dma_wait3A_94 = tpu.memref_slice %arg7[%mul3A_71] : memref<10240xf32, #tpu.memory_space<hbm>> -> memref<640xf32, #tpu.memory_space<hbm>>
      %dma_wait3A_95 = tpu.memref_slice %arg7[%mul3A_71] : memref<10240xf32, #tpu.memory_space<hbm>> -> memref<640xf32, #tpu.memory_space<hbm>>
      tpu.wait_dma2 semaphore(%run_scoped3A : memref<!tpu.dma_semaphore, #tpu.memory_space<semaphore_mem>>) src(%dma_wait3A_95 : memref<640xf32, #tpu.memory_space<hbm>>) dst(%arg16 : memref<640xf32, #tpu.memory_space<vmem>>)
      tpu.yield
    }) : () -> ()
    %scan3A_72 = arith.constant 0 : i32
    %scan3A_73 = arith.constant 0 : i32
    %scan3A_74 = arith.constant 40 : i32
    %scan3A_75 = arith.addi %scan3A_73, %scan3A_74 : i32
    %scan3A_76 = arith.constant 1 : i32
    scf.for %scan3A_92 = %scan3A_73 to %scan3A_75 step %scan3A_76  : i32 {
      %mul3A_93 = arith.constant 16 : i32
      %mul3A_94 = arith.muli %scan3A_92, %mul3A_93 : i32
      %multiple_of3A_95 = tpu.assume_multiple %mul3A_94, 16 : i32
      %get3A = arith.index_cast %multiple_of3A_95 : i32 to index
      %get3A_96 = tpu.vector_load %arg16[%get3A] {strides = array<i32>} : memref<640xf32, #tpu.memory_space<vmem>>, vector<16xf32>,
      %get3A_97 = vector.shape_cast %get3A_96 : vector<16xf32> to vector<16xf32>
      %get3A_98 = arith.index_cast %multiple_of3A_95 : i32 to index
      %get3A_99 = tpu.vector_load %arg14[%get3A_98] {strides = array<i32>} : memref<10240xf32, #tpu.memory_space<vmem>>, vector<16xf32>,
      %get3A_100 = vector.shape_cast %get3A_99 : vector<16xf32> to vector<16xf32>
      %mul3A_101 = arith.constant 0.00999999977 : f32
      %mul3A_102 = vector.broadcast %mul3A_101 : f32 to vector<16xf32>
      %mul3A_103 = arith.mulf %get3A_100, %mul3A_102 : vector<16xf32>
      %add3A = arith.addf %get3A_97, %mul3A_103 : vector<16xf32>
      %swap3A = arith.index_cast %multiple_of3A_95 : i32 to index
      %swap3A_104 = tpu.vector_load %arg14[%swap3A] {strides = array<i32>} : memref<10240xf32, #tpu.memory_space<vmem>>, vector<16xf32>,
      %swap3A_105 = vector.shape_cast %swap3A_104 : vector<16xf32> to vector<16xf32>
      %swap3A_106 = vector.shape_cast %add3A : vector<16xf32> to vector<16xf32>
      tpu.vector_store %arg14[%swap3A], %swap3A_106 {strides = array<i32>} : memref<10240xf32, #tpu.memory_space<vmem>>, vector<16xf32>,
    }
    %scan3A_77 = arith.constant 40 : i32
    %mul3A_78 = arith.constant 640 : i32
    %mul3A_79 = arith.muli %arg1, %mul3A_78 : i32
    "tpu.region"() ({
      %run_scoped3A = tpu.sem_alloc : memref<!tpu.dma_semaphore, #tpu.memory_space<semaphore_mem>>
      %dma_start3A_92 = arith.constant 0 : i32
      %dma_start3A_93 = tpu.memref_slice %arg14[%dma_start3A_92] : memref<10240xf32, #tpu.memory_space<vmem>> -> memref<640xf32, #tpu.memory_space<vmem>>
      %dma_start3A_94 = tpu.memref_slice %arg10[%mul3A_79] : memref<10240xf32, #tpu.memory_space<hbm>> -> memref<640xf32, #tpu.memory_space<hbm>>
      %dma_start3A_95 = tpu.memref_slice %arg10[%mul3A_79] : memref<10240xf32, #tpu.memory_space<hbm>> -> memref<640xf32, #tpu.memory_space<hbm>>
      %dma_start3A_96 = arith.constant 0 : i32
      %dma_start3A_97 = tpu.memref_slice %arg14[%dma_start3A_96] : memref<10240xf32, #tpu.memory_space<vmem>> -> memref<640xf32, #tpu.memory_space<vmem>>
      tpu.enqueue_dma source(%dma_start3A_97 : memref<640xf32, #tpu.memory_space<vmem>>) target(%dma_start3A_95 : memref<640xf32, #tpu.memory_space<hbm>>) target_semaphore(%run_scoped3A : memref<!tpu.dma_semaphore, #tpu.memory_space<semaphore_mem>>)
      %dma_wait3A_98 = arith.constant 0 : i32
      %dma_wait3A_99 = tpu.memref_slice %arg14[%dma_wait3A_98] : memref<10240xf32, #tpu.memory_space<vmem>> -> memref<640xf32, #tpu.memory_space<vmem>>
      %dma_wait3A_100 = tpu.memref_slice %arg10[%mul3A_79] : memref<10240xf32, #tpu.memory_space<hbm>> -> memref<640xf32, #tpu.memory_space<hbm>>
      %dma_wait3A_101 = tpu.memref_slice %arg10[%mul3A_79] : memref<10240xf32, #tpu.memory_space<hbm>> -> memref<640xf32, #tpu.memory_space<hbm>>
      %dma_wait3A_102 = arith.constant 0 : i32
      %dma_wait3A_103 = tpu.memref_slice %arg14[%dma_wait3A_102] : memref<10240xf32, #tpu.memory_space<vmem>> -> memref<640xf32, #tpu.memory_space<vmem>>
      tpu.wait_dma2 semaphore(%run_scoped3A : memref<!tpu.dma_semaphore, #tpu.memory_space<semaphore_mem>>) src(%dma_wait3A_103 : memref<640xf32, #tpu.memory_space<vmem>>) dst(%dma_wait3A_101 : memref<640xf32, #tpu.memory_space<hbm>>)
      tpu.yield
    }) : () -> ()
    %mul3A_80 = arith.constant 640 : i32
    %mul3A_81 = arith.muli %arg1, %mul3A_80 : i32
    "tpu.region"() ({
      %run_scoped3A = tpu.sem_alloc : memref<!tpu.dma_semaphore, #tpu.memory_space<semaphore_mem>>
      %dma_start3A_92 = arith.constant 0 : i32
      %dma_start3A_93 = tpu.memref_slice %arg15[%dma_start3A_92] : memref<10240xf32, #tpu.memory_space<vmem>> -> memref<640xf32, #tpu.memory_space<vmem>>
      %dma_start3A_94 = tpu.memref_slice %arg20[%mul3A_81] : memref<10240xf32, #tpu.memory_space<vmem_shared>> -> memref<640xf32, #tpu.memory_space<vmem_shared>>
      %dma_start3A_95 = arith.constant 0 : i32
      %dma_start3A_96 = tpu.memref_slice %arg15[%dma_start3A_95] : memref<10240xf32, #tpu.memory_space<vmem>> -> memref<640xf32, #tpu.memory_space<vmem>>
      %dma_start3A_97 = tpu.memref_slice %arg20[%mul3A_81] : memref<10240xf32, #tpu.memory_space<vmem_shared>> -> memref<640xf32, #tpu.memory_space<vmem_shared>>
      tpu.enqueue_dma source(%dma_start3A_97 : memref<640xf32, #tpu.memory_space<vmem_shared>>) target(%dma_start3A_96 : memref<640xf32, #tpu.memory_space<vmem>>) target_semaphore(%run_scoped3A : memref<!tpu.dma_semaphore, #tpu.memory_space<semaphore_mem>>)
      %dma_wait3A_98 = arith.constant 0 : i32
      %dma_wait3A_99 = tpu.memref_slice %arg15[%dma_wait3A_98] : memref<10240xf32, #tpu.memory_space<vmem>> -> memref<640xf32, #tpu.memory_space<vmem>>
      %dma_wait3A_100 = tpu.memref_slice %arg20[%mul3A_81] : memref<10240xf32, #tpu.memory_space<vmem_shared>> -> memref<640xf32, #tpu.memory_space<vmem_shared>>
      %dma_wait3A_101 = arith.constant 0 : i32
      %dma_wait3A_102 = tpu.memref_slice %arg15[%dma_wait3A_101] : memref<10240xf32, #tpu.memory_space<vmem>> -> memref<640xf32, #tpu.memory_space<vmem>>
      %dma_wait3A_103 = tpu.memref_slice %arg20[%mul3A_81] : memref<10240xf32, #tpu.memory_space<vmem_shared>> -> memref<640xf32, #tpu.memory_space<vmem_shared>>
      tpu.wait_dma2 semaphore(%run_scoped3A : memref<!tpu.dma_semaphore, #tpu.memory_space<semaphore_mem>>) src(%dma_wait3A_103 : memref<640xf32, #tpu.memory_space<vmem_shared>>) dst(%dma_wait3A_102 : memref<640xf32, #tpu.memory_space<vmem>>)
      tpu.yield
    }) : () -> ()
    %mul3A_82 = arith.constant 640 : i32
    %mul3A_83 = arith.muli %arg1, %mul3A_82 : i32
    "tpu.region"() ({
      %run_scoped3A = tpu.sem_alloc : memref<!tpu.dma_semaphore, #tpu.memory_space<semaphore_mem>>
      %dma_start3A_92 = tpu.memref_slice %arg8[%mul3A_83] : memref<10240xf32, #tpu.memory_space<hbm>> -> memref<640xf32, #tpu.memory_space<hbm>>
      %dma_start3A_93 = tpu.memref_slice %arg8[%mul3A_83] : memref<10240xf32, #tpu.memory_space<hbm>> -> memref<640xf32, #tpu.memory_space<hbm>>
      tpu.enqueue_dma source(%dma_start3A_93 : memref<640xf32, #tpu.memory_space<hbm>>) target(%arg16 : memref<640xf32, #tpu.memory_space<vmem>>) target_semaphore(%run_scoped3A : memref<!tpu.dma_semaphore, #tpu.memory_space<semaphore_mem>>)
      %dma_wait3A_94 = tpu.memref_slice %arg8[%mul3A_83] : memref<10240xf32, #tpu.memory_space<hbm>> -> memref<640xf32, #tpu.memory_space<hbm>>
      %dma_wait3A_95 = tpu.memref_slice %arg8[%mul3A_83] : memref<10240xf32, #tpu.memory_space<hbm>> -> memref<640xf32, #tpu.memory_space<hbm>>
      tpu.wait_dma2 semaphore(%run_scoped3A : memref<!tpu.dma_semaphore, #tpu.memory_space<semaphore_mem>>) src(%dma_wait3A_95 : memref<640xf32, #tpu.memory_space<hbm>>) dst(%arg16 : memref<640xf32, #tpu.memory_space<vmem>>)
      tpu.yield
    }) : () -> ()
    %scan3A_84 = arith.constant 0 : i32
    %scan3A_85 = arith.constant 0 : i32
    %scan3A_86 = arith.constant 40 : i32
    %scan3A_87 = arith.addi %scan3A_85, %scan3A_86 : i32
    %scan3A_88 = arith.constant 1 : i32
    scf.for %scan3A_92 = %scan3A_85 to %scan3A_87 step %scan3A_88  : i32 {
      %mul3A_93 = arith.constant 16 : i32
      %mul3A_94 = arith.muli %scan3A_92, %mul3A_93 : i32
      %multiple_of3A_95 = tpu.assume_multiple %mul3A_94, 16 : i32
      %get3A = arith.index_cast %multiple_of3A_95 : i32 to index
      %get3A_96 = tpu.vector_load %arg16[%get3A] {strides = array<i32>} : memref<640xf32, #tpu.memory_space<vmem>>, vector<16xf32>,
      %get3A_97 = vector.shape_cast %get3A_96 : vector<16xf32> to vector<16xf32>
      %get3A_98 = arith.index_cast %multiple_of3A_95 : i32 to index
      %get3A_99 = tpu.vector_load %arg15[%get3A_98] {strides = array<i32>} : memref<10240xf32, #tpu.memory_space<vmem>>, vector<16xf32>,
      %get3A_100 = vector.shape_cast %get3A_99 : vector<16xf32> to vector<16xf32>
      %mul3A_101 = arith.constant 0.00999999977 : f32
      %mul3A_102 = vector.broadcast %mul3A_101 : f32 to vector<16xf32>
      %mul3A_103 = arith.mulf %get3A_100, %mul3A_102 : vector<16xf32>
      %add3A = arith.addf %get3A_97, %mul3A_103 : vector<16xf32>
      %swap3A = arith.index_cast %multiple_of3A_95 : i32 to index
      %swap3A_104 = tpu.vector_load %arg15[%swap3A] {strides = array<i32>} : memref<10240xf32, #tpu.memory_space<vmem>>, vector<16xf32>,
      %swap3A_105 = vector.shape_cast %swap3A_104 : vector<16xf32> to vector<16xf32>
      %swap3A_106 = vector.shape_cast %add3A : vector<16xf32> to vector<16xf32>
      tpu.vector_store %arg15[%swap3A], %swap3A_106 {strides = array<i32>} : memref<10240xf32, #tpu.memory_space<vmem>>, vector<16xf32>,
    }
    %scan3A_89 = arith.constant 40 : i32
    %mul3A_90 = arith.constant 640 : i32
    %mul3A_91 = arith.muli %arg1, %mul3A_90 : i32
    "tpu.region"() ({
      %run_scoped3A = tpu.sem_alloc : memref<!tpu.dma_semaphore, #tpu.memory_space<semaphore_mem>>
      %dma_start3A_92 = arith.constant 0 : i32
      %dma_start3A_93 = tpu.memref_slice %arg15[%dma_start3A_92] : memref<10240xf32, #tpu.memory_space<vmem>> -> memref<640xf32, #tpu.memory_space<vmem>>
      %dma_start3A_94 = tpu.memref_slice %arg11[%mul3A_91] : memref<10240xf32, #tpu.memory_space<hbm>> -> memref<640xf32, #tpu.memory_space<hbm>>
      %dma_start3A_95 = tpu.memref_slice %arg11[%mul3A_91] : memref<10240xf32, #tpu.memory_space<hbm>> -> memref<640xf32, #tpu.memory_space<hbm>>
      %dma_start3A_96 = arith.constant 0 : i32
      %dma_start3A_97 = tpu.memref_slice %arg15[%dma_start3A_96] : memref<10240xf32, #tpu.memory_space<vmem>> -> memref<640xf32, #tpu.memory_space<vmem>>
      tpu.enqueue_dma source(%dma_start3A_97 : memref<640xf32, #tpu.memory_space<vmem>>) target(%dma_start3A_95 : memref<640xf32, #tpu.memory_space<hbm>>) target_semaphore(%run_scoped3A : memref<!tpu.dma_semaphore, #tpu.memory_space<semaphore_mem>>)
      %dma_wait3A_98 = arith.constant 0 : i32
      %dma_wait3A_99 = tpu.memref_slice %arg15[%dma_wait3A_98] : memref<10240xf32, #tpu.memory_space<vmem>> -> memref<640xf32, #tpu.memory_space<vmem>>
      %dma_wait3A_100 = tpu.memref_slice %arg11[%mul3A_91] : memref<10240xf32, #tpu.memory_space<hbm>> -> memref<640xf32, #tpu.memory_space<hbm>>
      %dma_wait3A_101 = tpu.memref_slice %arg11[%mul3A_91] : memref<10240xf32, #tpu.memory_space<hbm>> -> memref<640xf32, #tpu.memory_space<hbm>>
      %dma_wait3A_102 = arith.constant 0 : i32
      %dma_wait3A_103 = tpu.memref_slice %arg15[%dma_wait3A_102] : memref<10240xf32, #tpu.memory_space<vmem>> -> memref<640xf32, #tpu.memory_space<vmem>>
      tpu.wait_dma2 semaphore(%run_scoped3A : memref<!tpu.dma_semaphore, #tpu.memory_space<semaphore_mem>>) src(%dma_wait3A_103 : memref<640xf32, #tpu.memory_space<vmem>>) dst(%dma_wait3A_101 : memref<640xf32, #tpu.memory_space<hbm>>)
      tpu.yield
    }) : () -> ()
    return
  }
}

module attributes {stable_mosaic.version = 14 : i64} {
  func.func @_precompute_body(%arg0: i32, %arg1: memref<1000x256xf32, #tpu.memory_space<vmem>>, %arg2: memref<1000x256xf32, #tpu.memory_space<vmem>>, %arg3: memref<256x128xf32, #tpu.memory_space<vmem>>, %arg4: memref<256x128xf32, #tpu.memory_space<vmem>>, %arg5: memref<256x128xf32, #tpu.memory_space<vmem>>, %arg6: memref<256x128xf32, #tpu.memory_space<vmem>>, %arg7: memref<1000x128xi32, #tpu.memory_space<vmem>>, %arg8: memref<1000x128xi32, #tpu.memory_space<vmem>>) attributes {dimension_semantics = [#tpu.dimension_semantics<arbitrary>], iteration_bounds = array<i64: 10>, scalar_prefetch = 0 : i64, scratch_operands = 0 : i64, tpu.core_type = #tpu.core_type<tc>, window_params = [{transform_indices = @transform_0, window_bounds = array<i64: 1000, 256>}, {transform_indices = @transform_1, window_bounds = array<i64: 1000, 256>}, {pipeline_mode = #tpu.pipeline_mode<synchronous>, transform_indices = @transform_2, window_bounds = array<i64: 256, 128>}, {pipeline_mode = #tpu.pipeline_mode<synchronous>, transform_indices = @transform_3, window_bounds = array<i64: 256, 128>}, {pipeline_mode = #tpu.pipeline_mode<synchronous>, transform_indices = @transform_4, window_bounds = array<i64: 256, 128>}, {pipeline_mode = #tpu.pipeline_mode<synchronous>, transform_indices = @transform_5, window_bounds = array<i64: 256, 128>}, {transform_indices = @transform_6, window_bounds = array<i64: 1000, 128>}, {transform_indices = @transform_7, window_bounds = array<i64: 1000, 128>}]} {
    %get3A = arith.constant 0 : index
    %get3A_0 = arith.constant 0 : index
    %get3A_1 = vector.load %arg1[%get3A, %get3A_0] : memref<1000x256xf32, #tpu.memory_space<vmem>>, vector<1000x256xf32>
    %get3A_2 = arith.constant 0 : index
    %get3A_3 = arith.constant 0 : index
    %get3A_4 = vector.load %arg3[%get3A_2, %get3A_3] : memref<256x128xf32, #tpu.memory_space<vmem>>, vector<256x128xf32>
    %dot_general3A = arith.constant dense<0.000000e+00> : vector<1000x128xf32>
    %dot_general3A_5 = tpu.matmul %get3A_1, %get3A_4, %dot_general3A {dimension_numbers = #tpu.dot_dimension_numbers<[1], [0], [0], [1], [0, 0, 1, 1], [], []>, transpose_lhs_hint = false} : vector<1000x256xf32>, vector<256x128xf32>, vector<1000x128xf32> -> vector<1000x128xf32>
    %get3A_6 = arith.constant 0 : index
    %get3A_7 = arith.constant 0 : index
    %get3A_8 = vector.load %arg1[%get3A_6, %get3A_7] : memref<1000x256xf32, #tpu.memory_space<vmem>>, vector<1000x256xf32>
    %get3A_9 = arith.constant 0 : index
    %get3A_10 = arith.constant 0 : index
    %get3A_11 = vector.load %arg4[%get3A_9, %get3A_10] : memref<256x128xf32, #tpu.memory_space<vmem>>, vector<256x128xf32>
    %dot_general3A_12 = arith.constant dense<0.000000e+00> : vector<1000x128xf32>
    %dot_general3A_13 = tpu.matmul %get3A_8, %get3A_11, %dot_general3A_12 {dimension_numbers = #tpu.dot_dimension_numbers<[1], [0], [0], [1], [0, 0, 1, 1], [], []>, transpose_lhs_hint = false} : vector<1000x256xf32>, vector<256x128xf32>, vector<1000x128xf32> -> vector<1000x128xf32>
    %convert_element_type3A = arith.truncf %dot_general3A_5 : vector<1000x128xf32> to vector<1000x128xbf16>
    %convert_element_type3A_14 = arith.extf %convert_element_type3A : vector<1000x128xbf16> to vector<1000x128xf32>
    %bitcast_convert_type3A = tpu.bitcast %convert_element_type3A_14 : vector<1000x128xf32> -> vector<1000x128xi32>
    %convert_element_type3A_15 = arith.truncf %dot_general3A_13 : vector<1000x128xf32> to vector<1000x128xbf16>
    %convert_element_type3A_16 = arith.extf %convert_element_type3A_15 : vector<1000x128xbf16> to vector<1000x128xf32>
    %bitcast_convert_type3A_17 = tpu.bitcast %convert_element_type3A_16 : vector<1000x128xf32> -> vector<1000x128xi32>
    %shift_right_logical3A = arith.constant 16 : i32
    %shift_right_logical3A_18 = vector.broadcast %shift_right_logical3A : i32 to vector<1000x128xi32>
    %shift_right_logical3A_19 = arith.shrui %bitcast_convert_type3A, %shift_right_logical3A_18 : vector<1000x128xi32>
    %or3A = arith.ori %bitcast_convert_type3A_17, %shift_right_logical3A_19 : vector<1000x128xi32>
    %swap3A = arith.constant 0 : index
    %swap3A_20 = arith.constant 0 : index
    %swap3A_21 = vector.load %arg7[%swap3A, %swap3A_20] : memref<1000x128xi32, #tpu.memory_space<vmem>>, vector<1000x128xi32>
    tpu.vector_store %arg7[%swap3A, %swap3A_20], %or3A {strides = array<i32>} : memref<1000x128xi32, #tpu.memory_space<vmem>>, vector<1000x128xi32>,
    %get3A_22 = arith.constant 0 : index
    %get3A_23 = arith.constant 0 : index
    %get3A_24 = vector.load %arg2[%get3A_22, %get3A_23] : memref<1000x256xf32, #tpu.memory_space<vmem>>, vector<1000x256xf32>
    %get3A_25 = arith.constant 0 : index
    %get3A_26 = arith.constant 0 : index
    %get3A_27 = vector.load %arg5[%get3A_25, %get3A_26] : memref<256x128xf32, #tpu.memory_space<vmem>>, vector<256x128xf32>
    %dot_general3A_28 = arith.constant dense<0.000000e+00> : vector<1000x128xf32>
    %dot_general3A_29 = tpu.matmul %get3A_24, %get3A_27, %dot_general3A_28 {dimension_numbers = #tpu.dot_dimension_numbers<[1], [0], [0], [1], [0, 0, 1, 1], [], []>, transpose_lhs_hint = false} : vector<1000x256xf32>, vector<256x128xf32>, vector<1000x128xf32> -> vector<1000x128xf32>
    %get3A_30 = arith.constant 0 : index
    %get3A_31 = arith.constant 0 : index
    %get3A_32 = vector.load %arg2[%get3A_30, %get3A_31] : memref<1000x256xf32, #tpu.memory_space<vmem>>, vector<1000x256xf32>
    %get3A_33 = arith.constant 0 : index
    %get3A_34 = arith.constant 0 : index
    %get3A_35 = vector.load %arg6[%get3A_33, %get3A_34] : memref<256x128xf32, #tpu.memory_space<vmem>>, vector<256x128xf32>
    %dot_general3A_36 = arith.constant dense<0.000000e+00> : vector<1000x128xf32>
    %dot_general3A_37 = tpu.matmul %get3A_32, %get3A_35, %dot_general3A_36 {dimension_numbers = #tpu.dot_dimension_numbers<[1], [0], [0], [1], [0, 0, 1, 1], [], []>, transpose_lhs_hint = false} : vector<1000x256xf32>, vector<256x128xf32>, vector<1000x128xf32> -> vector<1000x128xf32>
    %convert_element_type3A_38 = arith.truncf %dot_general3A_29 : vector<1000x128xf32> to vector<1000x128xbf16>
    %convert_element_type3A_39 = arith.extf %convert_element_type3A_38 : vector<1000x128xbf16> to vector<1000x128xf32>
    %bitcast_convert_type3A_40 = tpu.bitcast %convert_element_type3A_39 : vector<1000x128xf32> -> vector<1000x128xi32>
    %convert_element_type3A_41 = arith.truncf %dot_general3A_37 : vector<1000x128xf32> to vector<1000x128xbf16>
    %convert_element_type3A_42 = arith.extf %convert_element_type3A_41 : vector<1000x128xbf16> to vector<1000x128xf32>
    %bitcast_convert_type3A_43 = tpu.bitcast %convert_element_type3A_42 : vector<1000x128xf32> -> vector<1000x128xi32>
    %shift_right_logical3A_44 = arith.constant 16 : i32
    %shift_right_logical3A_45 = vector.broadcast %shift_right_logical3A_44 : i32 to vector<1000x128xi32>
    %shift_right_logical3A_46 = arith.shrui %bitcast_convert_type3A_40, %shift_right_logical3A_45 : vector<1000x128xi32>
    %or3A_47 = arith.ori %bitcast_convert_type3A_43, %shift_right_logical3A_46 : vector<1000x128xi32>
    %swap3A_48 = arith.constant 0 : index
    %swap3A_49 = arith.constant 0 : index
    %swap3A_50 = vector.load %arg8[%swap3A_48, %swap3A_49] : memref<1000x128xi32, #tpu.memory_space<vmem>>, vector<1000x128xi32>
    tpu.vector_store %arg8[%swap3A_48, %swap3A_49], %or3A_47 {strides = array<i32>} : memref<1000x128xi32, #tpu.memory_space<vmem>>, vector<1000x128xi32>,
    return
  }
  func.func @transform_0(%arg0: i32) -> (i32, i32) {
    %c0_i32 = arith.constant 0 : i32
    %c0_i32_0 = arith.constant 0 : i32
    return %arg0, %c0_i32 : i32, i32
  }
  func.func @transform_1(%arg0: i32) -> (i32, i32) {
    %c0_i32 = arith.constant 0 : i32
    %c0_i32_0 = arith.constant 0 : i32
    return %arg0, %c0_i32 : i32, i32
  }
  func.func @transform_2(%arg0: i32) -> (i32, i32) {
    %c0_i32 = arith.constant 0 : i32
    %c0_i32_0 = arith.constant 0 : i32
    %c0_i32_1 = arith.constant 0 : i32
    return %c0_i32, %c0_i32_0 : i32, i32
  }
  func.func @transform_3(%arg0: i32) -> (i32, i32) {
    %c0_i32 = arith.constant 0 : i32
    %c0_i32_0 = arith.constant 0 : i32
    %c0_i32_1 = arith.constant 0 : i32
    return %c0_i32, %c0_i32_0 : i32, i32
  }
  func.func @transform_4(%arg0: i32) -> (i32, i32) {
    %c0_i32 = arith.constant 0 : i32
    %c0_i32_0 = arith.constant 0 : i32
    %c0_i32_1 = arith.constant 0 : i32
    return %c0_i32, %c0_i32_0 : i32, i32
  }
  func.func @transform_5(%arg0: i32) -> (i32, i32) {
    %c0_i32 = arith.constant 0 : i32
    %c0_i32_0 = arith.constant 0 : i32
    %c0_i32_1 = arith.constant 0 : i32
    return %c0_i32, %c0_i32_0 : i32, i32
  }
  func.func @transform_6(%arg0: i32) -> (i32, i32) {
    %c0_i32 = arith.constant 0 : i32
    %c0_i32_0 = arith.constant 0 : i32
    return %arg0, %c0_i32 : i32, i32
  }
  func.func @transform_7(%arg0: i32) -> (i32, i32) {
    %c0_i32 = arith.constant 0 : i32
    %c0_i32_0 = arith.constant 0 : i32
    return %arg0, %c0_i32 : i32, i32
  }
}

module attributes {stable_mosaic.version = 14 : i64} {
  func.func @_mlp_body(%arg0: i32, %arg1: memref<6400x128xi32, #tpu.memory_space<vmem>>, %arg2: memref<6400x128xi32, #tpu.memory_space<vmem>>, %arg3: memref<1x50x128xf32, #tpu.memory_space<vmem>>, %arg4: memref<1x50x128xf32, #tpu.memory_space<vmem>>, %arg5: memref<1x50x128xf32, #tpu.memory_space<vmem>>, %arg6: memref<1x50x128xf32, #tpu.memory_space<vmem>>, %arg7: memref<1x128xf32, #tpu.memory_space<vmem>>, %arg8: memref<1x128xf32, #tpu.memory_space<vmem>>, %arg9: memref<1x128xf32, #tpu.memory_space<vmem>>, %arg10: memref<1x128xf32, #tpu.memory_space<vmem>>, %arg11: memref<256x256xbf16, #tpu.memory_space<vmem>>, %arg12: memref<1x256xf32, #tpu.memory_space<vmem>>, %arg13: memref<1x256xf32, #tpu.memory_space<vmem>>, %arg14: memref<1x50x128xf32, #tpu.memory_space<vmem>>, %arg15: memref<1x50x128xf32, #tpu.memory_space<vmem>>, %arg16: memref<1x50x128xf32, #tpu.memory_space<vmem>>) attributes {dimension_semantics = [#tpu.dimension_semantics<arbitrary>], iteration_bounds = array<i64: 10>, scalar_prefetch = 0 : i64, scratch_operands = 0 : i64, tpu.core_type = #tpu.core_type<tc>, window_params = [{transform_indices = @transform_0, window_bounds = array<i64: 6400, 128>}, {transform_indices = @transform_1, window_bounds = array<i64: 6400, 128>}, {transform_indices = @transform_2, window_bounds = array<i64: 1, 50, 128>}, {transform_indices = @transform_3, window_bounds = array<i64: 1, 50, 128>}, {transform_indices = @transform_4, window_bounds = array<i64: 1, 50, 128>}, {transform_indices = @transform_5, window_bounds = array<i64: 1, 50, 128>}, {pipeline_mode = #tpu.pipeline_mode<synchronous>, transform_indices = @transform_6, window_bounds = array<i64: 1, 128>}, {pipeline_mode = #tpu.pipeline_mode<synchronous>, transform_indices = @transform_7, window_bounds = array<i64: 1, 128>}, {pipeline_mode = #tpu.pipeline_mode<synchronous>, transform_indices = @transform_8, window_bounds = array<i64: 1, 128>}, {pipeline_mode = #tpu.pipeline_mode<synchronous>, transform_indices = @transform_9, window_bounds = array<i64: 1, 128>}, {pipeline_mode = #tpu.pipeline_mode<synchronous>, transform_indices = @transform_10, window_bounds = array<i64: 256, 256>}, {pipeline_mode = #tpu.pipeline_mode<synchronous>, transform_indices = @transform_11, window_bounds = array<i64: 1, 256>}, {pipeline_mode = #tpu.pipeline_mode<synchronous>, transform_indices = @transform_12, window_bounds = array<i64: 1, 256>}, {transform_indices = @transform_13, window_bounds = array<i64: 1, 50, 128>}, {transform_indices = @transform_14, window_bounds = array<i64: 1, 50, 128>}, {transform_indices = @transform_15, window_bounds = array<i64: 1, 50, 128>}]} {
    %get3A = arith.constant 0 : index
    %get3A_0 = arith.constant 0 : index
    %get3A_1 = vector.load %arg1[%get3A, %get3A_0] : memref<6400x128xi32, #tpu.memory_space<vmem>>, vector<6400x128xi32>
    %get3A_2 = arith.constant 0 : index
    %get3A_3 = arith.constant 0 : index
    %get3A_4 = vector.load %arg2[%get3A_2, %get3A_3] : memref<6400x128xi32, #tpu.memory_space<vmem>>, vector<6400x128xi32>
    %shift_left3A = arith.constant 16 : i32
    %shift_left3A_5 = vector.broadcast %shift_left3A : i32 to vector<6400x128xi32>
    %shift_left3A_6 = arith.shli %get3A_1, %shift_left3A_5 : vector<6400x128xi32>
    %bitcast_convert_type3A = tpu.bitcast %shift_left3A_6 : vector<6400x128xi32> -> vector<6400x128xf32>
    %and3A = arith.constant -65536 : i32
    %and3A_7 = vector.broadcast %and3A : i32 to vector<6400x128xi32>
    %and3A_8 = arith.andi %get3A_1, %and3A_7 : vector<6400x128xi32>
    %bitcast_convert_type3A_9 = tpu.bitcast %and3A_8 : vector<6400x128xi32> -> vector<6400x128xf32>
    %shift_left3A_10 = arith.constant 16 : i32
    %shift_left3A_11 = vector.broadcast %shift_left3A_10 : i32 to vector<6400x128xi32>
    %shift_left3A_12 = arith.shli %get3A_4, %shift_left3A_11 : vector<6400x128xi32>
    %bitcast_convert_type3A_13 = tpu.bitcast %shift_left3A_12 : vector<6400x128xi32> -> vector<6400x128xf32>
    %and3A_14 = arith.constant -65536 : i32
    %and3A_15 = vector.broadcast %and3A_14 : i32 to vector<6400x128xi32>
    %and3A_16 = arith.andi %get3A_4, %and3A_15 : vector<6400x128xi32>
    %bitcast_convert_type3A_17 = tpu.bitcast %and3A_16 : vector<6400x128xi32> -> vector<6400x128xf32>
    %get3A_18 = arith.constant 0 : index
    %get3A_19 = arith.constant 0 : index
    %get3A_20 = arith.constant 0 : index
    %get3A_21 = vector.load %arg3[%get3A_18, %get3A_19, %get3A_20] : memref<1x50x128xf32, #tpu.memory_space<vmem>>, vector<1x50x128xf32>
    %slice3A = vector.extract_strided_slice %get3A_21 {offsets = [0, 0, 0], sizes = [1, 1, 128], strides = [1, 1, 1]} : vector<1x50x128xf32> to vector<1x1x128xf32>
    %squeeze3A = vector.shape_cast %slice3A : vector<1x1x128xf32> to vector<128xf32>
    %reshape3A = vector.shape_cast %squeeze3A : vector<128xf32> to vector<1x128xf32>
    %transpose3A = tpu.transpose %reshape3A, [1, 0] : vector<1x128xf32> -> vector<128x1xf32>
    %slice3A_22 = vector.extract_strided_slice %get3A_21 {offsets = [0, 1, 0], sizes = [1, 1, 128], strides = [1, 1, 1]} : vector<1x50x128xf32> to vector<1x1x128xf32>
    %squeeze3A_23 = vector.shape_cast %slice3A_22 : vector<1x1x128xf32> to vector<128xf32>
    %reshape3A_24 = vector.shape_cast %squeeze3A_23 : vector<128xf32> to vector<1x128xf32>
    %transpose3A_25 = tpu.transpose %reshape3A_24, [1, 0] : vector<1x128xf32> -> vector<128x1xf32>
    %slice3A_26 = vector.extract_strided_slice %get3A_21 {offsets = [0, 2, 0], sizes = [1, 1, 128], strides = [1, 1, 1]} : vector<1x50x128xf32> to vector<1x1x128xf32>
    %squeeze3A_27 = vector.shape_cast %slice3A_26 : vector<1x1x128xf32> to vector<128xf32>
    %reshape3A_28 = vector.shape_cast %squeeze3A_27 : vector<128xf32> to vector<1x128xf32>
    %transpose3A_29 = tpu.transpose %reshape3A_28, [1, 0] : vector<1x128xf32> -> vector<128x1xf32>
    %slice3A_30 = vector.extract_strided_slice %get3A_21 {offsets = [0, 3, 0], sizes = [1, 1, 128], strides = [1, 1, 1]} : vector<1x50x128xf32> to vector<1x1x128xf32>
    %squeeze3A_31 = vector.shape_cast %slice3A_30 : vector<1x1x128xf32> to vector<128xf32>
    %reshape3A_32 = vector.shape_cast %squeeze3A_31 : vector<128xf32> to vector<1x128xf32>
    %transpose3A_33 = tpu.transpose %reshape3A_32, [1, 0] : vector<1x128xf32> -> vector<128x1xf32>
    %slice3A_34 = vector.extract_strided_slice %get3A_21 {offsets = [0, 4, 0], sizes = [1, 1, 128], strides = [1, 1, 1]} : vector<1x50x128xf32> to vector<1x1x128xf32>
    %squeeze3A_35 = vector.shape_cast %slice3A_34 : vector<1x1x128xf32> to vector<128xf32>
    %reshape3A_36 = vector.shape_cast %squeeze3A_35 : vector<128xf32> to vector<1x128xf32>
    %transpose3A_37 = tpu.transpose %reshape3A_36, [1, 0] : vector<1x128xf32> -> vector<128x1xf32>
    %slice3A_38 = vector.extract_strided_slice %get3A_21 {offsets = [0, 5, 0], sizes = [1, 1, 128], strides = [1, 1, 1]} : vector<1x50x128xf32> to vector<1x1x128xf32>
    %squeeze3A_39 = vector.shape_cast %slice3A_38 : vector<1x1x128xf32> to vector<128xf32>
    %reshape3A_40 = vector.shape_cast %squeeze3A_39 : vector<128xf32> to vector<1x128xf32>
    %transpose3A_41 = tpu.transpose %reshape3A_40, [1, 0] : vector<1x128xf32> -> vector<128x1xf32>
    %slice3A_42 = vector.extract_strided_slice %get3A_21 {offsets = [0, 6, 0], sizes = [1, 1, 128], strides = [1, 1, 1]} : vector<1x50x128xf32> to vector<1x1x128xf32>
    %squeeze3A_43 = vector.shape_cast %slice3A_42 : vector<1x1x128xf32> to vector<128xf32>
    %reshape3A_44 = vector.shape_cast %squeeze3A_43 : vector<128xf32> to vector<1x128xf32>
    %transpose3A_45 = tpu.transpose %reshape3A_44, [1, 0] : vector<1x128xf32> -> vector<128x1xf32>
    %slice3A_46 = vector.extract_strided_slice %get3A_21 {offsets = [0, 7, 0], sizes = [1, 1, 128], strides = [1, 1, 1]} : vector<1x50x128xf32> to vector<1x1x128xf32>
    %squeeze3A_47 = vector.shape_cast %slice3A_46 : vector<1x1x128xf32> to vector<128xf32>
    %reshape3A_48 = vector.shape_cast %squeeze3A_47 : vector<128xf32> to vector<1x128xf32>
    %transpose3A_49 = tpu.transpose %reshape3A_48, [1, 0] : vector<1x128xf32> -> vector<128x1xf32>
    %slice3A_50 = vector.extract_strided_slice %get3A_21 {offsets = [0, 8, 0], sizes = [1, 1, 128], strides = [1, 1, 1]} : vector<1x50x128xf32> to vector<1x1x128xf32>
    %squeeze3A_51 = vector.shape_cast %slice3A_50 : vector<1x1x128xf32> to vector<128xf32>
    %reshape3A_52 = vector.shape_cast %squeeze3A_51 : vector<128xf32> to vector<1x128xf32>
    %transpose3A_53 = tpu.transpose %reshape3A_52, [1, 0] : vector<1x128xf32> -> vector<128x1xf32>
    %slice3A_54 = vector.extract_strided_slice %get3A_21 {offsets = [0, 9, 0], sizes = [1, 1, 128], strides = [1, 1, 1]} : vector<1x50x128xf32> to vector<1x1x128xf32>
    %squeeze3A_55 = vector.shape_cast %slice3A_54 : vector<1x1x128xf32> to vector<128xf32>
    %reshape3A_56 = vector.shape_cast %squeeze3A_55 : vector<128xf32> to vector<1x128xf32>
    %transpose3A_57 = tpu.transpose %reshape3A_56, [1, 0] : vector<1x128xf32> -> vector<128x1xf32>
    %slice3A_58 = vector.extract_strided_slice %get3A_21 {offsets = [0, 10, 0], sizes = [1, 1, 128], strides = [1, 1, 1]} : vector<1x50x128xf32> to vector<1x1x128xf32>
    %squeeze3A_59 = vector.shape_cast %slice3A_58 : vector<1x1x128xf32> to vector<128xf32>
    %reshape3A_60 = vector.shape_cast %squeeze3A_59 : vector<128xf32> to vector<1x128xf32>
    %transpose3A_61 = tpu.transpose %reshape3A_60, [1, 0] : vector<1x128xf32> -> vector<128x1xf32>
    %slice3A_62 = vector.extract_strided_slice %get3A_21 {offsets = [0, 11, 0], sizes = [1, 1, 128], strides = [1, 1, 1]} : vector<1x50x128xf32> to vector<1x1x128xf32>
    %squeeze3A_63 = vector.shape_cast %slice3A_62 : vector<1x1x128xf32> to vector<128xf32>
    %reshape3A_64 = vector.shape_cast %squeeze3A_63 : vector<128xf32> to vector<1x128xf32>
    %transpose3A_65 = tpu.transpose %reshape3A_64, [1, 0] : vector<1x128xf32> -> vector<128x1xf32>
    %slice3A_66 = vector.extract_strided_slice %get3A_21 {offsets = [0, 12, 0], sizes = [1, 1, 128], strides = [1, 1, 1]} : vector<1x50x128xf32> to vector<1x1x128xf32>
    %squeeze3A_67 = vector.shape_cast %slice3A_66 : vector<1x1x128xf32> to vector<128xf32>
    %reshape3A_68 = vector.shape_cast %squeeze3A_67 : vector<128xf32> to vector<1x128xf32>
    %transpose3A_69 = tpu.transpose %reshape3A_68, [1, 0] : vector<1x128xf32> -> vector<128x1xf32>
    %slice3A_70 = vector.extract_strided_slice %get3A_21 {offsets = [0, 13, 0], sizes = [1, 1, 128], strides = [1, 1, 1]} : vector<1x50x128xf32> to vector<1x1x128xf32>
    %squeeze3A_71 = vector.shape_cast %slice3A_70 : vector<1x1x128xf32> to vector<128xf32>
    %reshape3A_72 = vector.shape_cast %squeeze3A_71 : vector<128xf32> to vector<1x128xf32>
    %transpose3A_73 = tpu.transpose %reshape3A_72, [1, 0] : vector<1x128xf32> -> vector<128x1xf32>
    %slice3A_74 = vector.extract_strided_slice %get3A_21 {offsets = [0, 14, 0], sizes = [1, 1, 128], strides = [1, 1, 1]} : vector<1x50x128xf32> to vector<1x1x128xf32>
    %squeeze3A_75 = vector.shape_cast %slice3A_74 : vector<1x1x128xf32> to vector<128xf32>
    %reshape3A_76 = vector.shape_cast %squeeze3A_75 : vector<128xf32> to vector<1x128xf32>
    %transpose3A_77 = tpu.transpose %reshape3A_76, [1, 0] : vector<1x128xf32> -> vector<128x1xf32>
    %slice3A_78 = vector.extract_strided_slice %get3A_21 {offsets = [0, 15, 0], sizes = [1, 1, 128], strides = [1, 1, 1]} : vector<1x50x128xf32> to vector<1x1x128xf32>
    %squeeze3A_79 = vector.shape_cast %slice3A_78 : vector<1x1x128xf32> to vector<128xf32>
    %reshape3A_80 = vector.shape_cast %squeeze3A_79 : vector<128xf32> to vector<1x128xf32>
    %transpose3A_81 = tpu.transpose %reshape3A_80, [1, 0] : vector<1x128xf32> -> vector<128x1xf32>
    %slice3A_82 = vector.extract_strided_slice %get3A_21 {offsets = [0, 16, 0], sizes = [1, 1, 128], strides = [1, 1, 1]} : vector<1x50x128xf32> to vector<1x1x128xf32>
    %squeeze3A_83 = vector.shape_cast %slice3A_82 : vector<1x1x128xf32> to vector<128xf32>
    %reshape3A_84 = vector.shape_cast %squeeze3A_83 : vector<128xf32> to vector<1x128xf32>
    %transpose3A_85 = tpu.transpose %reshape3A_84, [1, 0] : vector<1x128xf32> -> vector<128x1xf32>
    %slice3A_86 = vector.extract_strided_slice %get3A_21 {offsets = [0, 17, 0], sizes = [1, 1, 128], strides = [1, 1, 1]} : vector<1x50x128xf32> to vector<1x1x128xf32>
    %squeeze3A_87 = vector.shape_cast %slice3A_86 : vector<1x1x128xf32> to vector<128xf32>
    %reshape3A_88 = vector.shape_cast %squeeze3A_87 : vector<128xf32> to vector<1x128xf32>
    %transpose3A_89 = tpu.transpose %reshape3A_88, [1, 0] : vector<1x128xf32> -> vector<128x1xf32>
    %slice3A_90 = vector.extract_strided_slice %get3A_21 {offsets = [0, 18, 0], sizes = [1, 1, 128], strides = [1, 1, 1]} : vector<1x50x128xf32> to vector<1x1x128xf32>
    %squeeze3A_91 = vector.shape_cast %slice3A_90 : vector<1x1x128xf32> to vector<128xf32>
    %reshape3A_92 = vector.shape_cast %squeeze3A_91 : vector<128xf32> to vector<1x128xf32>
    %transpose3A_93 = tpu.transpose %reshape3A_92, [1, 0] : vector<1x128xf32> -> vector<128x1xf32>
    %slice3A_94 = vector.extract_strided_slice %get3A_21 {offsets = [0, 19, 0], sizes = [1, 1, 128], strides = [1, 1, 1]} : vector<1x50x128xf32> to vector<1x1x128xf32>
    %squeeze3A_95 = vector.shape_cast %slice3A_94 : vector<1x1x128xf32> to vector<128xf32>
    %reshape3A_96 = vector.shape_cast %squeeze3A_95 : vector<128xf32> to vector<1x128xf32>
    %transpose3A_97 = tpu.transpose %reshape3A_96, [1, 0] : vector<1x128xf32> -> vector<128x1xf32>
    %slice3A_98 = vector.extract_strided_slice %get3A_21 {offsets = [0, 20, 0], sizes = [1, 1, 128], strides = [1, 1, 1]} : vector<1x50x128xf32> to vector<1x1x128xf32>
    %squeeze3A_99 = vector.shape_cast %slice3A_98 : vector<1x1x128xf32> to vector<128xf32>
    %reshape3A_100 = vector.shape_cast %squeeze3A_99 : vector<128xf32> to vector<1x128xf32>
    %transpose3A_101 = tpu.transpose %reshape3A_100, [1, 0] : vector<1x128xf32> -> vector<128x1xf32>
    %slice3A_102 = vector.extract_strided_slice %get3A_21 {offsets = [0, 21, 0], sizes = [1, 1, 128], strides = [1, 1, 1]} : vector<1x50x128xf32> to vector<1x1x128xf32>
    %squeeze3A_103 = vector.shape_cast %slice3A_102 : vector<1x1x128xf32> to vector<128xf32>
    %reshape3A_104 = vector.shape_cast %squeeze3A_103 : vector<128xf32> to vector<1x128xf32>
    %transpose3A_105 = tpu.transpose %reshape3A_104, [1, 0] : vector<1x128xf32> -> vector<128x1xf32>
    %slice3A_106 = vector.extract_strided_slice %get3A_21 {offsets = [0, 22, 0], sizes = [1, 1, 128], strides = [1, 1, 1]} : vector<1x50x128xf32> to vector<1x1x128xf32>
    %squeeze3A_107 = vector.shape_cast %slice3A_106 : vector<1x1x128xf32> to vector<128xf32>
    %reshape3A_108 = vector.shape_cast %squeeze3A_107 : vector<128xf32> to vector<1x128xf32>
    %transpose3A_109 = tpu.transpose %reshape3A_108, [1, 0] : vector<1x128xf32> -> vector<128x1xf32>
    %slice3A_110 = vector.extract_strided_slice %get3A_21 {offsets = [0, 23, 0], sizes = [1, 1, 128], strides = [1, 1, 1]} : vector<1x50x128xf32> to vector<1x1x128xf32>
    %squeeze3A_111 = vector.shape_cast %slice3A_110 : vector<1x1x128xf32> to vector<128xf32>
    %reshape3A_112 = vector.shape_cast %squeeze3A_111 : vector<128xf32> to vector<1x128xf32>
    %transpose3A_113 = tpu.transpose %reshape3A_112, [1, 0] : vector<1x128xf32> -> vector<128x1xf32>
    %slice3A_114 = vector.extract_strided_slice %get3A_21 {offsets = [0, 24, 0], sizes = [1, 1, 128], strides = [1, 1, 1]} : vector<1x50x128xf32> to vector<1x1x128xf32>
    %squeeze3A_115 = vector.shape_cast %slice3A_114 : vector<1x1x128xf32> to vector<128xf32>
    %reshape3A_116 = vector.shape_cast %squeeze3A_115 : vector<128xf32> to vector<1x128xf32>
    %transpose3A_117 = tpu.transpose %reshape3A_116, [1, 0] : vector<1x128xf32> -> vector<128x1xf32>
    %slice3A_118 = vector.extract_strided_slice %get3A_21 {offsets = [0, 25, 0], sizes = [1, 1, 128], strides = [1, 1, 1]} : vector<1x50x128xf32> to vector<1x1x128xf32>
    %squeeze3A_119 = vector.shape_cast %slice3A_118 : vector<1x1x128xf32> to vector<128xf32>
    %reshape3A_120 = vector.shape_cast %squeeze3A_119 : vector<128xf32> to vector<1x128xf32>
    %transpose3A_121 = tpu.transpose %reshape3A_120, [1, 0] : vector<1x128xf32> -> vector<128x1xf32>
    %slice3A_122 = vector.extract_strided_slice %get3A_21 {offsets = [0, 26, 0], sizes = [1, 1, 128], strides = [1, 1, 1]} : vector<1x50x128xf32> to vector<1x1x128xf32>
    %squeeze3A_123 = vector.shape_cast %slice3A_122 : vector<1x1x128xf32> to vector<128xf32>
    %reshape3A_124 = vector.shape_cast %squeeze3A_123 : vector<128xf32> to vector<1x128xf32>
    %transpose3A_125 = tpu.transpose %reshape3A_124, [1, 0] : vector<1x128xf32> -> vector<128x1xf32>
    %slice3A_126 = vector.extract_strided_slice %get3A_21 {offsets = [0, 27, 0], sizes = [1, 1, 128], strides = [1, 1, 1]} : vector<1x50x128xf32> to vector<1x1x128xf32>
    %squeeze3A_127 = vector.shape_cast %slice3A_126 : vector<1x1x128xf32> to vector<128xf32>
    %reshape3A_128 = vector.shape_cast %squeeze3A_127 : vector<128xf32> to vector<1x128xf32>
    %transpose3A_129 = tpu.transpose %reshape3A_128, [1, 0] : vector<1x128xf32> -> vector<128x1xf32>
    %slice3A_130 = vector.extract_strided_slice %get3A_21 {offsets = [0, 28, 0], sizes = [1, 1, 128], strides = [1, 1, 1]} : vector<1x50x128xf32> to vector<1x1x128xf32>
    %squeeze3A_131 = vector.shape_cast %slice3A_130 : vector<1x1x128xf32> to vector<128xf32>
    %reshape3A_132 = vector.shape_cast %squeeze3A_131 : vector<128xf32> to vector<1x128xf32>
    %transpose3A_133 = tpu.transpose %reshape3A_132, [1, 0] : vector<1x128xf32> -> vector<128x1xf32>
    %slice3A_134 = vector.extract_strided_slice %get3A_21 {offsets = [0, 29, 0], sizes = [1, 1, 128], strides = [1, 1, 1]} : vector<1x50x128xf32> to vector<1x1x128xf32>
    %squeeze3A_135 = vector.shape_cast %slice3A_134 : vector<1x1x128xf32> to vector<128xf32>
    %reshape3A_136 = vector.shape_cast %squeeze3A_135 : vector<128xf32> to vector<1x128xf32>
    %transpose3A_137 = tpu.transpose %reshape3A_136, [1, 0] : vector<1x128xf32> -> vector<128x1xf32>
    %slice3A_138 = vector.extract_strided_slice %get3A_21 {offsets = [0, 30, 0], sizes = [1, 1, 128], strides = [1, 1, 1]} : vector<1x50x128xf32> to vector<1x1x128xf32>
    %squeeze3A_139 = vector.shape_cast %slice3A_138 : vector<1x1x128xf32> to vector<128xf32>
    %reshape3A_140 = vector.shape_cast %squeeze3A_139 : vector<128xf32> to vector<1x128xf32>
    %transpose3A_141 = tpu.transpose %reshape3A_140, [1, 0] : vector<1x128xf32> -> vector<128x1xf32>
    %slice3A_142 = vector.extract_strided_slice %get3A_21 {offsets = [0, 31, 0], sizes = [1, 1, 128], strides = [1, 1, 1]} : vector<1x50x128xf32> to vector<1x1x128xf32>
    %squeeze3A_143 = vector.shape_cast %slice3A_142 : vector<1x1x128xf32> to vector<128xf32>
    %reshape3A_144 = vector.shape_cast %squeeze3A_143 : vector<128xf32> to vector<1x128xf32>
    %transpose3A_145 = tpu.transpose %reshape3A_144, [1, 0] : vector<1x128xf32> -> vector<128x1xf32>
    %slice3A_146 = vector.extract_strided_slice %get3A_21 {offsets = [0, 32, 0], sizes = [1, 1, 128], strides = [1, 1, 1]} : vector<1x50x128xf32> to vector<1x1x128xf32>
    %squeeze3A_147 = vector.shape_cast %slice3A_146 : vector<1x1x128xf32> to vector<128xf32>
    %reshape3A_148 = vector.shape_cast %squeeze3A_147 : vector<128xf32> to vector<1x128xf32>
    %transpose3A_149 = tpu.transpose %reshape3A_148, [1, 0] : vector<1x128xf32> -> vector<128x1xf32>
    %slice3A_150 = vector.extract_strided_slice %get3A_21 {offsets = [0, 33, 0], sizes = [1, 1, 128], strides = [1, 1, 1]} : vector<1x50x128xf32> to vector<1x1x128xf32>
    %squeeze3A_151 = vector.shape_cast %slice3A_150 : vector<1x1x128xf32> to vector<128xf32>
    %reshape3A_152 = vector.shape_cast %squeeze3A_151 : vector<128xf32> to vector<1x128xf32>
    %transpose3A_153 = tpu.transpose %reshape3A_152, [1, 0] : vector<1x128xf32> -> vector<128x1xf32>
    %slice3A_154 = vector.extract_strided_slice %get3A_21 {offsets = [0, 34, 0], sizes = [1, 1, 128], strides = [1, 1, 1]} : vector<1x50x128xf32> to vector<1x1x128xf32>
    %squeeze3A_155 = vector.shape_cast %slice3A_154 : vector<1x1x128xf32> to vector<128xf32>
    %reshape3A_156 = vector.shape_cast %squeeze3A_155 : vector<128xf32> to vector<1x128xf32>
    %transpose3A_157 = tpu.transpose %reshape3A_156, [1, 0] : vector<1x128xf32> -> vector<128x1xf32>
    %slice3A_158 = vector.extract_strided_slice %get3A_21 {offsets = [0, 35, 0], sizes = [1, 1, 128], strides = [1, 1, 1]} : vector<1x50x128xf32> to vector<1x1x128xf32>
    %squeeze3A_159 = vector.shape_cast %slice3A_158 : vector<1x1x128xf32> to vector<128xf32>
    %reshape3A_160 = vector.shape_cast %squeeze3A_159 : vector<128xf32> to vector<1x128xf32>
    %transpose3A_161 = tpu.transpose %reshape3A_160, [1, 0] : vector<1x128xf32> -> vector<128x1xf32>
    %slice3A_162 = vector.extract_strided_slice %get3A_21 {offsets = [0, 36, 0], sizes = [1, 1, 128], strides = [1, 1, 1]} : vector<1x50x128xf32> to vector<1x1x128xf32>
    %squeeze3A_163 = vector.shape_cast %slice3A_162 : vector<1x1x128xf32> to vector<128xf32>
    %reshape3A_164 = vector.shape_cast %squeeze3A_163 : vector<128xf32> to vector<1x128xf32>
    %transpose3A_165 = tpu.transpose %reshape3A_164, [1, 0] : vector<1x128xf32> -> vector<128x1xf32>
    %slice3A_166 = vector.extract_strided_slice %get3A_21 {offsets = [0, 37, 0], sizes = [1, 1, 128], strides = [1, 1, 1]} : vector<1x50x128xf32> to vector<1x1x128xf32>
    %squeeze3A_167 = vector.shape_cast %slice3A_166 : vector<1x1x128xf32> to vector<128xf32>
    %reshape3A_168 = vector.shape_cast %squeeze3A_167 : vector<128xf32> to vector<1x128xf32>
    %transpose3A_169 = tpu.transpose %reshape3A_168, [1, 0] : vector<1x128xf32> -> vector<128x1xf32>
    %slice3A_170 = vector.extract_strided_slice %get3A_21 {offsets = [0, 38, 0], sizes = [1, 1, 128], strides = [1, 1, 1]} : vector<1x50x128xf32> to vector<1x1x128xf32>
    %squeeze3A_171 = vector.shape_cast %slice3A_170 : vector<1x1x128xf32> to vector<128xf32>
    %reshape3A_172 = vector.shape_cast %squeeze3A_171 : vector<128xf32> to vector<1x128xf32>
    %transpose3A_173 = tpu.transpose %reshape3A_172, [1, 0] : vector<1x128xf32> -> vector<128x1xf32>
    %slice3A_174 = vector.extract_strided_slice %get3A_21 {offsets = [0, 39, 0], sizes = [1, 1, 128], strides = [1, 1, 1]} : vector<1x50x128xf32> to vector<1x1x128xf32>
    %squeeze3A_175 = vector.shape_cast %slice3A_174 : vector<1x1x128xf32> to vector<128xf32>
    %reshape3A_176 = vector.shape_cast %squeeze3A_175 : vector<128xf32> to vector<1x128xf32>
    %transpose3A_177 = tpu.transpose %reshape3A_176, [1, 0] : vector<1x128xf32> -> vector<128x1xf32>
    %slice3A_178 = vector.extract_strided_slice %get3A_21 {offsets = [0, 40, 0], sizes = [1, 1, 128], strides = [1, 1, 1]} : vector<1x50x128xf32> to vector<1x1x128xf32>
    %squeeze3A_179 = vector.shape_cast %slice3A_178 : vector<1x1x128xf32> to vector<128xf32>
    %reshape3A_180 = vector.shape_cast %squeeze3A_179 : vector<128xf32> to vector<1x128xf32>
    %transpose3A_181 = tpu.transpose %reshape3A_180, [1, 0] : vector<1x128xf32> -> vector<128x1xf32>
    %slice3A_182 = vector.extract_strided_slice %get3A_21 {offsets = [0, 41, 0], sizes = [1, 1, 128], strides = [1, 1, 1]} : vector<1x50x128xf32> to vector<1x1x128xf32>
    %squeeze3A_183 = vector.shape_cast %slice3A_182 : vector<1x1x128xf32> to vector<128xf32>
    %reshape3A_184 = vector.shape_cast %squeeze3A_183 : vector<128xf32> to vector<1x128xf32>
    %transpose3A_185 = tpu.transpose %reshape3A_184, [1, 0] : vector<1x128xf32> -> vector<128x1xf32>
    %slice3A_186 = vector.extract_strided_slice %get3A_21 {offsets = [0, 42, 0], sizes = [1, 1, 128], strides = [1, 1, 1]} : vector<1x50x128xf32> to vector<1x1x128xf32>
    %squeeze3A_187 = vector.shape_cast %slice3A_186 : vector<1x1x128xf32> to vector<128xf32>
    %reshape3A_188 = vector.shape_cast %squeeze3A_187 : vector<128xf32> to vector<1x128xf32>
    %transpose3A_189 = tpu.transpose %reshape3A_188, [1, 0] : vector<1x128xf32> -> vector<128x1xf32>
    %slice3A_190 = vector.extract_strided_slice %get3A_21 {offsets = [0, 43, 0], sizes = [1, 1, 128], strides = [1, 1, 1]} : vector<1x50x128xf32> to vector<1x1x128xf32>
    %squeeze3A_191 = vector.shape_cast %slice3A_190 : vector<1x1x128xf32> to vector<128xf32>
    %reshape3A_192 = vector.shape_cast %squeeze3A_191 : vector<128xf32> to vector<1x128xf32>
    %transpose3A_193 = tpu.transpose %reshape3A_192, [1, 0] : vector<1x128xf32> -> vector<128x1xf32>
    %slice3A_194 = vector.extract_strided_slice %get3A_21 {offsets = [0, 44, 0], sizes = [1, 1, 128], strides = [1, 1, 1]} : vector<1x50x128xf32> to vector<1x1x128xf32>
    %squeeze3A_195 = vector.shape_cast %slice3A_194 : vector<1x1x128xf32> to vector<128xf32>
    %reshape3A_196 = vector.shape_cast %squeeze3A_195 : vector<128xf32> to vector<1x128xf32>
    %transpose3A_197 = tpu.transpose %reshape3A_196, [1, 0] : vector<1x128xf32> -> vector<128x1xf32>
    %slice3A_198 = vector.extract_strided_slice %get3A_21 {offsets = [0, 45, 0], sizes = [1, 1, 128], strides = [1, 1, 1]} : vector<1x50x128xf32> to vector<1x1x128xf32>
    %squeeze3A_199 = vector.shape_cast %slice3A_198 : vector<1x1x128xf32> to vector<128xf32>
    %reshape3A_200 = vector.shape_cast %squeeze3A_199 : vector<128xf32> to vector<1x128xf32>
    %transpose3A_201 = tpu.transpose %reshape3A_200, [1, 0] : vector<1x128xf32> -> vector<128x1xf32>
    %slice3A_202 = vector.extract_strided_slice %get3A_21 {offsets = [0, 46, 0], sizes = [1, 1, 128], strides = [1, 1, 1]} : vector<1x50x128xf32> to vector<1x1x128xf32>
    %squeeze3A_203 = vector.shape_cast %slice3A_202 : vector<1x1x128xf32> to vector<128xf32>
    %reshape3A_204 = vector.shape_cast %squeeze3A_203 : vector<128xf32> to vector<1x128xf32>
    %transpose3A_205 = tpu.transpose %reshape3A_204, [1, 0] : vector<1x128xf32> -> vector<128x1xf32>
    %slice3A_206 = vector.extract_strided_slice %get3A_21 {offsets = [0, 47, 0], sizes = [1, 1, 128], strides = [1, 1, 1]} : vector<1x50x128xf32> to vector<1x1x128xf32>
    %squeeze3A_207 = vector.shape_cast %slice3A_206 : vector<1x1x128xf32> to vector<128xf32>
    %reshape3A_208 = vector.shape_cast %squeeze3A_207 : vector<128xf32> to vector<1x128xf32>
    %transpose3A_209 = tpu.transpose %reshape3A_208, [1, 0] : vector<1x128xf32> -> vector<128x1xf32>
    %slice3A_210 = vector.extract_strided_slice %get3A_21 {offsets = [0, 48, 0], sizes = [1, 1, 128], strides = [1, 1, 1]} : vector<1x50x128xf32> to vector<1x1x128xf32>
    %squeeze3A_211 = vector.shape_cast %slice3A_210 : vector<1x1x128xf32> to vector<128xf32>
    %reshape3A_212 = vector.shape_cast %squeeze3A_211 : vector<128xf32> to vector<1x128xf32>
    %transpose3A_213 = tpu.transpose %reshape3A_212, [1, 0] : vector<1x128xf32> -> vector<128x1xf32>
    %slice3A_214 = vector.extract_strided_slice %get3A_21 {offsets = [0, 49, 0], sizes = [1, 1, 128], strides = [1, 1, 1]} : vector<1x50x128xf32> to vector<1x1x128xf32>
    %squeeze3A_215 = vector.shape_cast %slice3A_214 : vector<1x1x128xf32> to vector<128xf32>
    %reshape3A_216 = vector.shape_cast %squeeze3A_215 : vector<128xf32> to vector<1x128xf32>
    %transpose3A_217 = tpu.transpose %reshape3A_216, [1, 0] : vector<1x128xf32> -> vector<128x1xf32>
    %concatenate3A = tpu.concatenate %transpose3A, %transpose3A_25, %transpose3A_29, %transpose3A_33, %transpose3A_37, %transpose3A_41, %transpose3A_45, %transpose3A_49, %transpose3A_53, %transpose3A_57, %transpose3A_61, %transpose3A_65, %transpose3A_69, %transpose3A_73, %transpose3A_77, %transpose3A_81, %transpose3A_85, %transpose3A_89, %transpose3A_93, %transpose3A_97, %transpose3A_101, %transpose3A_105, %transpose3A_109, %transpose3A_113, %transpose3A_117, %transpose3A_121, %transpose3A_125, %transpose3A_129, %transpose3A_133, %transpose3A_137, %transpose3A_141, %transpose3A_145, %transpose3A_149, %transpose3A_153, %transpose3A_157, %transpose3A_161, %transpose3A_165, %transpose3A_169, %transpose3A_173, %transpose3A_177, %transpose3A_181, %transpose3A_185, %transpose3A_189, %transpose3A_193, %transpose3A_197, %transpose3A_201, %transpose3A_205, %transpose3A_209, %transpose3A_213, %transpose3A_217 in 0 : vector<128x1xf32>, vector<128x1xf32>, vector<128x1xf32>, vector<128x1xf32>, vector<128x1xf32>, vector<128x1xf32>, vector<128x1xf32>, vector<128x1xf32>, vector<128x1xf32>, vector<128x1xf32>, vector<128x1xf32>, vector<128x1xf32>, vector<128x1xf32>, vector<128x1xf32>, vector<128x1xf32>, vector<128x1xf32>, vector<128x1xf32>, vector<128x1xf32>, vector<128x1xf32>, vector<128x1xf32>, vector<128x1xf32>, vector<128x1xf32>, vector<128x1xf32>, vector<128x1xf32>, vector<128x1xf32>, vector<128x1xf32>, vector<128x1xf32>, vector<128x1xf32>, vector<128x1xf32>, vector<128x1xf32>, vector<128x1xf32>, vector<128x1xf32>, vector<128x1xf32>, vector<128x1xf32>, vector<128x1xf32>, vector<128x1xf32>, vector<128x1xf32>, vector<128x1xf32>, vector<128x1xf32>, vector<128x1xf32>, vector<128x1xf32>, vector<128x1xf32>, vector<128x1xf32>, vector<128x1xf32>, vector<128x1xf32>, vector<128x1xf32>, vector<128x1xf32>, vector<128x1xf32>, vector<128x1xf32>, vector<128x1xf32> -> vector<6400x1xf32>
    %add3A = arith.addf %bitcast_convert_type3A, %bitcast_convert_type3A_13 : vector<6400x128xf32>
    %get3A_218 = arith.constant 0 : index
    %get3A_219 = arith.constant 0 : index
    %get3A_220 = vector.load %arg7[%get3A_218, %get3A_219] : memref<1x128xf32, #tpu.memory_space<vmem>>, vector<1x128xf32>
    %mul3A = vector.broadcast %concatenate3A : vector<6400x1xf32> to vector<6400x128xf32>
    %mul3A_221 = vector.broadcast %get3A_220 : vector<1x128xf32> to vector<6400x128xf32>
    %mul3A_222 = arith.mulf %mul3A, %mul3A_221 : vector<6400x128xf32>
    %add3A_223 = arith.addf %add3A, %mul3A_222 : vector<6400x128xf32>
    %get3A_224 = arith.constant 0 : index
    %get3A_225 = arith.constant 0 : index
    %get3A_226 = vector.load %arg9[%get3A_224, %get3A_225] : memref<1x128xf32, #tpu.memory_space<vmem>>, vector<1x128xf32>
    %add3A_227 = vector.broadcast %get3A_226 : vector<1x128xf32> to vector<6400x128xf32>
    %add3A_228 = arith.addf %add3A_223, %add3A_227 : vector<6400x128xf32>
    %add3A_229 = arith.addf %bitcast_convert_type3A_9, %bitcast_convert_type3A_17 : vector<6400x128xf32>
    %get3A_230 = arith.constant 0 : index
    %get3A_231 = arith.constant 0 : index
    %get3A_232 = vector.load %arg8[%get3A_230, %get3A_231] : memref<1x128xf32, #tpu.memory_space<vmem>>, vector<1x128xf32>
    %mul3A_233 = vector.broadcast %concatenate3A : vector<6400x1xf32> to vector<6400x128xf32>
    %mul3A_234 = vector.broadcast %get3A_232 : vector<1x128xf32> to vector<6400x128xf32>
    %mul3A_235 = arith.mulf %mul3A_233, %mul3A_234 : vector<6400x128xf32>
    %add3A_236 = arith.addf %add3A_229, %mul3A_235 : vector<6400x128xf32>
    %get3A_237 = arith.constant 0 : index
    %get3A_238 = arith.constant 0 : index
    %get3A_239 = vector.load %arg10[%get3A_237, %get3A_238] : memref<1x128xf32, #tpu.memory_space<vmem>>, vector<1x128xf32>
    %add3A_240 = vector.broadcast %get3A_239 : vector<1x128xf32> to vector<6400x128xf32>
    %add3A_241 = arith.addf %add3A_236, %add3A_240 : vector<6400x128xf32>
    %logistic3A = arith.negf %add3A_228 : vector<6400x128xf32>
    %logistic3A_242 = math.exp %logistic3A : vector<6400x128xf32>
    %logistic3A_243 = arith.constant 1.000000e+00 : f32
    %logistic3A_244 = vector.broadcast %logistic3A_243 : f32 to vector<6400x128xf32>
    %logistic3A_245 = arith.addf %logistic3A_244, %logistic3A_242 : vector<6400x128xf32>
    %logistic3A_246 = arith.divf %logistic3A_244, %logistic3A_245 : vector<6400x128xf32>
    %mul3A_247 = arith.mulf %add3A_228, %logistic3A_246 : vector<6400x128xf32>
    %convert_element_type3A = arith.truncf %mul3A_247 : vector<6400x128xf32> to vector<6400x128xbf16>
    %logistic3A_248 = arith.negf %add3A_241 : vector<6400x128xf32>
    %logistic3A_249 = math.exp %logistic3A_248 : vector<6400x128xf32>
    %logistic3A_250 = arith.constant 1.000000e+00 : f32
    %logistic3A_251 = vector.broadcast %logistic3A_250 : f32 to vector<6400x128xf32>
    %logistic3A_252 = arith.addf %logistic3A_251, %logistic3A_249 : vector<6400x128xf32>
    %logistic3A_253 = arith.divf %logistic3A_251, %logistic3A_252 : vector<6400x128xf32>
    %mul3A_254 = arith.mulf %add3A_241, %logistic3A_253 : vector<6400x128xf32>
    %convert_element_type3A_255 = arith.truncf %mul3A_254 : vector<6400x128xf32> to vector<6400x128xbf16>
    %concatenate3A_256 = tpu.concatenate %convert_element_type3A, %convert_element_type3A_255 in 1 : vector<6400x128xbf16>, vector<6400x128xbf16> -> vector<6400x256xbf16>
    %get3A_257 = arith.constant 0 : index
    %get3A_258 = arith.constant 0 : index
    %get3A_259 = vector.load %arg11[%get3A_257, %get3A_258] : memref<256x256xbf16, #tpu.memory_space<vmem>>, vector<256x256xbf16>
    %dot_general3A = arith.constant dense<0.000000e+00> : vector<6400x256xf32>
    %dot_general3A_260 = tpu.matmul %concatenate3A_256, %get3A_259, %dot_general3A {dimension_numbers = #tpu.dot_dimension_numbers<[1], [0], [0], [1], [0, 0, 1, 1], [], []>, transpose_lhs_hint = false} : vector<6400x256xbf16>, vector<256x256xbf16>, vector<6400x256xf32> -> vector<6400x256xf32>
    %get3A_261 = arith.constant 0 : index
    %get3A_262 = arith.constant 0 : index
    %get3A_263 = vector.load %arg12[%get3A_261, %get3A_262] : memref<1x256xf32, #tpu.memory_space<vmem>>, vector<1x256xf32>
    %add3A_264 = vector.broadcast %get3A_263 : vector<1x256xf32> to vector<6400x256xf32>
    %add3A_265 = arith.addf %dot_general3A_260, %add3A_264 : vector<6400x256xf32>
    %logistic3A_266 = arith.negf %add3A_265 : vector<6400x256xf32>
    %logistic3A_267 = math.exp %logistic3A_266 : vector<6400x256xf32>
    %logistic3A_268 = arith.constant 1.000000e+00 : f32
    %logistic3A_269 = vector.broadcast %logistic3A_268 : f32 to vector<6400x256xf32>
    %logistic3A_270 = arith.addf %logistic3A_269, %logistic3A_267 : vector<6400x256xf32>
    %logistic3A_271 = arith.divf %logistic3A_269, %logistic3A_270 : vector<6400x256xf32>
    %mul3A_272 = arith.mulf %add3A_265, %logistic3A_271 : vector<6400x256xf32>
    %get3A_273 = arith.constant 0 : index
    %get3A_274 = arith.constant 0 : index
    %get3A_275 = vector.load %arg13[%get3A_273, %get3A_274] : memref<1x256xf32, #tpu.memory_space<vmem>>, vector<1x256xf32>
    %mul3A_276 = vector.broadcast %get3A_275 : vector<1x256xf32> to vector<6400x256xf32>
    %mul3A_277 = arith.mulf %mul3A_272, %mul3A_276 : vector<6400x256xf32>
    %reduce_sum3A = arith.constant dense<0.000000e+00> : vector<6400xf32>
    %reduce_sum3A_278 = vector.multi_reduction <add>, %mul3A_277, %reduce_sum3A [1] : vector<6400x256xf32> to vector<6400xf32>
    %broadcast_in_dim3A = vector.shape_cast %reduce_sum3A_278 : vector<6400xf32> to vector<6400x1xf32>
    %slice3A_279 = vector.extract_strided_slice %broadcast_in_dim3A {offsets = [0, 0], sizes = [128, 1], strides = [1, 1]} : vector<6400x1xf32> to vector<128x1xf32>
    %transpose3A_280 = tpu.transpose %slice3A_279, [1, 0] : vector<128x1xf32> -> vector<1x128xf32>
    %slice3A_281 = vector.extract_strided_slice %broadcast_in_dim3A {offsets = [128, 0], sizes = [128, 1], strides = [1, 1]} : vector<6400x1xf32> to vector<128x1xf32>
    %transpose3A_282 = tpu.transpose %slice3A_281, [1, 0] : vector<128x1xf32> -> vector<1x128xf32>
    %slice3A_283 = vector.extract_strided_slice %broadcast_in_dim3A {offsets = [256, 0], sizes = [128, 1], strides = [1, 1]} : vector<6400x1xf32> to vector<128x1xf32>
    %transpose3A_284 = tpu.transpose %slice3A_283, [1, 0] : vector<128x1xf32> -> vector<1x128xf32>
    %slice3A_285 = vector.extract_strided_slice %broadcast_in_dim3A {offsets = [384, 0], sizes = [128, 1], strides = [1, 1]} : vector<6400x1xf32> to vector<128x1xf32>
    %transpose3A_286 = tpu.transpose %slice3A_285, [1, 0] : vector<128x1xf32> -> vector<1x128xf32>
    %slice3A_287 = vector.extract_strided_slice %broadcast_in_dim3A {offsets = [512, 0], sizes = [128, 1], strides = [1, 1]} : vector<6400x1xf32> to vector<128x1xf32>
    %transpose3A_288 = tpu.transpose %slice3A_287, [1, 0] : vector<128x1xf32> -> vector<1x128xf32>
    %slice3A_289 = vector.extract_strided_slice %broadcast_in_dim3A {offsets = [640, 0], sizes = [128, 1], strides = [1, 1]} : vector<6400x1xf32> to vector<128x1xf32>
    %transpose3A_290 = tpu.transpose %slice3A_289, [1, 0] : vector<128x1xf32> -> vector<1x128xf32>
    %slice3A_291 = vector.extract_strided_slice %broadcast_in_dim3A {offsets = [768, 0], sizes = [128, 1], strides = [1, 1]} : vector<6400x1xf32> to vector<128x1xf32>
    %transpose3A_292 = tpu.transpose %slice3A_291, [1, 0] : vector<128x1xf32> -> vector<1x128xf32>
    %slice3A_293 = vector.extract_strided_slice %broadcast_in_dim3A {offsets = [896, 0], sizes = [128, 1], strides = [1, 1]} : vector<6400x1xf32> to vector<128x1xf32>
    %transpose3A_294 = tpu.transpose %slice3A_293, [1, 0] : vector<128x1xf32> -> vector<1x128xf32>
    %slice3A_295 = vector.extract_strided_slice %broadcast_in_dim3A {offsets = [1024, 0], sizes = [128, 1], strides = [1, 1]} : vector<6400x1xf32> to vector<128x1xf32>
    %transpose3A_296 = tpu.transpose %slice3A_295, [1, 0] : vector<128x1xf32> -> vector<1x128xf32>
    %slice3A_297 = vector.extract_strided_slice %broadcast_in_dim3A {offsets = [1152, 0], sizes = [128, 1], strides = [1, 1]} : vector<6400x1xf32> to vector<128x1xf32>
    %transpose3A_298 = tpu.transpose %slice3A_297, [1, 0] : vector<128x1xf32> -> vector<1x128xf32>
    %slice3A_299 = vector.extract_strided_slice %broadcast_in_dim3A {offsets = [1280, 0], sizes = [128, 1], strides = [1, 1]} : vector<6400x1xf32> to vector<128x1xf32>
    %transpose3A_300 = tpu.transpose %slice3A_299, [1, 0] : vector<128x1xf32> -> vector<1x128xf32>
    %slice3A_301 = vector.extract_strided_slice %broadcast_in_dim3A {offsets = [1408, 0], sizes = [128, 1], strides = [1, 1]} : vector<6400x1xf32> to vector<128x1xf32>
    %transpose3A_302 = tpu.transpose %slice3A_301, [1, 0] : vector<128x1xf32> -> vector<1x128xf32>
    %slice3A_303 = vector.extract_strided_slice %broadcast_in_dim3A {offsets = [1536, 0], sizes = [128, 1], strides = [1, 1]} : vector<6400x1xf32> to vector<128x1xf32>
    %transpose3A_304 = tpu.transpose %slice3A_303, [1, 0] : vector<128x1xf32> -> vector<1x128xf32>
    %slice3A_305 = vector.extract_strided_slice %broadcast_in_dim3A {offsets = [1664, 0], sizes = [128, 1], strides = [1, 1]} : vector<6400x1xf32> to vector<128x1xf32>
    %transpose3A_306 = tpu.transpose %slice3A_305, [1, 0] : vector<128x1xf32> -> vector<1x128xf32>
    %slice3A_307 = vector.extract_strided_slice %broadcast_in_dim3A {offsets = [1792, 0], sizes = [128, 1], strides = [1, 1]} : vector<6400x1xf32> to vector<128x1xf32>
    %transpose3A_308 = tpu.transpose %slice3A_307, [1, 0] : vector<128x1xf32> -> vector<1x128xf32>
    %slice3A_309 = vector.extract_strided_slice %broadcast_in_dim3A {offsets = [1920, 0], sizes = [128, 1], strides = [1, 1]} : vector<6400x1xf32> to vector<128x1xf32>
    %transpose3A_310 = tpu.transpose %slice3A_309, [1, 0] : vector<128x1xf32> -> vector<1x128xf32>
    %slice3A_311 = vector.extract_strided_slice %broadcast_in_dim3A {offsets = [2048, 0], sizes = [128, 1], strides = [1, 1]} : vector<6400x1xf32> to vector<128x1xf32>
    %transpose3A_312 = tpu.transpose %slice3A_311, [1, 0] : vector<128x1xf32> -> vector<1x128xf32>
    %slice3A_313 = vector.extract_strided_slice %broadcast_in_dim3A {offsets = [2176, 0], sizes = [128, 1], strides = [1, 1]} : vector<6400x1xf32> to vector<128x1xf32>
    %transpose3A_314 = tpu.transpose %slice3A_313, [1, 0] : vector<128x1xf32> -> vector<1x128xf32>
    %slice3A_315 = vector.extract_strided_slice %broadcast_in_dim3A {offsets = [2304, 0], sizes = [128, 1], strides = [1, 1]} : vector<6400x1xf32> to vector<128x1xf32>
    %transpose3A_316 = tpu.transpose %slice3A_315, [1, 0] : vector<128x1xf32> -> vector<1x128xf32>
    %slice3A_317 = vector.extract_strided_slice %broadcast_in_dim3A {offsets = [2432, 0], sizes = [128, 1], strides = [1, 1]} : vector<6400x1xf32> to vector<128x1xf32>
    %transpose3A_318 = tpu.transpose %slice3A_317, [1, 0] : vector<128x1xf32> -> vector<1x128xf32>
    %slice3A_319 = vector.extract_strided_slice %broadcast_in_dim3A {offsets = [2560, 0], sizes = [128, 1], strides = [1, 1]} : vector<6400x1xf32> to vector<128x1xf32>
    %transpose3A_320 = tpu.transpose %slice3A_319, [1, 0] : vector<128x1xf32> -> vector<1x128xf32>
    %slice3A_321 = vector.extract_strided_slice %broadcast_in_dim3A {offsets = [2688, 0], sizes = [128, 1], strides = [1, 1]} : vector<6400x1xf32> to vector<128x1xf32>
    %transpose3A_322 = tpu.transpose %slice3A_321, [1, 0] : vector<128x1xf32> -> vector<1x128xf32>
    %slice3A_323 = vector.extract_strided_slice %broadcast_in_dim3A {offsets = [2816, 0], sizes = [128, 1], strides = [1, 1]} : vector<6400x1xf32> to vector<128x1xf32>
    %transpose3A_324 = tpu.transpose %slice3A_323, [1, 0] : vector<128x1xf32> -> vector<1x128xf32>
    %slice3A_325 = vector.extract_strided_slice %broadcast_in_dim3A {offsets = [2944, 0], sizes = [128, 1], strides = [1, 1]} : vector<6400x1xf32> to vector<128x1xf32>
    %transpose3A_326 = tpu.transpose %slice3A_325, [1, 0] : vector<128x1xf32> -> vector<1x128xf32>
    %slice3A_327 = vector.extract_strided_slice %broadcast_in_dim3A {offsets = [3072, 0], sizes = [128, 1], strides = [1, 1]} : vector<6400x1xf32> to vector<128x1xf32>
    %transpose3A_328 = tpu.transpose %slice3A_327, [1, 0] : vector<128x1xf32> -> vector<1x128xf32>
    %slice3A_329 = vector.extract_strided_slice %broadcast_in_dim3A {offsets = [3200, 0], sizes = [128, 1], strides = [1, 1]} : vector<6400x1xf32> to vector<128x1xf32>
    %transpose3A_330 = tpu.transpose %slice3A_329, [1, 0] : vector<128x1xf32> -> vector<1x128xf32>
    %slice3A_331 = vector.extract_strided_slice %broadcast_in_dim3A {offsets = [3328, 0], sizes = [128, 1], strides = [1, 1]} : vector<6400x1xf32> to vector<128x1xf32>
    %transpose3A_332 = tpu.transpose %slice3A_331, [1, 0] : vector<128x1xf32> -> vector<1x128xf32>
    %slice3A_333 = vector.extract_strided_slice %broadcast_in_dim3A {offsets = [3456, 0], sizes = [128, 1], strides = [1, 1]} : vector<6400x1xf32> to vector<128x1xf32>
    %transpose3A_334 = tpu.transpose %slice3A_333, [1, 0] : vector<128x1xf32> -> vector<1x128xf32>
    %slice3A_335 = vector.extract_strided_slice %broadcast_in_dim3A {offsets = [3584, 0], sizes = [128, 1], strides = [1, 1]} : vector<6400x1xf32> to vector<128x1xf32>
    %transpose3A_336 = tpu.transpose %slice3A_335, [1, 0] : vector<128x1xf32> -> vector<1x128xf32>
    %slice3A_337 = vector.extract_strided_slice %broadcast_in_dim3A {offsets = [3712, 0], sizes = [128, 1], strides = [1, 1]} : vector<6400x1xf32> to vector<128x1xf32>
    %transpose3A_338 = tpu.transpose %slice3A_337, [1, 0] : vector<128x1xf32> -> vector<1x128xf32>
    %slice3A_339 = vector.extract_strided_slice %broadcast_in_dim3A {offsets = [3840, 0], sizes = [128, 1], strides = [1, 1]} : vector<6400x1xf32> to vector<128x1xf32>
    %transpose3A_340 = tpu.transpose %slice3A_339, [1, 0] : vector<128x1xf32> -> vector<1x128xf32>
    %slice3A_341 = vector.extract_strided_slice %broadcast_in_dim3A {offsets = [3968, 0], sizes = [128, 1], strides = [1, 1]} : vector<6400x1xf32> to vector<128x1xf32>
    %transpose3A_342 = tpu.transpose %slice3A_341, [1, 0] : vector<128x1xf32> -> vector<1x128xf32>
    %slice3A_343 = vector.extract_strided_slice %broadcast_in_dim3A {offsets = [4096, 0], sizes = [128, 1], strides = [1, 1]} : vector<6400x1xf32> to vector<128x1xf32>
    %transpose3A_344 = tpu.transpose %slice3A_343, [1, 0] : vector<128x1xf32> -> vector<1x128xf32>
    %slice3A_345 = vector.extract_strided_slice %broadcast_in_dim3A {offsets = [4224, 0], sizes = [128, 1], strides = [1, 1]} : vector<6400x1xf32> to vector<128x1xf32>
    %transpose3A_346 = tpu.transpose %slice3A_345, [1, 0] : vector<128x1xf32> -> vector<1x128xf32>
    %slice3A_347 = vector.extract_strided_slice %broadcast_in_dim3A {offsets = [4352, 0], sizes = [128, 1], strides = [1, 1]} : vector<6400x1xf32> to vector<128x1xf32>
    %transpose3A_348 = tpu.transpose %slice3A_347, [1, 0] : vector<128x1xf32> -> vector<1x128xf32>
    %slice3A_349 = vector.extract_strided_slice %broadcast_in_dim3A {offsets = [4480, 0], sizes = [128, 1], strides = [1, 1]} : vector<6400x1xf32> to vector<128x1xf32>
    %transpose3A_350 = tpu.transpose %slice3A_349, [1, 0] : vector<128x1xf32> -> vector<1x128xf32>
    %slice3A_351 = vector.extract_strided_slice %broadcast_in_dim3A {offsets = [4608, 0], sizes = [128, 1], strides = [1, 1]} : vector<6400x1xf32> to vector<128x1xf32>
    %transpose3A_352 = tpu.transpose %slice3A_351, [1, 0] : vector<128x1xf32> -> vector<1x128xf32>
    %slice3A_353 = vector.extract_strided_slice %broadcast_in_dim3A {offsets = [4736, 0], sizes = [128, 1], strides = [1, 1]} : vector<6400x1xf32> to vector<128x1xf32>
    %transpose3A_354 = tpu.transpose %slice3A_353, [1, 0] : vector<128x1xf32> -> vector<1x128xf32>
    %slice3A_355 = vector.extract_strided_slice %broadcast_in_dim3A {offsets = [4864, 0], sizes = [128, 1], strides = [1, 1]} : vector<6400x1xf32> to vector<128x1xf32>
    %transpose3A_356 = tpu.transpose %slice3A_355, [1, 0] : vector<128x1xf32> -> vector<1x128xf32>
    %slice3A_357 = vector.extract_strided_slice %broadcast_in_dim3A {offsets = [4992, 0], sizes = [128, 1], strides = [1, 1]} : vector<6400x1xf32> to vector<128x1xf32>
    %transpose3A_358 = tpu.transpose %slice3A_357, [1, 0] : vector<128x1xf32> -> vector<1x128xf32>
    %slice3A_359 = vector.extract_strided_slice %broadcast_in_dim3A {offsets = [5120, 0], sizes = [128, 1], strides = [1, 1]} : vector<6400x1xf32> to vector<128x1xf32>
    %transpose3A_360 = tpu.transpose %slice3A_359, [1, 0] : vector<128x1xf32> -> vector<1x128xf32>
    %slice3A_361 = vector.extract_strided_slice %broadcast_in_dim3A {offsets = [5248, 0], sizes = [128, 1], strides = [1, 1]} : vector<6400x1xf32> to vector<128x1xf32>
    %transpose3A_362 = tpu.transpose %slice3A_361, [1, 0] : vector<128x1xf32> -> vector<1x128xf32>
    %slice3A_363 = vector.extract_strided_slice %broadcast_in_dim3A {offsets = [5376, 0], sizes = [128, 1], strides = [1, 1]} : vector<6400x1xf32> to vector<128x1xf32>
    %transpose3A_364 = tpu.transpose %slice3A_363, [1, 0] : vector<128x1xf32> -> vector<1x128xf32>
    %slice3A_365 = vector.extract_strided_slice %broadcast_in_dim3A {offsets = [5504, 0], sizes = [128, 1], strides = [1, 1]} : vector<6400x1xf32> to vector<128x1xf32>
    %transpose3A_366 = tpu.transpose %slice3A_365, [1, 0] : vector<128x1xf32> -> vector<1x128xf32>
    %slice3A_367 = vector.extract_strided_slice %broadcast_in_dim3A {offsets = [5632, 0], sizes = [128, 1], strides = [1, 1]} : vector<6400x1xf32> to vector<128x1xf32>
    %transpose3A_368 = tpu.transpose %slice3A_367, [1, 0] : vector<128x1xf32> -> vector<1x128xf32>
    %slice3A_369 = vector.extract_strided_slice %broadcast_in_dim3A {offsets = [5760, 0], sizes = [128, 1], strides = [1, 1]} : vector<6400x1xf32> to vector<128x1xf32>
    %transpose3A_370 = tpu.transpose %slice3A_369, [1, 0] : vector<128x1xf32> -> vector<1x128xf32>
    %slice3A_371 = vector.extract_strided_slice %broadcast_in_dim3A {offsets = [5888, 0], sizes = [128, 1], strides = [1, 1]} : vector<6400x1xf32> to vector<128x1xf32>
    %transpose3A_372 = tpu.transpose %slice3A_371, [1, 0] : vector<128x1xf32> -> vector<1x128xf32>
    %slice3A_373 = vector.extract_strided_slice %broadcast_in_dim3A {offsets = [6016, 0], sizes = [128, 1], strides = [1, 1]} : vector<6400x1xf32> to vector<128x1xf32>
    %transpose3A_374 = tpu.transpose %slice3A_373, [1, 0] : vector<128x1xf32> -> vector<1x128xf32>
    %slice3A_375 = vector.extract_strided_slice %broadcast_in_dim3A {offsets = [6144, 0], sizes = [128, 1], strides = [1, 1]} : vector<6400x1xf32> to vector<128x1xf32>
    %transpose3A_376 = tpu.transpose %slice3A_375, [1, 0] : vector<128x1xf32> -> vector<1x128xf32>
    %slice3A_377 = vector.extract_strided_slice %broadcast_in_dim3A {offsets = [6272, 0], sizes = [128, 1], strides = [1, 1]} : vector<6400x1xf32> to vector<128x1xf32>
    %transpose3A_378 = tpu.transpose %slice3A_377, [1, 0] : vector<128x1xf32> -> vector<1x128xf32>
    %concatenate3A_379 = tpu.concatenate %transpose3A_280, %transpose3A_282, %transpose3A_284, %transpose3A_286, %transpose3A_288, %transpose3A_290, %transpose3A_292, %transpose3A_294, %transpose3A_296, %transpose3A_298, %transpose3A_300, %transpose3A_302, %transpose3A_304, %transpose3A_306, %transpose3A_308, %transpose3A_310, %transpose3A_312, %transpose3A_314, %transpose3A_316, %transpose3A_318, %transpose3A_320, %transpose3A_322, %transpose3A_324, %transpose3A_326, %transpose3A_328, %transpose3A_330, %transpose3A_332, %transpose3A_334, %transpose3A_336, %transpose3A_338, %transpose3A_340, %transpose3A_342, %transpose3A_344, %transpose3A_346, %transpose3A_348, %transpose3A_350, %transpose3A_352, %transpose3A_354, %transpose3A_356, %transpose3A_358, %transpose3A_360, %transpose3A_362, %transpose3A_364, %transpose3A_366, %transpose3A_368, %transpose3A_370, %transpose3A_372, %transpose3A_374, %transpose3A_376, %transpose3A_378 in 0 : vector<1x128xf32>, vector<1x128xf32>, vector<1x128xf32>, vector<1x128xf32>, vector<1x128xf32>, vector<1x128xf32>, vector<1x128xf32>, vector<1x128xf32>, vector<1x128xf32>, vector<1x128xf32>, vector<1x128xf32>, vector<1x128xf32>, vector<1x128xf32>, vector<1x128xf32>, vector<1x128xf32>, vector<1x128xf32>, vector<1x128xf32>, vector<1x128xf32>, vector<1x128xf32>, vector<1x128xf32>, vector<1x128xf32>, vector<1x128xf32>, vector<1x128xf32>, vector<1x128xf32>, vector<1x128xf32>, vector<1x128xf32>, vector<1x128xf32>, vector<1x128xf32>, vector<1x128xf32>, vector<1x128xf32>, vector<1x128xf32>, vector<1x128xf32>, vector<1x128xf32>, vector<1x128xf32>, vector<1x128xf32>, vector<1x128xf32>, vector<1x128xf32>, vector<1x128xf32>, vector<1x128xf32>, vector<1x128xf32>, vector<1x128xf32>, vector<1x128xf32>, vector<1x128xf32>, vector<1x128xf32>, vector<1x128xf32>, vector<1x128xf32>, vector<1x128xf32>, vector<1x128xf32>, vector<1x128xf32>, vector<1x128xf32> -> vector<50x128xf32>
    %get3A_380 = arith.constant 0 : index
    %get3A_381 = arith.constant 0 : index
    %get3A_382 = arith.constant 0 : index
    %get3A_383 = vector.load %arg4[%get3A_380, %get3A_381, %get3A_382] : memref<1x50x128xf32, #tpu.memory_space<vmem>>, vector<1x50x128xf32>
    %reshape3A_384 = vector.shape_cast %get3A_383 : vector<1x50x128xf32> to vector<50x128xf32>
    %mul3A_385 = arith.mulf %reshape3A_384, %concatenate3A_379 : vector<50x128xf32>
    %reshape3A_386 = vector.shape_cast %mul3A_385 : vector<50x128xf32> to vector<1x50x128xf32>
    %swap3A = arith.constant 0 : index
    %swap3A_387 = arith.constant 0 : index
    %swap3A_388 = arith.constant 0 : index
    %swap3A_389 = vector.load %arg14[%swap3A, %swap3A_387, %swap3A_388] : memref<1x50x128xf32, #tpu.memory_space<vmem>>, vector<1x50x128xf32>
    tpu.vector_store %arg14[%swap3A, %swap3A_387, %swap3A_388], %reshape3A_386 {strides = array<i32>} : memref<1x50x128xf32, #tpu.memory_space<vmem>>, vector<1x50x128xf32>,
    %get3A_390 = arith.constant 0 : index
    %get3A_391 = arith.constant 0 : index
    %get3A_392 = arith.constant 0 : index
    %get3A_393 = vector.load %arg5[%get3A_390, %get3A_391, %get3A_392] : memref<1x50x128xf32, #tpu.memory_space<vmem>>, vector<1x50x128xf32>
    %reshape3A_394 = vector.shape_cast %get3A_393 : vector<1x50x128xf32> to vector<50x128xf32>
    %mul3A_395 = arith.mulf %reshape3A_394, %concatenate3A_379 : vector<50x128xf32>
    %reshape3A_396 = vector.shape_cast %mul3A_395 : vector<50x128xf32> to vector<1x50x128xf32>
    %swap3A_397 = arith.constant 0 : index
    %swap3A_398 = arith.constant 0 : index
    %swap3A_399 = arith.constant 0 : index
    %swap3A_400 = vector.load %arg15[%swap3A_397, %swap3A_398, %swap3A_399] : memref<1x50x128xf32, #tpu.memory_space<vmem>>, vector<1x50x128xf32>
    tpu.vector_store %arg15[%swap3A_397, %swap3A_398, %swap3A_399], %reshape3A_396 {strides = array<i32>} : memref<1x50x128xf32, #tpu.memory_space<vmem>>, vector<1x50x128xf32>,
    %get3A_401 = arith.constant 0 : index
    %get3A_402 = arith.constant 0 : index
    %get3A_403 = arith.constant 0 : index
    %get3A_404 = vector.load %arg6[%get3A_401, %get3A_402, %get3A_403] : memref<1x50x128xf32, #tpu.memory_space<vmem>>, vector<1x50x128xf32>
    %reshape3A_405 = vector.shape_cast %get3A_404 : vector<1x50x128xf32> to vector<50x128xf32>
    %mul3A_406 = arith.mulf %reshape3A_405, %concatenate3A_379 : vector<50x128xf32>
    %reshape3A_407 = vector.shape_cast %mul3A_406 : vector<50x128xf32> to vector<1x50x128xf32>
    %swap3A_408 = arith.constant 0 : index
    %swap3A_409 = arith.constant 0 : index
    %swap3A_410 = arith.constant 0 : index
    %swap3A_411 = vector.load %arg16[%swap3A_408, %swap3A_409, %swap3A_410] : memref<1x50x128xf32, #tpu.memory_space<vmem>>, vector<1x50x128xf32>
    tpu.vector_store %arg16[%swap3A_408, %swap3A_409, %swap3A_410], %reshape3A_407 {strides = array<i32>} : memref<1x50x128xf32, #tpu.memory_space<vmem>>, vector<1x50x128xf32>,
    return
  }
  func.func @transform_0(%arg0: i32) -> (i32, i32) {
    %c0_i32 = arith.constant 0 : i32
    %c0_i32_0 = arith.constant 0 : i32
    return %arg0, %c0_i32 : i32, i32
  }
  func.func @transform_1(%arg0: i32) -> (i32, i32) {
    %c0_i32 = arith.constant 0 : i32
    %c0_i32_0 = arith.constant 0 : i32
    return %arg0, %c0_i32 : i32, i32
  }
  func.func @transform_2(%arg0: i32) -> (i32, i32, i32) {
    %add3A = arith.constant 0 : i32
    %add3A_0 = arith.addi %add3A, %arg0 : i32
    %c0_i32 = arith.constant 0 : i32
    %c0_i32_1 = arith.constant 0 : i32
    %c0_i32_2 = arith.constant 0 : i32
    return %add3A_0, %c0_i32, %c0_i32_1 : i32, i32, i32
  }
  func.func @transform_3(%arg0: i32) -> (i32, i32, i32) {
    %add3A = arith.constant 0 : i32
    %add3A_0 = arith.addi %add3A, %arg0 : i32
    %c0_i32 = arith.constant 0 : i32
    %c0_i32_1 = arith.constant 0 : i32
    %c0_i32_2 = arith.constant 0 : i32
    return %add3A_0, %c0_i32, %c0_i32_1 : i32, i32, i32
  }
  func.func @transform_4(%arg0: i32) -> (i32, i32, i32) {
    %add3A = arith.constant 0 : i32
    %add3A_0 = arith.addi %add3A, %arg0 : i32
    %c0_i32 = arith.constant 0 : i32
    %c0_i32_1 = arith.constant 0 : i32
    %c0_i32_2 = arith.constant 0 : i32
    return %add3A_0, %c0_i32, %c0_i32_1 : i32, i32, i32
  }
  func.func @transform_5(%arg0: i32) -> (i32, i32, i32) {
    %add3A = arith.constant 0 : i32
    %add3A_0 = arith.addi %add3A, %arg0 : i32
    %c0_i32 = arith.constant 0 : i32
    %c0_i32_1 = arith.constant 0 : i32
    %c0_i32_2 = arith.constant 0 : i32
    return %add3A_0, %c0_i32, %c0_i32_1 : i32, i32, i32
  }
  func.func @transform_6(%arg0: i32) -> (i32, i32) {
    %c0_i32 = arith.constant 0 : i32
    %c0_i32_0 = arith.constant 0 : i32
    %c0_i32_1 = arith.constant 0 : i32
    return %c0_i32, %c0_i32_0 : i32, i32
  }
  func.func @transform_7(%arg0: i32) -> (i32, i32) {
    %c0_i32 = arith.constant 0 : i32
    %c0_i32_0 = arith.constant 0 : i32
    %c0_i32_1 = arith.constant 0 : i32
    return %c0_i32, %c0_i32_0 : i32, i32
  }
  func.func @transform_8(%arg0: i32) -> (i32, i32) {
    %c0_i32 = arith.constant 0 : i32
    %c0_i32_0 = arith.constant 0 : i32
    %c0_i32_1 = arith.constant 0 : i32
    return %c0_i32, %c0_i32_0 : i32, i32
  }
  func.func @transform_9(%arg0: i32) -> (i32, i32) {
    %c0_i32 = arith.constant 0 : i32
    %c0_i32_0 = arith.constant 0 : i32
    %c0_i32_1 = arith.constant 0 : i32
    return %c0_i32, %c0_i32_0 : i32, i32
  }
  func.func @transform_10(%arg0: i32) -> (i32, i32) {
    %c0_i32 = arith.constant 0 : i32
    %c0_i32_0 = arith.constant 0 : i32
    %c0_i32_1 = arith.constant 0 : i32
    return %c0_i32, %c0_i32_0 : i32, i32
  }
  func.func @transform_11(%arg0: i32) -> (i32, i32) {
    %c0_i32 = arith.constant 0 : i32
    %c0_i32_0 = arith.constant 0 : i32
    %c0_i32_1 = arith.constant 0 : i32
    return %c0_i32, %c0_i32_0 : i32, i32
  }
  func.func @transform_12(%arg0: i32) -> (i32, i32) {
    %c0_i32 = arith.constant 0 : i32
    %c0_i32_0 = arith.constant 0 : i32
    %c0_i32_1 = arith.constant 0 : i32
    return %c0_i32, %c0_i32_0 : i32, i32
  }
  func.func @transform_13(%arg0: i32) -> (i32, i32, i32) {
    %c0_i32 = arith.constant 0 : i32
    %c0_i32_0 = arith.constant 0 : i32
    %c0_i32_1 = arith.constant 0 : i32
    return %arg0, %c0_i32, %c0_i32_0 : i32, i32, i32
  }
  func.func @transform_14(%arg0: i32) -> (i32, i32, i32) {
    %c0_i32 = arith.constant 0 : i32
    %c0_i32_0 = arith.constant 0 : i32
    %c0_i32_1 = arith.constant 0 : i32
    return %arg0, %c0_i32, %c0_i32_0 : i32, i32, i32
  }
  func.func @transform_15(%arg0: i32) -> (i32, i32, i32) {
    %c0_i32 = arith.constant 0 : i32
    %c0_i32_0 = arith.constant 0 : i32
    %c0_i32_1 = arith.constant 0 : i32
    return %arg0, %c0_i32, %c0_i32_0 : i32, i32, i32
  }
}

module attributes {stable_mosaic.version = 14 : i64} {
  func.func @_mlp_body(%arg0: i32, %arg1: memref<6400x128xi32, #tpu.memory_space<vmem>>, %arg2: memref<6400x128xi32, #tpu.memory_space<vmem>>, %arg3: memref<1x50x128xf32, #tpu.memory_space<vmem>>, %arg4: memref<1x50x128xf32, #tpu.memory_space<vmem>>, %arg5: memref<1x50x128xf32, #tpu.memory_space<vmem>>, %arg6: memref<1x50x128xf32, #tpu.memory_space<vmem>>, %arg7: memref<1x128xf32, #tpu.memory_space<vmem>>, %arg8: memref<1x128xf32, #tpu.memory_space<vmem>>, %arg9: memref<1x128xf32, #tpu.memory_space<vmem>>, %arg10: memref<1x128xf32, #tpu.memory_space<vmem>>, %arg11: memref<256x256xbf16, #tpu.memory_space<vmem>>, %arg12: memref<1x256xf32, #tpu.memory_space<vmem>>, %arg13: memref<1x256xf32, #tpu.memory_space<vmem>>, %arg14: memref<1x50x128xf32, #tpu.memory_space<vmem>>, %arg15: memref<1x50x128xf32, #tpu.memory_space<vmem>>, %arg16: memref<1x50x128xf32, #tpu.memory_space<vmem>>) attributes {dimension_semantics = [#tpu.dimension_semantics<arbitrary>], iteration_bounds = array<i64: 15>, scalar_prefetch = 0 : i64, scratch_operands = 0 : i64, tpu.core_type = #tpu.core_type<tc>, window_params = [{transform_indices = @transform_0, window_bounds = array<i64: 6400, 128>}, {transform_indices = @transform_1, window_bounds = array<i64: 6400, 128>}, {transform_indices = @transform_2, window_bounds = array<i64: 1, 50, 128>}, {transform_indices = @transform_3, window_bounds = array<i64: 1, 50, 128>}, {transform_indices = @transform_4, window_bounds = array<i64: 1, 50, 128>}, {transform_indices = @transform_5, window_bounds = array<i64: 1, 50, 128>}, {pipeline_mode = #tpu.pipeline_mode<synchronous>, transform_indices = @transform_6, window_bounds = array<i64: 1, 128>}, {pipeline_mode = #tpu.pipeline_mode<synchronous>, transform_indices = @transform_7, window_bounds = array<i64: 1, 128>}, {pipeline_mode = #tpu.pipeline_mode<synchronous>, transform_indices = @transform_8, window_bounds = array<i64: 1, 128>}, {pipeline_mode = #tpu.pipeline_mode<synchronous>, transform_indices = @transform_9, window_bounds = array<i64: 1, 128>}, {pipeline_mode = #tpu.pipeline_mode<synchronous>, transform_indices = @transform_10, window_bounds = array<i64: 256, 256>}, {pipeline_mode = #tpu.pipeline_mode<synchronous>, transform_indices = @transform_11, window_bounds = array<i64: 1, 256>}, {pipeline_mode = #tpu.pipeline_mode<synchronous>, transform_indices = @transform_12, window_bounds = array<i64: 1, 256>}, {transform_indices = @transform_13, window_bounds = array<i64: 1, 50, 128>}, {transform_indices = @transform_14, window_bounds = array<i64: 1, 50, 128>}, {transform_indices = @transform_15, window_bounds = array<i64: 1, 50, 128>}]} {
    %get3A = arith.constant 0 : index
    %get3A_0 = arith.constant 0 : index
    %get3A_1 = vector.load %arg1[%get3A, %get3A_0] : memref<6400x128xi32, #tpu.memory_space<vmem>>, vector<6400x128xi32>
    %get3A_2 = arith.constant 0 : index
    %get3A_3 = arith.constant 0 : index
    %get3A_4 = vector.load %arg2[%get3A_2, %get3A_3] : memref<6400x128xi32, #tpu.memory_space<vmem>>, vector<6400x128xi32>
    %shift_left3A = arith.constant 16 : i32
    %shift_left3A_5 = vector.broadcast %shift_left3A : i32 to vector<6400x128xi32>
    %shift_left3A_6 = arith.shli %get3A_1, %shift_left3A_5 : vector<6400x128xi32>
    %bitcast_convert_type3A = tpu.bitcast %shift_left3A_6 : vector<6400x128xi32> -> vector<6400x128xf32>
    %and3A = arith.constant -65536 : i32
    %and3A_7 = vector.broadcast %and3A : i32 to vector<6400x128xi32>
    %and3A_8 = arith.andi %get3A_1, %and3A_7 : vector<6400x128xi32>
    %bitcast_convert_type3A_9 = tpu.bitcast %and3A_8 : vector<6400x128xi32> -> vector<6400x128xf32>
    %shift_left3A_10 = arith.constant 16 : i32
    %shift_left3A_11 = vector.broadcast %shift_left3A_10 : i32 to vector<6400x128xi32>
    %shift_left3A_12 = arith.shli %get3A_4, %shift_left3A_11 : vector<6400x128xi32>
    %bitcast_convert_type3A_13 = tpu.bitcast %shift_left3A_12 : vector<6400x128xi32> -> vector<6400x128xf32>
    %and3A_14 = arith.constant -65536 : i32
    %and3A_15 = vector.broadcast %and3A_14 : i32 to vector<6400x128xi32>
    %and3A_16 = arith.andi %get3A_4, %and3A_15 : vector<6400x128xi32>
    %bitcast_convert_type3A_17 = tpu.bitcast %and3A_16 : vector<6400x128xi32> -> vector<6400x128xf32>
    %get3A_18 = arith.constant 0 : index
    %get3A_19 = arith.constant 0 : index
    %get3A_20 = arith.constant 0 : index
    %get3A_21 = vector.load %arg3[%get3A_18, %get3A_19, %get3A_20] : memref<1x50x128xf32, #tpu.memory_space<vmem>>, vector<1x50x128xf32>
    %slice3A = vector.extract_strided_slice %get3A_21 {offsets = [0, 0, 0], sizes = [1, 1, 128], strides = [1, 1, 1]} : vector<1x50x128xf32> to vector<1x1x128xf32>
    %squeeze3A = vector.shape_cast %slice3A : vector<1x1x128xf32> to vector<128xf32>
    %reshape3A = vector.shape_cast %squeeze3A : vector<128xf32> to vector<1x128xf32>
    %transpose3A = tpu.transpose %reshape3A, [1, 0] : vector<1x128xf32> -> vector<128x1xf32>
    %slice3A_22 = vector.extract_strided_slice %get3A_21 {offsets = [0, 1, 0], sizes = [1, 1, 128], strides = [1, 1, 1]} : vector<1x50x128xf32> to vector<1x1x128xf32>
    %squeeze3A_23 = vector.shape_cast %slice3A_22 : vector<1x1x128xf32> to vector<128xf32>
    %reshape3A_24 = vector.shape_cast %squeeze3A_23 : vector<128xf32> to vector<1x128xf32>
    %transpose3A_25 = tpu.transpose %reshape3A_24, [1, 0] : vector<1x128xf32> -> vector<128x1xf32>
    %slice3A_26 = vector.extract_strided_slice %get3A_21 {offsets = [0, 2, 0], sizes = [1, 1, 128], strides = [1, 1, 1]} : vector<1x50x128xf32> to vector<1x1x128xf32>
    %squeeze3A_27 = vector.shape_cast %slice3A_26 : vector<1x1x128xf32> to vector<128xf32>
    %reshape3A_28 = vector.shape_cast %squeeze3A_27 : vector<128xf32> to vector<1x128xf32>
    %transpose3A_29 = tpu.transpose %reshape3A_28, [1, 0] : vector<1x128xf32> -> vector<128x1xf32>
    %slice3A_30 = vector.extract_strided_slice %get3A_21 {offsets = [0, 3, 0], sizes = [1, 1, 128], strides = [1, 1, 1]} : vector<1x50x128xf32> to vector<1x1x128xf32>
    %squeeze3A_31 = vector.shape_cast %slice3A_30 : vector<1x1x128xf32> to vector<128xf32>
    %reshape3A_32 = vector.shape_cast %squeeze3A_31 : vector<128xf32> to vector<1x128xf32>
    %transpose3A_33 = tpu.transpose %reshape3A_32, [1, 0] : vector<1x128xf32> -> vector<128x1xf32>
    %slice3A_34 = vector.extract_strided_slice %get3A_21 {offsets = [0, 4, 0], sizes = [1, 1, 128], strides = [1, 1, 1]} : vector<1x50x128xf32> to vector<1x1x128xf32>
    %squeeze3A_35 = vector.shape_cast %slice3A_34 : vector<1x1x128xf32> to vector<128xf32>
    %reshape3A_36 = vector.shape_cast %squeeze3A_35 : vector<128xf32> to vector<1x128xf32>
    %transpose3A_37 = tpu.transpose %reshape3A_36, [1, 0] : vector<1x128xf32> -> vector<128x1xf32>
    %slice3A_38 = vector.extract_strided_slice %get3A_21 {offsets = [0, 5, 0], sizes = [1, 1, 128], strides = [1, 1, 1]} : vector<1x50x128xf32> to vector<1x1x128xf32>
    %squeeze3A_39 = vector.shape_cast %slice3A_38 : vector<1x1x128xf32> to vector<128xf32>
    %reshape3A_40 = vector.shape_cast %squeeze3A_39 : vector<128xf32> to vector<1x128xf32>
    %transpose3A_41 = tpu.transpose %reshape3A_40, [1, 0] : vector<1x128xf32> -> vector<128x1xf32>
    %slice3A_42 = vector.extract_strided_slice %get3A_21 {offsets = [0, 6, 0], sizes = [1, 1, 128], strides = [1, 1, 1]} : vector<1x50x128xf32> to vector<1x1x128xf32>
    %squeeze3A_43 = vector.shape_cast %slice3A_42 : vector<1x1x128xf32> to vector<128xf32>
    %reshape3A_44 = vector.shape_cast %squeeze3A_43 : vector<128xf32> to vector<1x128xf32>
    %transpose3A_45 = tpu.transpose %reshape3A_44, [1, 0] : vector<1x128xf32> -> vector<128x1xf32>
    %slice3A_46 = vector.extract_strided_slice %get3A_21 {offsets = [0, 7, 0], sizes = [1, 1, 128], strides = [1, 1, 1]} : vector<1x50x128xf32> to vector<1x1x128xf32>
    %squeeze3A_47 = vector.shape_cast %slice3A_46 : vector<1x1x128xf32> to vector<128xf32>
    %reshape3A_48 = vector.shape_cast %squeeze3A_47 : vector<128xf32> to vector<1x128xf32>
    %transpose3A_49 = tpu.transpose %reshape3A_48, [1, 0] : vector<1x128xf32> -> vector<128x1xf32>
    %slice3A_50 = vector.extract_strided_slice %get3A_21 {offsets = [0, 8, 0], sizes = [1, 1, 128], strides = [1, 1, 1]} : vector<1x50x128xf32> to vector<1x1x128xf32>
    %squeeze3A_51 = vector.shape_cast %slice3A_50 : vector<1x1x128xf32> to vector<128xf32>
    %reshape3A_52 = vector.shape_cast %squeeze3A_51 : vector<128xf32> to vector<1x128xf32>
    %transpose3A_53 = tpu.transpose %reshape3A_52, [1, 0] : vector<1x128xf32> -> vector<128x1xf32>
    %slice3A_54 = vector.extract_strided_slice %get3A_21 {offsets = [0, 9, 0], sizes = [1, 1, 128], strides = [1, 1, 1]} : vector<1x50x128xf32> to vector<1x1x128xf32>
    %squeeze3A_55 = vector.shape_cast %slice3A_54 : vector<1x1x128xf32> to vector<128xf32>
    %reshape3A_56 = vector.shape_cast %squeeze3A_55 : vector<128xf32> to vector<1x128xf32>
    %transpose3A_57 = tpu.transpose %reshape3A_56, [1, 0] : vector<1x128xf32> -> vector<128x1xf32>
    %slice3A_58 = vector.extract_strided_slice %get3A_21 {offsets = [0, 10, 0], sizes = [1, 1, 128], strides = [1, 1, 1]} : vector<1x50x128xf32> to vector<1x1x128xf32>
    %squeeze3A_59 = vector.shape_cast %slice3A_58 : vector<1x1x128xf32> to vector<128xf32>
    %reshape3A_60 = vector.shape_cast %squeeze3A_59 : vector<128xf32> to vector<1x128xf32>
    %transpose3A_61 = tpu.transpose %reshape3A_60, [1, 0] : vector<1x128xf32> -> vector<128x1xf32>
    %slice3A_62 = vector.extract_strided_slice %get3A_21 {offsets = [0, 11, 0], sizes = [1, 1, 128], strides = [1, 1, 1]} : vector<1x50x128xf32> to vector<1x1x128xf32>
    %squeeze3A_63 = vector.shape_cast %slice3A_62 : vector<1x1x128xf32> to vector<128xf32>
    %reshape3A_64 = vector.shape_cast %squeeze3A_63 : vector<128xf32> to vector<1x128xf32>
    %transpose3A_65 = tpu.transpose %reshape3A_64, [1, 0] : vector<1x128xf32> -> vector<128x1xf32>
    %slice3A_66 = vector.extract_strided_slice %get3A_21 {offsets = [0, 12, 0], sizes = [1, 1, 128], strides = [1, 1, 1]} : vector<1x50x128xf32> to vector<1x1x128xf32>
    %squeeze3A_67 = vector.shape_cast %slice3A_66 : vector<1x1x128xf32> to vector<128xf32>
    %reshape3A_68 = vector.shape_cast %squeeze3A_67 : vector<128xf32> to vector<1x128xf32>
    %transpose3A_69 = tpu.transpose %reshape3A_68, [1, 0] : vector<1x128xf32> -> vector<128x1xf32>
    %slice3A_70 = vector.extract_strided_slice %get3A_21 {offsets = [0, 13, 0], sizes = [1, 1, 128], strides = [1, 1, 1]} : vector<1x50x128xf32> to vector<1x1x128xf32>
    %squeeze3A_71 = vector.shape_cast %slice3A_70 : vector<1x1x128xf32> to vector<128xf32>
    %reshape3A_72 = vector.shape_cast %squeeze3A_71 : vector<128xf32> to vector<1x128xf32>
    %transpose3A_73 = tpu.transpose %reshape3A_72, [1, 0] : vector<1x128xf32> -> vector<128x1xf32>
    %slice3A_74 = vector.extract_strided_slice %get3A_21 {offsets = [0, 14, 0], sizes = [1, 1, 128], strides = [1, 1, 1]} : vector<1x50x128xf32> to vector<1x1x128xf32>
    %squeeze3A_75 = vector.shape_cast %slice3A_74 : vector<1x1x128xf32> to vector<128xf32>
    %reshape3A_76 = vector.shape_cast %squeeze3A_75 : vector<128xf32> to vector<1x128xf32>
    %transpose3A_77 = tpu.transpose %reshape3A_76, [1, 0] : vector<1x128xf32> -> vector<128x1xf32>
    %slice3A_78 = vector.extract_strided_slice %get3A_21 {offsets = [0, 15, 0], sizes = [1, 1, 128], strides = [1, 1, 1]} : vector<1x50x128xf32> to vector<1x1x128xf32>
    %squeeze3A_79 = vector.shape_cast %slice3A_78 : vector<1x1x128xf32> to vector<128xf32>
    %reshape3A_80 = vector.shape_cast %squeeze3A_79 : vector<128xf32> to vector<1x128xf32>
    %transpose3A_81 = tpu.transpose %reshape3A_80, [1, 0] : vector<1x128xf32> -> vector<128x1xf32>
    %slice3A_82 = vector.extract_strided_slice %get3A_21 {offsets = [0, 16, 0], sizes = [1, 1, 128], strides = [1, 1, 1]} : vector<1x50x128xf32> to vector<1x1x128xf32>
    %squeeze3A_83 = vector.shape_cast %slice3A_82 : vector<1x1x128xf32> to vector<128xf32>
    %reshape3A_84 = vector.shape_cast %squeeze3A_83 : vector<128xf32> to vector<1x128xf32>
    %transpose3A_85 = tpu.transpose %reshape3A_84, [1, 0] : vector<1x128xf32> -> vector<128x1xf32>
    %slice3A_86 = vector.extract_strided_slice %get3A_21 {offsets = [0, 17, 0], sizes = [1, 1, 128], strides = [1, 1, 1]} : vector<1x50x128xf32> to vector<1x1x128xf32>
    %squeeze3A_87 = vector.shape_cast %slice3A_86 : vector<1x1x128xf32> to vector<128xf32>
    %reshape3A_88 = vector.shape_cast %squeeze3A_87 : vector<128xf32> to vector<1x128xf32>
    %transpose3A_89 = tpu.transpose %reshape3A_88, [1, 0] : vector<1x128xf32> -> vector<128x1xf32>
    %slice3A_90 = vector.extract_strided_slice %get3A_21 {offsets = [0, 18, 0], sizes = [1, 1, 128], strides = [1, 1, 1]} : vector<1x50x128xf32> to vector<1x1x128xf32>
    %squeeze3A_91 = vector.shape_cast %slice3A_90 : vector<1x1x128xf32> to vector<128xf32>
    %reshape3A_92 = vector.shape_cast %squeeze3A_91 : vector<128xf32> to vector<1x128xf32>
    %transpose3A_93 = tpu.transpose %reshape3A_92, [1, 0] : vector<1x128xf32> -> vector<128x1xf32>
    %slice3A_94 = vector.extract_strided_slice %get3A_21 {offsets = [0, 19, 0], sizes = [1, 1, 128], strides = [1, 1, 1]} : vector<1x50x128xf32> to vector<1x1x128xf32>
    %squeeze3A_95 = vector.shape_cast %slice3A_94 : vector<1x1x128xf32> to vector<128xf32>
    %reshape3A_96 = vector.shape_cast %squeeze3A_95 : vector<128xf32> to vector<1x128xf32>
    %transpose3A_97 = tpu.transpose %reshape3A_96, [1, 0] : vector<1x128xf32> -> vector<128x1xf32>
    %slice3A_98 = vector.extract_strided_slice %get3A_21 {offsets = [0, 20, 0], sizes = [1, 1, 128], strides = [1, 1, 1]} : vector<1x50x128xf32> to vector<1x1x128xf32>
    %squeeze3A_99 = vector.shape_cast %slice3A_98 : vector<1x1x128xf32> to vector<128xf32>
    %reshape3A_100 = vector.shape_cast %squeeze3A_99 : vector<128xf32> to vector<1x128xf32>
    %transpose3A_101 = tpu.transpose %reshape3A_100, [1, 0] : vector<1x128xf32> -> vector<128x1xf32>
    %slice3A_102 = vector.extract_strided_slice %get3A_21 {offsets = [0, 21, 0], sizes = [1, 1, 128], strides = [1, 1, 1]} : vector<1x50x128xf32> to vector<1x1x128xf32>
    %squeeze3A_103 = vector.shape_cast %slice3A_102 : vector<1x1x128xf32> to vector<128xf32>
    %reshape3A_104 = vector.shape_cast %squeeze3A_103 : vector<128xf32> to vector<1x128xf32>
    %transpose3A_105 = tpu.transpose %reshape3A_104, [1, 0] : vector<1x128xf32> -> vector<128x1xf32>
    %slice3A_106 = vector.extract_strided_slice %get3A_21 {offsets = [0, 22, 0], sizes = [1, 1, 128], strides = [1, 1, 1]} : vector<1x50x128xf32> to vector<1x1x128xf32>
    %squeeze3A_107 = vector.shape_cast %slice3A_106 : vector<1x1x128xf32> to vector<128xf32>
    %reshape3A_108 = vector.shape_cast %squeeze3A_107 : vector<128xf32> to vector<1x128xf32>
    %transpose3A_109 = tpu.transpose %reshape3A_108, [1, 0] : vector<1x128xf32> -> vector<128x1xf32>
    %slice3A_110 = vector.extract_strided_slice %get3A_21 {offsets = [0, 23, 0], sizes = [1, 1, 128], strides = [1, 1, 1]} : vector<1x50x128xf32> to vector<1x1x128xf32>
    %squeeze3A_111 = vector.shape_cast %slice3A_110 : vector<1x1x128xf32> to vector<128xf32>
    %reshape3A_112 = vector.shape_cast %squeeze3A_111 : vector<128xf32> to vector<1x128xf32>
    %transpose3A_113 = tpu.transpose %reshape3A_112, [1, 0] : vector<1x128xf32> -> vector<128x1xf32>
    %slice3A_114 = vector.extract_strided_slice %get3A_21 {offsets = [0, 24, 0], sizes = [1, 1, 128], strides = [1, 1, 1]} : vector<1x50x128xf32> to vector<1x1x128xf32>
    %squeeze3A_115 = vector.shape_cast %slice3A_114 : vector<1x1x128xf32> to vector<128xf32>
    %reshape3A_116 = vector.shape_cast %squeeze3A_115 : vector<128xf32> to vector<1x128xf32>
    %transpose3A_117 = tpu.transpose %reshape3A_116, [1, 0] : vector<1x128xf32> -> vector<128x1xf32>
    %slice3A_118 = vector.extract_strided_slice %get3A_21 {offsets = [0, 25, 0], sizes = [1, 1, 128], strides = [1, 1, 1]} : vector<1x50x128xf32> to vector<1x1x128xf32>
    %squeeze3A_119 = vector.shape_cast %slice3A_118 : vector<1x1x128xf32> to vector<128xf32>
    %reshape3A_120 = vector.shape_cast %squeeze3A_119 : vector<128xf32> to vector<1x128xf32>
    %transpose3A_121 = tpu.transpose %reshape3A_120, [1, 0] : vector<1x128xf32> -> vector<128x1xf32>
    %slice3A_122 = vector.extract_strided_slice %get3A_21 {offsets = [0, 26, 0], sizes = [1, 1, 128], strides = [1, 1, 1]} : vector<1x50x128xf32> to vector<1x1x128xf32>
    %squeeze3A_123 = vector.shape_cast %slice3A_122 : vector<1x1x128xf32> to vector<128xf32>
    %reshape3A_124 = vector.shape_cast %squeeze3A_123 : vector<128xf32> to vector<1x128xf32>
    %transpose3A_125 = tpu.transpose %reshape3A_124, [1, 0] : vector<1x128xf32> -> vector<128x1xf32>
    %slice3A_126 = vector.extract_strided_slice %get3A_21 {offsets = [0, 27, 0], sizes = [1, 1, 128], strides = [1, 1, 1]} : vector<1x50x128xf32> to vector<1x1x128xf32>
    %squeeze3A_127 = vector.shape_cast %slice3A_126 : vector<1x1x128xf32> to vector<128xf32>
    %reshape3A_128 = vector.shape_cast %squeeze3A_127 : vector<128xf32> to vector<1x128xf32>
    %transpose3A_129 = tpu.transpose %reshape3A_128, [1, 0] : vector<1x128xf32> -> vector<128x1xf32>
    %slice3A_130 = vector.extract_strided_slice %get3A_21 {offsets = [0, 28, 0], sizes = [1, 1, 128], strides = [1, 1, 1]} : vector<1x50x128xf32> to vector<1x1x128xf32>
    %squeeze3A_131 = vector.shape_cast %slice3A_130 : vector<1x1x128xf32> to vector<128xf32>
    %reshape3A_132 = vector.shape_cast %squeeze3A_131 : vector<128xf32> to vector<1x128xf32>
    %transpose3A_133 = tpu.transpose %reshape3A_132, [1, 0] : vector<1x128xf32> -> vector<128x1xf32>
    %slice3A_134 = vector.extract_strided_slice %get3A_21 {offsets = [0, 29, 0], sizes = [1, 1, 128], strides = [1, 1, 1]} : vector<1x50x128xf32> to vector<1x1x128xf32>
    %squeeze3A_135 = vector.shape_cast %slice3A_134 : vector<1x1x128xf32> to vector<128xf32>
    %reshape3A_136 = vector.shape_cast %squeeze3A_135 : vector<128xf32> to vector<1x128xf32>
    %transpose3A_137 = tpu.transpose %reshape3A_136, [1, 0] : vector<1x128xf32> -> vector<128x1xf32>
    %slice3A_138 = vector.extract_strided_slice %get3A_21 {offsets = [0, 30, 0], sizes = [1, 1, 128], strides = [1, 1, 1]} : vector<1x50x128xf32> to vector<1x1x128xf32>
    %squeeze3A_139 = vector.shape_cast %slice3A_138 : vector<1x1x128xf32> to vector<128xf32>
    %reshape3A_140 = vector.shape_cast %squeeze3A_139 : vector<128xf32> to vector<1x128xf32>
    %transpose3A_141 = tpu.transpose %reshape3A_140, [1, 0] : vector<1x128xf32> -> vector<128x1xf32>
    %slice3A_142 = vector.extract_strided_slice %get3A_21 {offsets = [0, 31, 0], sizes = [1, 1, 128], strides = [1, 1, 1]} : vector<1x50x128xf32> to vector<1x1x128xf32>
    %squeeze3A_143 = vector.shape_cast %slice3A_142 : vector<1x1x128xf32> to vector<128xf32>
    %reshape3A_144 = vector.shape_cast %squeeze3A_143 : vector<128xf32> to vector<1x128xf32>
    %transpose3A_145 = tpu.transpose %reshape3A_144, [1, 0] : vector<1x128xf32> -> vector<128x1xf32>
    %slice3A_146 = vector.extract_strided_slice %get3A_21 {offsets = [0, 32, 0], sizes = [1, 1, 128], strides = [1, 1, 1]} : vector<1x50x128xf32> to vector<1x1x128xf32>
    %squeeze3A_147 = vector.shape_cast %slice3A_146 : vector<1x1x128xf32> to vector<128xf32>
    %reshape3A_148 = vector.shape_cast %squeeze3A_147 : vector<128xf32> to vector<1x128xf32>
    %transpose3A_149 = tpu.transpose %reshape3A_148, [1, 0] : vector<1x128xf32> -> vector<128x1xf32>
    %slice3A_150 = vector.extract_strided_slice %get3A_21 {offsets = [0, 33, 0], sizes = [1, 1, 128], strides = [1, 1, 1]} : vector<1x50x128xf32> to vector<1x1x128xf32>
    %squeeze3A_151 = vector.shape_cast %slice3A_150 : vector<1x1x128xf32> to vector<128xf32>
    %reshape3A_152 = vector.shape_cast %squeeze3A_151 : vector<128xf32> to vector<1x128xf32>
    %transpose3A_153 = tpu.transpose %reshape3A_152, [1, 0] : vector<1x128xf32> -> vector<128x1xf32>
    %slice3A_154 = vector.extract_strided_slice %get3A_21 {offsets = [0, 34, 0], sizes = [1, 1, 128], strides = [1, 1, 1]} : vector<1x50x128xf32> to vector<1x1x128xf32>
    %squeeze3A_155 = vector.shape_cast %slice3A_154 : vector<1x1x128xf32> to vector<128xf32>
    %reshape3A_156 = vector.shape_cast %squeeze3A_155 : vector<128xf32> to vector<1x128xf32>
    %transpose3A_157 = tpu.transpose %reshape3A_156, [1, 0] : vector<1x128xf32> -> vector<128x1xf32>
    %slice3A_158 = vector.extract_strided_slice %get3A_21 {offsets = [0, 35, 0], sizes = [1, 1, 128], strides = [1, 1, 1]} : vector<1x50x128xf32> to vector<1x1x128xf32>
    %squeeze3A_159 = vector.shape_cast %slice3A_158 : vector<1x1x128xf32> to vector<128xf32>
    %reshape3A_160 = vector.shape_cast %squeeze3A_159 : vector<128xf32> to vector<1x128xf32>
    %transpose3A_161 = tpu.transpose %reshape3A_160, [1, 0] : vector<1x128xf32> -> vector<128x1xf32>
    %slice3A_162 = vector.extract_strided_slice %get3A_21 {offsets = [0, 36, 0], sizes = [1, 1, 128], strides = [1, 1, 1]} : vector<1x50x128xf32> to vector<1x1x128xf32>
    %squeeze3A_163 = vector.shape_cast %slice3A_162 : vector<1x1x128xf32> to vector<128xf32>
    %reshape3A_164 = vector.shape_cast %squeeze3A_163 : vector<128xf32> to vector<1x128xf32>
    %transpose3A_165 = tpu.transpose %reshape3A_164, [1, 0] : vector<1x128xf32> -> vector<128x1xf32>
    %slice3A_166 = vector.extract_strided_slice %get3A_21 {offsets = [0, 37, 0], sizes = [1, 1, 128], strides = [1, 1, 1]} : vector<1x50x128xf32> to vector<1x1x128xf32>
    %squeeze3A_167 = vector.shape_cast %slice3A_166 : vector<1x1x128xf32> to vector<128xf32>
    %reshape3A_168 = vector.shape_cast %squeeze3A_167 : vector<128xf32> to vector<1x128xf32>
    %transpose3A_169 = tpu.transpose %reshape3A_168, [1, 0] : vector<1x128xf32> -> vector<128x1xf32>
    %slice3A_170 = vector.extract_strided_slice %get3A_21 {offsets = [0, 38, 0], sizes = [1, 1, 128], strides = [1, 1, 1]} : vector<1x50x128xf32> to vector<1x1x128xf32>
    %squeeze3A_171 = vector.shape_cast %slice3A_170 : vector<1x1x128xf32> to vector<128xf32>
    %reshape3A_172 = vector.shape_cast %squeeze3A_171 : vector<128xf32> to vector<1x128xf32>
    %transpose3A_173 = tpu.transpose %reshape3A_172, [1, 0] : vector<1x128xf32> -> vector<128x1xf32>
    %slice3A_174 = vector.extract_strided_slice %get3A_21 {offsets = [0, 39, 0], sizes = [1, 1, 128], strides = [1, 1, 1]} : vector<1x50x128xf32> to vector<1x1x128xf32>
    %squeeze3A_175 = vector.shape_cast %slice3A_174 : vector<1x1x128xf32> to vector<128xf32>
    %reshape3A_176 = vector.shape_cast %squeeze3A_175 : vector<128xf32> to vector<1x128xf32>
    %transpose3A_177 = tpu.transpose %reshape3A_176, [1, 0] : vector<1x128xf32> -> vector<128x1xf32>
    %slice3A_178 = vector.extract_strided_slice %get3A_21 {offsets = [0, 40, 0], sizes = [1, 1, 128], strides = [1, 1, 1]} : vector<1x50x128xf32> to vector<1x1x128xf32>
    %squeeze3A_179 = vector.shape_cast %slice3A_178 : vector<1x1x128xf32> to vector<128xf32>
    %reshape3A_180 = vector.shape_cast %squeeze3A_179 : vector<128xf32> to vector<1x128xf32>
    %transpose3A_181 = tpu.transpose %reshape3A_180, [1, 0] : vector<1x128xf32> -> vector<128x1xf32>
    %slice3A_182 = vector.extract_strided_slice %get3A_21 {offsets = [0, 41, 0], sizes = [1, 1, 128], strides = [1, 1, 1]} : vector<1x50x128xf32> to vector<1x1x128xf32>
    %squeeze3A_183 = vector.shape_cast %slice3A_182 : vector<1x1x128xf32> to vector<128xf32>
    %reshape3A_184 = vector.shape_cast %squeeze3A_183 : vector<128xf32> to vector<1x128xf32>
    %transpose3A_185 = tpu.transpose %reshape3A_184, [1, 0] : vector<1x128xf32> -> vector<128x1xf32>
    %slice3A_186 = vector.extract_strided_slice %get3A_21 {offsets = [0, 42, 0], sizes = [1, 1, 128], strides = [1, 1, 1]} : vector<1x50x128xf32> to vector<1x1x128xf32>
    %squeeze3A_187 = vector.shape_cast %slice3A_186 : vector<1x1x128xf32> to vector<128xf32>
    %reshape3A_188 = vector.shape_cast %squeeze3A_187 : vector<128xf32> to vector<1x128xf32>
    %transpose3A_189 = tpu.transpose %reshape3A_188, [1, 0] : vector<1x128xf32> -> vector<128x1xf32>
    %slice3A_190 = vector.extract_strided_slice %get3A_21 {offsets = [0, 43, 0], sizes = [1, 1, 128], strides = [1, 1, 1]} : vector<1x50x128xf32> to vector<1x1x128xf32>
    %squeeze3A_191 = vector.shape_cast %slice3A_190 : vector<1x1x128xf32> to vector<128xf32>
    %reshape3A_192 = vector.shape_cast %squeeze3A_191 : vector<128xf32> to vector<1x128xf32>
    %transpose3A_193 = tpu.transpose %reshape3A_192, [1, 0] : vector<1x128xf32> -> vector<128x1xf32>
    %slice3A_194 = vector.extract_strided_slice %get3A_21 {offsets = [0, 44, 0], sizes = [1, 1, 128], strides = [1, 1, 1]} : vector<1x50x128xf32> to vector<1x1x128xf32>
    %squeeze3A_195 = vector.shape_cast %slice3A_194 : vector<1x1x128xf32> to vector<128xf32>
    %reshape3A_196 = vector.shape_cast %squeeze3A_195 : vector<128xf32> to vector<1x128xf32>
    %transpose3A_197 = tpu.transpose %reshape3A_196, [1, 0] : vector<1x128xf32> -> vector<128x1xf32>
    %slice3A_198 = vector.extract_strided_slice %get3A_21 {offsets = [0, 45, 0], sizes = [1, 1, 128], strides = [1, 1, 1]} : vector<1x50x128xf32> to vector<1x1x128xf32>
    %squeeze3A_199 = vector.shape_cast %slice3A_198 : vector<1x1x128xf32> to vector<128xf32>
    %reshape3A_200 = vector.shape_cast %squeeze3A_199 : vector<128xf32> to vector<1x128xf32>
    %transpose3A_201 = tpu.transpose %reshape3A_200, [1, 0] : vector<1x128xf32> -> vector<128x1xf32>
    %slice3A_202 = vector.extract_strided_slice %get3A_21 {offsets = [0, 46, 0], sizes = [1, 1, 128], strides = [1, 1, 1]} : vector<1x50x128xf32> to vector<1x1x128xf32>
    %squeeze3A_203 = vector.shape_cast %slice3A_202 : vector<1x1x128xf32> to vector<128xf32>
    %reshape3A_204 = vector.shape_cast %squeeze3A_203 : vector<128xf32> to vector<1x128xf32>
    %transpose3A_205 = tpu.transpose %reshape3A_204, [1, 0] : vector<1x128xf32> -> vector<128x1xf32>
    %slice3A_206 = vector.extract_strided_slice %get3A_21 {offsets = [0, 47, 0], sizes = [1, 1, 128], strides = [1, 1, 1]} : vector<1x50x128xf32> to vector<1x1x128xf32>
    %squeeze3A_207 = vector.shape_cast %slice3A_206 : vector<1x1x128xf32> to vector<128xf32>
    %reshape3A_208 = vector.shape_cast %squeeze3A_207 : vector<128xf32> to vector<1x128xf32>
    %transpose3A_209 = tpu.transpose %reshape3A_208, [1, 0] : vector<1x128xf32> -> vector<128x1xf32>
    %slice3A_210 = vector.extract_strided_slice %get3A_21 {offsets = [0, 48, 0], sizes = [1, 1, 128], strides = [1, 1, 1]} : vector<1x50x128xf32> to vector<1x1x128xf32>
    %squeeze3A_211 = vector.shape_cast %slice3A_210 : vector<1x1x128xf32> to vector<128xf32>
    %reshape3A_212 = vector.shape_cast %squeeze3A_211 : vector<128xf32> to vector<1x128xf32>
    %transpose3A_213 = tpu.transpose %reshape3A_212, [1, 0] : vector<1x128xf32> -> vector<128x1xf32>
    %slice3A_214 = vector.extract_strided_slice %get3A_21 {offsets = [0, 49, 0], sizes = [1, 1, 128], strides = [1, 1, 1]} : vector<1x50x128xf32> to vector<1x1x128xf32>
    %squeeze3A_215 = vector.shape_cast %slice3A_214 : vector<1x1x128xf32> to vector<128xf32>
    %reshape3A_216 = vector.shape_cast %squeeze3A_215 : vector<128xf32> to vector<1x128xf32>
    %transpose3A_217 = tpu.transpose %reshape3A_216, [1, 0] : vector<1x128xf32> -> vector<128x1xf32>
    %concatenate3A = tpu.concatenate %transpose3A, %transpose3A_25, %transpose3A_29, %transpose3A_33, %transpose3A_37, %transpose3A_41, %transpose3A_45, %transpose3A_49, %transpose3A_53, %transpose3A_57, %transpose3A_61, %transpose3A_65, %transpose3A_69, %transpose3A_73, %transpose3A_77, %transpose3A_81, %transpose3A_85, %transpose3A_89, %transpose3A_93, %transpose3A_97, %transpose3A_101, %transpose3A_105, %transpose3A_109, %transpose3A_113, %transpose3A_117, %transpose3A_121, %transpose3A_125, %transpose3A_129, %transpose3A_133, %transpose3A_137, %transpose3A_141, %transpose3A_145, %transpose3A_149, %transpose3A_153, %transpose3A_157, %transpose3A_161, %transpose3A_165, %transpose3A_169, %transpose3A_173, %transpose3A_177, %transpose3A_181, %transpose3A_185, %transpose3A_189, %transpose3A_193, %transpose3A_197, %transpose3A_201, %transpose3A_205, %transpose3A_209, %transpose3A_213, %transpose3A_217 in 0 : vector<128x1xf32>, vector<128x1xf32>, vector<128x1xf32>, vector<128x1xf32>, vector<128x1xf32>, vector<128x1xf32>, vector<128x1xf32>, vector<128x1xf32>, vector<128x1xf32>, vector<128x1xf32>, vector<128x1xf32>, vector<128x1xf32>, vector<128x1xf32>, vector<128x1xf32>, vector<128x1xf32>, vector<128x1xf32>, vector<128x1xf32>, vector<128x1xf32>, vector<128x1xf32>, vector<128x1xf32>, vector<128x1xf32>, vector<128x1xf32>, vector<128x1xf32>, vector<128x1xf32>, vector<128x1xf32>, vector<128x1xf32>, vector<128x1xf32>, vector<128x1xf32>, vector<128x1xf32>, vector<128x1xf32>, vector<128x1xf32>, vector<128x1xf32>, vector<128x1xf32>, vector<128x1xf32>, vector<128x1xf32>, vector<128x1xf32>, vector<128x1xf32>, vector<128x1xf32>, vector<128x1xf32>, vector<128x1xf32>, vector<128x1xf32>, vector<128x1xf32>, vector<128x1xf32>, vector<128x1xf32>, vector<128x1xf32>, vector<128x1xf32>, vector<128x1xf32>, vector<128x1xf32>, vector<128x1xf32>, vector<128x1xf32> -> vector<6400x1xf32>
    %add3A = arith.addf %bitcast_convert_type3A, %bitcast_convert_type3A_13 : vector<6400x128xf32>
    %get3A_218 = arith.constant 0 : index
    %get3A_219 = arith.constant 0 : index
    %get3A_220 = vector.load %arg7[%get3A_218, %get3A_219] : memref<1x128xf32, #tpu.memory_space<vmem>>, vector<1x128xf32>
    %mul3A = vector.broadcast %concatenate3A : vector<6400x1xf32> to vector<6400x128xf32>
    %mul3A_221 = vector.broadcast %get3A_220 : vector<1x128xf32> to vector<6400x128xf32>
    %mul3A_222 = arith.mulf %mul3A, %mul3A_221 : vector<6400x128xf32>
    %add3A_223 = arith.addf %add3A, %mul3A_222 : vector<6400x128xf32>
    %get3A_224 = arith.constant 0 : index
    %get3A_225 = arith.constant 0 : index
    %get3A_226 = vector.load %arg9[%get3A_224, %get3A_225] : memref<1x128xf32, #tpu.memory_space<vmem>>, vector<1x128xf32>
    %add3A_227 = vector.broadcast %get3A_226 : vector<1x128xf32> to vector<6400x128xf32>
    %add3A_228 = arith.addf %add3A_223, %add3A_227 : vector<6400x128xf32>
    %add3A_229 = arith.addf %bitcast_convert_type3A_9, %bitcast_convert_type3A_17 : vector<6400x128xf32>
    %get3A_230 = arith.constant 0 : index
    %get3A_231 = arith.constant 0 : index
    %get3A_232 = vector.load %arg8[%get3A_230, %get3A_231] : memref<1x128xf32, #tpu.memory_space<vmem>>, vector<1x128xf32>
    %mul3A_233 = vector.broadcast %concatenate3A : vector<6400x1xf32> to vector<6400x128xf32>
    %mul3A_234 = vector.broadcast %get3A_232 : vector<1x128xf32> to vector<6400x128xf32>
    %mul3A_235 = arith.mulf %mul3A_233, %mul3A_234 : vector<6400x128xf32>
    %add3A_236 = arith.addf %add3A_229, %mul3A_235 : vector<6400x128xf32>
    %get3A_237 = arith.constant 0 : index
    %get3A_238 = arith.constant 0 : index
    %get3A_239 = vector.load %arg10[%get3A_237, %get3A_238] : memref<1x128xf32, #tpu.memory_space<vmem>>, vector<1x128xf32>
    %add3A_240 = vector.broadcast %get3A_239 : vector<1x128xf32> to vector<6400x128xf32>
    %add3A_241 = arith.addf %add3A_236, %add3A_240 : vector<6400x128xf32>
    %logistic3A = arith.negf %add3A_228 : vector<6400x128xf32>
    %logistic3A_242 = math.exp %logistic3A : vector<6400x128xf32>
    %logistic3A_243 = arith.constant 1.000000e+00 : f32
    %logistic3A_244 = vector.broadcast %logistic3A_243 : f32 to vector<6400x128xf32>
    %logistic3A_245 = arith.addf %logistic3A_244, %logistic3A_242 : vector<6400x128xf32>
    %logistic3A_246 = arith.divf %logistic3A_244, %logistic3A_245 : vector<6400x128xf32>
    %mul3A_247 = arith.mulf %add3A_228, %logistic3A_246 : vector<6400x128xf32>
    %convert_element_type3A = arith.truncf %mul3A_247 : vector<6400x128xf32> to vector<6400x128xbf16>
    %logistic3A_248 = arith.negf %add3A_241 : vector<6400x128xf32>
    %logistic3A_249 = math.exp %logistic3A_248 : vector<6400x128xf32>
    %logistic3A_250 = arith.constant 1.000000e+00 : f32
    %logistic3A_251 = vector.broadcast %logistic3A_250 : f32 to vector<6400x128xf32>
    %logistic3A_252 = arith.addf %logistic3A_251, %logistic3A_249 : vector<6400x128xf32>
    %logistic3A_253 = arith.divf %logistic3A_251, %logistic3A_252 : vector<6400x128xf32>
    %mul3A_254 = arith.mulf %add3A_241, %logistic3A_253 : vector<6400x128xf32>
    %convert_element_type3A_255 = arith.truncf %mul3A_254 : vector<6400x128xf32> to vector<6400x128xbf16>
    %concatenate3A_256 = tpu.concatenate %convert_element_type3A, %convert_element_type3A_255 in 1 : vector<6400x128xbf16>, vector<6400x128xbf16> -> vector<6400x256xbf16>
    %get3A_257 = arith.constant 0 : index
    %get3A_258 = arith.constant 0 : index
    %get3A_259 = vector.load %arg11[%get3A_257, %get3A_258] : memref<256x256xbf16, #tpu.memory_space<vmem>>, vector<256x256xbf16>
    %dot_general3A = arith.constant dense<0.000000e+00> : vector<6400x256xf32>
    %dot_general3A_260 = tpu.matmul %concatenate3A_256, %get3A_259, %dot_general3A {dimension_numbers = #tpu.dot_dimension_numbers<[1], [0], [0], [1], [0, 0, 1, 1], [], []>, transpose_lhs_hint = false} : vector<6400x256xbf16>, vector<256x256xbf16>, vector<6400x256xf32> -> vector<6400x256xf32>
    %get3A_261 = arith.constant 0 : index
    %get3A_262 = arith.constant 0 : index
    %get3A_263 = vector.load %arg12[%get3A_261, %get3A_262] : memref<1x256xf32, #tpu.memory_space<vmem>>, vector<1x256xf32>
    %add3A_264 = vector.broadcast %get3A_263 : vector<1x256xf32> to vector<6400x256xf32>
    %add3A_265 = arith.addf %dot_general3A_260, %add3A_264 : vector<6400x256xf32>
    %logistic3A_266 = arith.negf %add3A_265 : vector<6400x256xf32>
    %logistic3A_267 = math.exp %logistic3A_266 : vector<6400x256xf32>
    %logistic3A_268 = arith.constant 1.000000e+00 : f32
    %logistic3A_269 = vector.broadcast %logistic3A_268 : f32 to vector<6400x256xf32>
    %logistic3A_270 = arith.addf %logistic3A_269, %logistic3A_267 : vector<6400x256xf32>
    %logistic3A_271 = arith.divf %logistic3A_269, %logistic3A_270 : vector<6400x256xf32>
    %mul3A_272 = arith.mulf %add3A_265, %logistic3A_271 : vector<6400x256xf32>
    %get3A_273 = arith.constant 0 : index
    %get3A_274 = arith.constant 0 : index
    %get3A_275 = vector.load %arg13[%get3A_273, %get3A_274] : memref<1x256xf32, #tpu.memory_space<vmem>>, vector<1x256xf32>
    %mul3A_276 = vector.broadcast %get3A_275 : vector<1x256xf32> to vector<6400x256xf32>
    %mul3A_277 = arith.mulf %mul3A_272, %mul3A_276 : vector<6400x256xf32>
    %reduce_sum3A = arith.constant dense<0.000000e+00> : vector<6400xf32>
    %reduce_sum3A_278 = vector.multi_reduction <add>, %mul3A_277, %reduce_sum3A [1] : vector<6400x256xf32> to vector<6400xf32>
    %broadcast_in_dim3A = vector.shape_cast %reduce_sum3A_278 : vector<6400xf32> to vector<6400x1xf32>
    %slice3A_279 = vector.extract_strided_slice %broadcast_in_dim3A {offsets = [0, 0], sizes = [128, 1], strides = [1, 1]} : vector<6400x1xf32> to vector<128x1xf32>
    %transpose3A_280 = tpu.transpose %slice3A_279, [1, 0] : vector<128x1xf32> -> vector<1x128xf32>
    %slice3A_281 = vector.extract_strided_slice %broadcast_in_dim3A {offsets = [128, 0], sizes = [128, 1], strides = [1, 1]} : vector<6400x1xf32> to vector<128x1xf32>
    %transpose3A_282 = tpu.transpose %slice3A_281, [1, 0] : vector<128x1xf32> -> vector<1x128xf32>
    %slice3A_283 = vector.extract_strided_slice %broadcast_in_dim3A {offsets = [256, 0], sizes = [128, 1], strides = [1, 1]} : vector<6400x1xf32> to vector<128x1xf32>
    %transpose3A_284 = tpu.transpose %slice3A_283, [1, 0] : vector<128x1xf32> -> vector<1x128xf32>
    %slice3A_285 = vector.extract_strided_slice %broadcast_in_dim3A {offsets = [384, 0], sizes = [128, 1], strides = [1, 1]} : vector<6400x1xf32> to vector<128x1xf32>
    %transpose3A_286 = tpu.transpose %slice3A_285, [1, 0] : vector<128x1xf32> -> vector<1x128xf32>
    %slice3A_287 = vector.extract_strided_slice %broadcast_in_dim3A {offsets = [512, 0], sizes = [128, 1], strides = [1, 1]} : vector<6400x1xf32> to vector<128x1xf32>
    %transpose3A_288 = tpu.transpose %slice3A_287, [1, 0] : vector<128x1xf32> -> vector<1x128xf32>
    %slice3A_289 = vector.extract_strided_slice %broadcast_in_dim3A {offsets = [640, 0], sizes = [128, 1], strides = [1, 1]} : vector<6400x1xf32> to vector<128x1xf32>
    %transpose3A_290 = tpu.transpose %slice3A_289, [1, 0] : vector<128x1xf32> -> vector<1x128xf32>
    %slice3A_291 = vector.extract_strided_slice %broadcast_in_dim3A {offsets = [768, 0], sizes = [128, 1], strides = [1, 1]} : vector<6400x1xf32> to vector<128x1xf32>
    %transpose3A_292 = tpu.transpose %slice3A_291, [1, 0] : vector<128x1xf32> -> vector<1x128xf32>
    %slice3A_293 = vector.extract_strided_slice %broadcast_in_dim3A {offsets = [896, 0], sizes = [128, 1], strides = [1, 1]} : vector<6400x1xf32> to vector<128x1xf32>
    %transpose3A_294 = tpu.transpose %slice3A_293, [1, 0] : vector<128x1xf32> -> vector<1x128xf32>
    %slice3A_295 = vector.extract_strided_slice %broadcast_in_dim3A {offsets = [1024, 0], sizes = [128, 1], strides = [1, 1]} : vector<6400x1xf32> to vector<128x1xf32>
    %transpose3A_296 = tpu.transpose %slice3A_295, [1, 0] : vector<128x1xf32> -> vector<1x128xf32>
    %slice3A_297 = vector.extract_strided_slice %broadcast_in_dim3A {offsets = [1152, 0], sizes = [128, 1], strides = [1, 1]} : vector<6400x1xf32> to vector<128x1xf32>
    %transpose3A_298 = tpu.transpose %slice3A_297, [1, 0] : vector<128x1xf32> -> vector<1x128xf32>
    %slice3A_299 = vector.extract_strided_slice %broadcast_in_dim3A {offsets = [1280, 0], sizes = [128, 1], strides = [1, 1]} : vector<6400x1xf32> to vector<128x1xf32>
    %transpose3A_300 = tpu.transpose %slice3A_299, [1, 0] : vector<128x1xf32> -> vector<1x128xf32>
    %slice3A_301 = vector.extract_strided_slice %broadcast_in_dim3A {offsets = [1408, 0], sizes = [128, 1], strides = [1, 1]} : vector<6400x1xf32> to vector<128x1xf32>
    %transpose3A_302 = tpu.transpose %slice3A_301, [1, 0] : vector<128x1xf32> -> vector<1x128xf32>
    %slice3A_303 = vector.extract_strided_slice %broadcast_in_dim3A {offsets = [1536, 0], sizes = [128, 1], strides = [1, 1]} : vector<6400x1xf32> to vector<128x1xf32>
    %transpose3A_304 = tpu.transpose %slice3A_303, [1, 0] : vector<128x1xf32> -> vector<1x128xf32>
    %slice3A_305 = vector.extract_strided_slice %broadcast_in_dim3A {offsets = [1664, 0], sizes = [128, 1], strides = [1, 1]} : vector<6400x1xf32> to vector<128x1xf32>
    %transpose3A_306 = tpu.transpose %slice3A_305, [1, 0] : vector<128x1xf32> -> vector<1x128xf32>
    %slice3A_307 = vector.extract_strided_slice %broadcast_in_dim3A {offsets = [1792, 0], sizes = [128, 1], strides = [1, 1]} : vector<6400x1xf32> to vector<128x1xf32>
    %transpose3A_308 = tpu.transpose %slice3A_307, [1, 0] : vector<128x1xf32> -> vector<1x128xf32>
    %slice3A_309 = vector.extract_strided_slice %broadcast_in_dim3A {offsets = [1920, 0], sizes = [128, 1], strides = [1, 1]} : vector<6400x1xf32> to vector<128x1xf32>
    %transpose3A_310 = tpu.transpose %slice3A_309, [1, 0] : vector<128x1xf32> -> vector<1x128xf32>
    %slice3A_311 = vector.extract_strided_slice %broadcast_in_dim3A {offsets = [2048, 0], sizes = [128, 1], strides = [1, 1]} : vector<6400x1xf32> to vector<128x1xf32>
    %transpose3A_312 = tpu.transpose %slice3A_311, [1, 0] : vector<128x1xf32> -> vector<1x128xf32>
    %slice3A_313 = vector.extract_strided_slice %broadcast_in_dim3A {offsets = [2176, 0], sizes = [128, 1], strides = [1, 1]} : vector<6400x1xf32> to vector<128x1xf32>
    %transpose3A_314 = tpu.transpose %slice3A_313, [1, 0] : vector<128x1xf32> -> vector<1x128xf32>
    %slice3A_315 = vector.extract_strided_slice %broadcast_in_dim3A {offsets = [2304, 0], sizes = [128, 1], strides = [1, 1]} : vector<6400x1xf32> to vector<128x1xf32>
    %transpose3A_316 = tpu.transpose %slice3A_315, [1, 0] : vector<128x1xf32> -> vector<1x128xf32>
    %slice3A_317 = vector.extract_strided_slice %broadcast_in_dim3A {offsets = [2432, 0], sizes = [128, 1], strides = [1, 1]} : vector<6400x1xf32> to vector<128x1xf32>
    %transpose3A_318 = tpu.transpose %slice3A_317, [1, 0] : vector<128x1xf32> -> vector<1x128xf32>
    %slice3A_319 = vector.extract_strided_slice %broadcast_in_dim3A {offsets = [2560, 0], sizes = [128, 1], strides = [1, 1]} : vector<6400x1xf32> to vector<128x1xf32>
    %transpose3A_320 = tpu.transpose %slice3A_319, [1, 0] : vector<128x1xf32> -> vector<1x128xf32>
    %slice3A_321 = vector.extract_strided_slice %broadcast_in_dim3A {offsets = [2688, 0], sizes = [128, 1], strides = [1, 1]} : vector<6400x1xf32> to vector<128x1xf32>
    %transpose3A_322 = tpu.transpose %slice3A_321, [1, 0] : vector<128x1xf32> -> vector<1x128xf32>
    %slice3A_323 = vector.extract_strided_slice %broadcast_in_dim3A {offsets = [2816, 0], sizes = [128, 1], strides = [1, 1]} : vector<6400x1xf32> to vector<128x1xf32>
    %transpose3A_324 = tpu.transpose %slice3A_323, [1, 0] : vector<128x1xf32> -> vector<1x128xf32>
    %slice3A_325 = vector.extract_strided_slice %broadcast_in_dim3A {offsets = [2944, 0], sizes = [128, 1], strides = [1, 1]} : vector<6400x1xf32> to vector<128x1xf32>
    %transpose3A_326 = tpu.transpose %slice3A_325, [1, 0] : vector<128x1xf32> -> vector<1x128xf32>
    %slice3A_327 = vector.extract_strided_slice %broadcast_in_dim3A {offsets = [3072, 0], sizes = [128, 1], strides = [1, 1]} : vector<6400x1xf32> to vector<128x1xf32>
    %transpose3A_328 = tpu.transpose %slice3A_327, [1, 0] : vector<128x1xf32> -> vector<1x128xf32>
    %slice3A_329 = vector.extract_strided_slice %broadcast_in_dim3A {offsets = [3200, 0], sizes = [128, 1], strides = [1, 1]} : vector<6400x1xf32> to vector<128x1xf32>
    %transpose3A_330 = tpu.transpose %slice3A_329, [1, 0] : vector<128x1xf32> -> vector<1x128xf32>
    %slice3A_331 = vector.extract_strided_slice %broadcast_in_dim3A {offsets = [3328, 0], sizes = [128, 1], strides = [1, 1]} : vector<6400x1xf32> to vector<128x1xf32>
    %transpose3A_332 = tpu.transpose %slice3A_331, [1, 0] : vector<128x1xf32> -> vector<1x128xf32>
    %slice3A_333 = vector.extract_strided_slice %broadcast_in_dim3A {offsets = [3456, 0], sizes = [128, 1], strides = [1, 1]} : vector<6400x1xf32> to vector<128x1xf32>
    %transpose3A_334 = tpu.transpose %slice3A_333, [1, 0] : vector<128x1xf32> -> vector<1x128xf32>
    %slice3A_335 = vector.extract_strided_slice %broadcast_in_dim3A {offsets = [3584, 0], sizes = [128, 1], strides = [1, 1]} : vector<6400x1xf32> to vector<128x1xf32>
    %transpose3A_336 = tpu.transpose %slice3A_335, [1, 0] : vector<128x1xf32> -> vector<1x128xf32>
    %slice3A_337 = vector.extract_strided_slice %broadcast_in_dim3A {offsets = [3712, 0], sizes = [128, 1], strides = [1, 1]} : vector<6400x1xf32> to vector<128x1xf32>
    %transpose3A_338 = tpu.transpose %slice3A_337, [1, 0] : vector<128x1xf32> -> vector<1x128xf32>
    %slice3A_339 = vector.extract_strided_slice %broadcast_in_dim3A {offsets = [3840, 0], sizes = [128, 1], strides = [1, 1]} : vector<6400x1xf32> to vector<128x1xf32>
    %transpose3A_340 = tpu.transpose %slice3A_339, [1, 0] : vector<128x1xf32> -> vector<1x128xf32>
    %slice3A_341 = vector.extract_strided_slice %broadcast_in_dim3A {offsets = [3968, 0], sizes = [128, 1], strides = [1, 1]} : vector<6400x1xf32> to vector<128x1xf32>
    %transpose3A_342 = tpu.transpose %slice3A_341, [1, 0] : vector<128x1xf32> -> vector<1x128xf32>
    %slice3A_343 = vector.extract_strided_slice %broadcast_in_dim3A {offsets = [4096, 0], sizes = [128, 1], strides = [1, 1]} : vector<6400x1xf32> to vector<128x1xf32>
    %transpose3A_344 = tpu.transpose %slice3A_343, [1, 0] : vector<128x1xf32> -> vector<1x128xf32>
    %slice3A_345 = vector.extract_strided_slice %broadcast_in_dim3A {offsets = [4224, 0], sizes = [128, 1], strides = [1, 1]} : vector<6400x1xf32> to vector<128x1xf32>
    %transpose3A_346 = tpu.transpose %slice3A_345, [1, 0] : vector<128x1xf32> -> vector<1x128xf32>
    %slice3A_347 = vector.extract_strided_slice %broadcast_in_dim3A {offsets = [4352, 0], sizes = [128, 1], strides = [1, 1]} : vector<6400x1xf32> to vector<128x1xf32>
    %transpose3A_348 = tpu.transpose %slice3A_347, [1, 0] : vector<128x1xf32> -> vector<1x128xf32>
    %slice3A_349 = vector.extract_strided_slice %broadcast_in_dim3A {offsets = [4480, 0], sizes = [128, 1], strides = [1, 1]} : vector<6400x1xf32> to vector<128x1xf32>
    %transpose3A_350 = tpu.transpose %slice3A_349, [1, 0] : vector<128x1xf32> -> vector<1x128xf32>
    %slice3A_351 = vector.extract_strided_slice %broadcast_in_dim3A {offsets = [4608, 0], sizes = [128, 1], strides = [1, 1]} : vector<6400x1xf32> to vector<128x1xf32>
    %transpose3A_352 = tpu.transpose %slice3A_351, [1, 0] : vector<128x1xf32> -> vector<1x128xf32>
    %slice3A_353 = vector.extract_strided_slice %broadcast_in_dim3A {offsets = [4736, 0], sizes = [128, 1], strides = [1, 1]} : vector<6400x1xf32> to vector<128x1xf32>
    %transpose3A_354 = tpu.transpose %slice3A_353, [1, 0] : vector<128x1xf32> -> vector<1x128xf32>
    %slice3A_355 = vector.extract_strided_slice %broadcast_in_dim3A {offsets = [4864, 0], sizes = [128, 1], strides = [1, 1]} : vector<6400x1xf32> to vector<128x1xf32>
    %transpose3A_356 = tpu.transpose %slice3A_355, [1, 0] : vector<128x1xf32> -> vector<1x128xf32>
    %slice3A_357 = vector.extract_strided_slice %broadcast_in_dim3A {offsets = [4992, 0], sizes = [128, 1], strides = [1, 1]} : vector<6400x1xf32> to vector<128x1xf32>
    %transpose3A_358 = tpu.transpose %slice3A_357, [1, 0] : vector<128x1xf32> -> vector<1x128xf32>
    %slice3A_359 = vector.extract_strided_slice %broadcast_in_dim3A {offsets = [5120, 0], sizes = [128, 1], strides = [1, 1]} : vector<6400x1xf32> to vector<128x1xf32>
    %transpose3A_360 = tpu.transpose %slice3A_359, [1, 0] : vector<128x1xf32> -> vector<1x128xf32>
    %slice3A_361 = vector.extract_strided_slice %broadcast_in_dim3A {offsets = [5248, 0], sizes = [128, 1], strides = [1, 1]} : vector<6400x1xf32> to vector<128x1xf32>
    %transpose3A_362 = tpu.transpose %slice3A_361, [1, 0] : vector<128x1xf32> -> vector<1x128xf32>
    %slice3A_363 = vector.extract_strided_slice %broadcast_in_dim3A {offsets = [5376, 0], sizes = [128, 1], strides = [1, 1]} : vector<6400x1xf32> to vector<128x1xf32>
    %transpose3A_364 = tpu.transpose %slice3A_363, [1, 0] : vector<128x1xf32> -> vector<1x128xf32>
    %slice3A_365 = vector.extract_strided_slice %broadcast_in_dim3A {offsets = [5504, 0], sizes = [128, 1], strides = [1, 1]} : vector<6400x1xf32> to vector<128x1xf32>
    %transpose3A_366 = tpu.transpose %slice3A_365, [1, 0] : vector<128x1xf32> -> vector<1x128xf32>
    %slice3A_367 = vector.extract_strided_slice %broadcast_in_dim3A {offsets = [5632, 0], sizes = [128, 1], strides = [1, 1]} : vector<6400x1xf32> to vector<128x1xf32>
    %transpose3A_368 = tpu.transpose %slice3A_367, [1, 0] : vector<128x1xf32> -> vector<1x128xf32>
    %slice3A_369 = vector.extract_strided_slice %broadcast_in_dim3A {offsets = [5760, 0], sizes = [128, 1], strides = [1, 1]} : vector<6400x1xf32> to vector<128x1xf32>
    %transpose3A_370 = tpu.transpose %slice3A_369, [1, 0] : vector<128x1xf32> -> vector<1x128xf32>
    %slice3A_371 = vector.extract_strided_slice %broadcast_in_dim3A {offsets = [5888, 0], sizes = [128, 1], strides = [1, 1]} : vector<6400x1xf32> to vector<128x1xf32>
    %transpose3A_372 = tpu.transpose %slice3A_371, [1, 0] : vector<128x1xf32> -> vector<1x128xf32>
    %slice3A_373 = vector.extract_strided_slice %broadcast_in_dim3A {offsets = [6016, 0], sizes = [128, 1], strides = [1, 1]} : vector<6400x1xf32> to vector<128x1xf32>
    %transpose3A_374 = tpu.transpose %slice3A_373, [1, 0] : vector<128x1xf32> -> vector<1x128xf32>
    %slice3A_375 = vector.extract_strided_slice %broadcast_in_dim3A {offsets = [6144, 0], sizes = [128, 1], strides = [1, 1]} : vector<6400x1xf32> to vector<128x1xf32>
    %transpose3A_376 = tpu.transpose %slice3A_375, [1, 0] : vector<128x1xf32> -> vector<1x128xf32>
    %slice3A_377 = vector.extract_strided_slice %broadcast_in_dim3A {offsets = [6272, 0], sizes = [128, 1], strides = [1, 1]} : vector<6400x1xf32> to vector<128x1xf32>
    %transpose3A_378 = tpu.transpose %slice3A_377, [1, 0] : vector<128x1xf32> -> vector<1x128xf32>
    %concatenate3A_379 = tpu.concatenate %transpose3A_280, %transpose3A_282, %transpose3A_284, %transpose3A_286, %transpose3A_288, %transpose3A_290, %transpose3A_292, %transpose3A_294, %transpose3A_296, %transpose3A_298, %transpose3A_300, %transpose3A_302, %transpose3A_304, %transpose3A_306, %transpose3A_308, %transpose3A_310, %transpose3A_312, %transpose3A_314, %transpose3A_316, %transpose3A_318, %transpose3A_320, %transpose3A_322, %transpose3A_324, %transpose3A_326, %transpose3A_328, %transpose3A_330, %transpose3A_332, %transpose3A_334, %transpose3A_336, %transpose3A_338, %transpose3A_340, %transpose3A_342, %transpose3A_344, %transpose3A_346, %transpose3A_348, %transpose3A_350, %transpose3A_352, %transpose3A_354, %transpose3A_356, %transpose3A_358, %transpose3A_360, %transpose3A_362, %transpose3A_364, %transpose3A_366, %transpose3A_368, %transpose3A_370, %transpose3A_372, %transpose3A_374, %transpose3A_376, %transpose3A_378 in 0 : vector<1x128xf32>, vector<1x128xf32>, vector<1x128xf32>, vector<1x128xf32>, vector<1x128xf32>, vector<1x128xf32>, vector<1x128xf32>, vector<1x128xf32>, vector<1x128xf32>, vector<1x128xf32>, vector<1x128xf32>, vector<1x128xf32>, vector<1x128xf32>, vector<1x128xf32>, vector<1x128xf32>, vector<1x128xf32>, vector<1x128xf32>, vector<1x128xf32>, vector<1x128xf32>, vector<1x128xf32>, vector<1x128xf32>, vector<1x128xf32>, vector<1x128xf32>, vector<1x128xf32>, vector<1x128xf32>, vector<1x128xf32>, vector<1x128xf32>, vector<1x128xf32>, vector<1x128xf32>, vector<1x128xf32>, vector<1x128xf32>, vector<1x128xf32>, vector<1x128xf32>, vector<1x128xf32>, vector<1x128xf32>, vector<1x128xf32>, vector<1x128xf32>, vector<1x128xf32>, vector<1x128xf32>, vector<1x128xf32>, vector<1x128xf32>, vector<1x128xf32>, vector<1x128xf32>, vector<1x128xf32>, vector<1x128xf32>, vector<1x128xf32>, vector<1x128xf32>, vector<1x128xf32>, vector<1x128xf32>, vector<1x128xf32> -> vector<50x128xf32>
    %get3A_380 = arith.constant 0 : index
    %get3A_381 = arith.constant 0 : index
    %get3A_382 = arith.constant 0 : index
    %get3A_383 = vector.load %arg4[%get3A_380, %get3A_381, %get3A_382] : memref<1x50x128xf32, #tpu.memory_space<vmem>>, vector<1x50x128xf32>
    %reshape3A_384 = vector.shape_cast %get3A_383 : vector<1x50x128xf32> to vector<50x128xf32>
    %mul3A_385 = arith.mulf %reshape3A_384, %concatenate3A_379 : vector<50x128xf32>
    %reshape3A_386 = vector.shape_cast %mul3A_385 : vector<50x128xf32> to vector<1x50x128xf32>
    %swap3A = arith.constant 0 : index
    %swap3A_387 = arith.constant 0 : index
    %swap3A_388 = arith.constant 0 : index
    %swap3A_389 = vector.load %arg14[%swap3A, %swap3A_387, %swap3A_388] : memref<1x50x128xf32, #tpu.memory_space<vmem>>, vector<1x50x128xf32>
    tpu.vector_store %arg14[%swap3A, %swap3A_387, %swap3A_388], %reshape3A_386 {strides = array<i32>} : memref<1x50x128xf32, #tpu.memory_space<vmem>>, vector<1x50x128xf32>,
    %get3A_390 = arith.constant 0 : index
    %get3A_391 = arith.constant 0 : index
    %get3A_392 = arith.constant 0 : index
    %get3A_393 = vector.load %arg5[%get3A_390, %get3A_391, %get3A_392] : memref<1x50x128xf32, #tpu.memory_space<vmem>>, vector<1x50x128xf32>
    %reshape3A_394 = vector.shape_cast %get3A_393 : vector<1x50x128xf32> to vector<50x128xf32>
    %mul3A_395 = arith.mulf %reshape3A_394, %concatenate3A_379 : vector<50x128xf32>
    %reshape3A_396 = vector.shape_cast %mul3A_395 : vector<50x128xf32> to vector<1x50x128xf32>
    %swap3A_397 = arith.constant 0 : index
    %swap3A_398 = arith.constant 0 : index
    %swap3A_399 = arith.constant 0 : index
    %swap3A_400 = vector.load %arg15[%swap3A_397, %swap3A_398, %swap3A_399] : memref<1x50x128xf32, #tpu.memory_space<vmem>>, vector<1x50x128xf32>
    tpu.vector_store %arg15[%swap3A_397, %swap3A_398, %swap3A_399], %reshape3A_396 {strides = array<i32>} : memref<1x50x128xf32, #tpu.memory_space<vmem>>, vector<1x50x128xf32>,
    %get3A_401 = arith.constant 0 : index
    %get3A_402 = arith.constant 0 : index
    %get3A_403 = arith.constant 0 : index
    %get3A_404 = vector.load %arg6[%get3A_401, %get3A_402, %get3A_403] : memref<1x50x128xf32, #tpu.memory_space<vmem>>, vector<1x50x128xf32>
    %reshape3A_405 = vector.shape_cast %get3A_404 : vector<1x50x128xf32> to vector<50x128xf32>
    %mul3A_406 = arith.mulf %reshape3A_405, %concatenate3A_379 : vector<50x128xf32>
    %reshape3A_407 = vector.shape_cast %mul3A_406 : vector<50x128xf32> to vector<1x50x128xf32>
    %swap3A_408 = arith.constant 0 : index
    %swap3A_409 = arith.constant 0 : index
    %swap3A_410 = arith.constant 0 : index
    %swap3A_411 = vector.load %arg16[%swap3A_408, %swap3A_409, %swap3A_410] : memref<1x50x128xf32, #tpu.memory_space<vmem>>, vector<1x50x128xf32>
    tpu.vector_store %arg16[%swap3A_408, %swap3A_409, %swap3A_410], %reshape3A_407 {strides = array<i32>} : memref<1x50x128xf32, #tpu.memory_space<vmem>>, vector<1x50x128xf32>,
    return
  }
  func.func @transform_0(%arg0: i32) -> (i32, i32) {
    %c0_i32 = arith.constant 0 : i32
    %c0_i32_0 = arith.constant 0 : i32
    return %arg0, %c0_i32 : i32, i32
  }
  func.func @transform_1(%arg0: i32) -> (i32, i32) {
    %c0_i32 = arith.constant 0 : i32
    %c0_i32_0 = arith.constant 0 : i32
    return %arg0, %c0_i32 : i32, i32
  }
  func.func @transform_2(%arg0: i32) -> (i32, i32, i32) {
    %add3A = arith.constant 10 : i32
    %add3A_0 = arith.addi %add3A, %arg0 : i32
    %c0_i32 = arith.constant 0 : i32
    %c0_i32_1 = arith.constant 0 : i32
    %c0_i32_2 = arith.constant 0 : i32
    return %add3A_0, %c0_i32, %c0_i32_1 : i32, i32, i32
  }
  func.func @transform_3(%arg0: i32) -> (i32, i32, i32) {
    %add3A = arith.constant 10 : i32
    %add3A_0 = arith.addi %add3A, %arg0 : i32
    %c0_i32 = arith.constant 0 : i32
    %c0_i32_1 = arith.constant 0 : i32
    %c0_i32_2 = arith.constant 0 : i32
    return %add3A_0, %c0_i32, %c0_i32_1 : i32, i32, i32
  }
  func.func @transform_4(%arg0: i32) -> (i32, i32, i32) {
    %add3A = arith.constant 10 : i32
    %add3A_0 = arith.addi %add3A, %arg0 : i32
    %c0_i32 = arith.constant 0 : i32
    %c0_i32_1 = arith.constant 0 : i32
    %c0_i32_2 = arith.constant 0 : i32
    return %add3A_0, %c0_i32, %c0_i32_1 : i32, i32, i32
  }
  func.func @transform_5(%arg0: i32) -> (i32, i32, i32) {
    %add3A = arith.constant 10 : i32
    %add3A_0 = arith.addi %add3A, %arg0 : i32
    %c0_i32 = arith.constant 0 : i32
    %c0_i32_1 = arith.constant 0 : i32
    %c0_i32_2 = arith.constant 0 : i32
    return %add3A_0, %c0_i32, %c0_i32_1 : i32, i32, i32
  }
  func.func @transform_6(%arg0: i32) -> (i32, i32) {
    %c0_i32 = arith.constant 0 : i32
    %c0_i32_0 = arith.constant 0 : i32
    %c0_i32_1 = arith.constant 0 : i32
    return %c0_i32, %c0_i32_0 : i32, i32
  }
  func.func @transform_7(%arg0: i32) -> (i32, i32) {
    %c0_i32 = arith.constant 0 : i32
    %c0_i32_0 = arith.constant 0 : i32
    %c0_i32_1 = arith.constant 0 : i32
    return %c0_i32, %c0_i32_0 : i32, i32
  }
  func.func @transform_8(%arg0: i32) -> (i32, i32) {
    %c0_i32 = arith.constant 0 : i32
    %c0_i32_0 = arith.constant 0 : i32
    %c0_i32_1 = arith.constant 0 : i32
    return %c0_i32, %c0_i32_0 : i32, i32
  }
  func.func @transform_9(%arg0: i32) -> (i32, i32) {
    %c0_i32 = arith.constant 0 : i32
    %c0_i32_0 = arith.constant 0 : i32
    %c0_i32_1 = arith.constant 0 : i32
    return %c0_i32, %c0_i32_0 : i32, i32
  }
  func.func @transform_10(%arg0: i32) -> (i32, i32) {
    %c0_i32 = arith.constant 0 : i32
    %c0_i32_0 = arith.constant 0 : i32
    %c0_i32_1 = arith.constant 0 : i32
    return %c0_i32, %c0_i32_0 : i32, i32
  }
  func.func @transform_11(%arg0: i32) -> (i32, i32) {
    %c0_i32 = arith.constant 0 : i32
    %c0_i32_0 = arith.constant 0 : i32
    %c0_i32_1 = arith.constant 0 : i32
    return %c0_i32, %c0_i32_0 : i32, i32
  }
  func.func @transform_12(%arg0: i32) -> (i32, i32) {
    %c0_i32 = arith.constant 0 : i32
    %c0_i32_0 = arith.constant 0 : i32
    %c0_i32_1 = arith.constant 0 : i32
    return %c0_i32, %c0_i32_0 : i32, i32
  }
  func.func @transform_13(%arg0: i32) -> (i32, i32, i32) {
    %c0_i32 = arith.constant 0 : i32
    %c0_i32_0 = arith.constant 0 : i32
    %c0_i32_1 = arith.constant 0 : i32
    return %arg0, %c0_i32, %c0_i32_0 : i32, i32, i32
  }
  func.func @transform_14(%arg0: i32) -> (i32, i32, i32) {
    %c0_i32 = arith.constant 0 : i32
    %c0_i32_0 = arith.constant 0 : i32
    %c0_i32_1 = arith.constant 0 : i32
    return %arg0, %c0_i32, %c0_i32_0 : i32, i32, i32
  }
  func.func @transform_15(%arg0: i32) -> (i32, i32, i32) {
    %c0_i32 = arith.constant 0 : i32
    %c0_i32_0 = arith.constant 0 : i32
    %c0_i32_1 = arith.constant 0 : i32
    return %arg0, %c0_i32, %c0_i32_0 : i32, i32, i32
  }
}

</mosaic_0001>

<sc_bundles>
// kernel: kernel.11.cloned.1.call-start
scs
__scs_entry_jumppad:
0x0: {  	(pc) =	sbr.rel $0x88, $3  }
0x1: {  	(tag) =	ssettag $0x0;
	lr =	simm.s32 $0x1  }
0x2: {  	[smem:$0x3F96] =	sst lr;
	_ =	strace $0xD0000000  }
0x3: {  	_ = 	snop  }
0x4: {  	_ = 	snop  }
0x5: {  	_ = 	snop  }
0x6: {  	_ = 	snop  }
0x7: {  	_ = 	snop  }
__scs_overlays_trampoline_lowered:
0x8: {  	[smem:$0x3FA5] =	sst s0  }
0x9: {  	[smem:$0x3FA6] =	sst s1  }
0xa: {  	[smem:$0x3FA7] =	sst s2  }
0xb: {  	[smem:$0x3FA8] =	sst s3  }
0xc: {  	[smem:$0x3FA9] =	sst s4  }
0xd: {  	[smem:$0x3FAA] =	sst s5  }
0xe: {  	[smem:$0x3FAB] =	sst s6  }
0xf: {  	[smem:$0x3FAC] =	sst s7  }
0x10: {  	[smem:$0x3FAD] =	sst s8  }
0x11: {  	[smem:$0x3FAE] =	sst s9;
	s0 =	simm.s32 @!p0 $0x0  }
0x12: {  	s1 =	sld [smem:$0x3F94];
	s0 =	simm.s32 @p0 $0x1  }
0x13: {  	[smem:$0x3FAF] =	sst s0;
	s0 =	simm.s32 @!p1 $0x0  }
0x14: {  	s2 =	sld [smem:$0x3F93];
	s0 =	simm.s32 @p1 $0x1  }
0x15: {  	[smem:$0x3FB0] =	sst s0;
	s0 =	simm.s32 @!p2 $0x0  }
0x16: {  	s3 =	sld [smem:$0x3FDB];
	s0 =	simm.s32 @p2 $0x1  }
0x17: {  	s4 =	simm.s32 $0x1BF5;
	[smem:$0x3FB2] =	sst s0  }
0x18: {  	s0 =	sld [smem:$0x3F95];
	_ =	swait.ge [sflag:s4], $0x0  }
0x19: {  	s7 =	sld [smem:$0x3F96]  }
0x1a: {  	s8 =	sadd.s32 $0xFFFFE003, lr  }
0x1b: {  	s9 =	sadd.s32 $0xFFFFFEF7, lr;
	s5 =	simm.s32 $0xFFFFFFFF;
	p2 =	slt.u32 s8, $0xFFFFF086  }
0x1c: {  	p1 =	slt.u32 s9, $0xF7A;
	s5 =	simm.s32 @!p2 $0x0  }
0x1d: {  	s5 =	simm.s32 @p1 $0x1;
	p0 =	seq.s32 s7, s2  }
0x1e: {  	s7 =	smul.u32 @!p0 $0xF7A, s2;
	p2 =	seq.s32 @!p0 s5, $0x0  }
0x1f: {  	s9 =	smul.u32 $0xF7A, s1;
	s8 =	simm.s32 @!p0 $0x1BF5;
	p2 =	por !p2, p0  }
0x20: {  	[sflag:s8] =	ssyncset.s32 @!p0 $0xFFFFF086;
	s6 =	sadd.s32 @!p0 s3, s7;
	s7 =	simm.s32 @!p0 $0x108  }
0x21: {  	s3 =	sadd.s32 s3, s9;
	s6 =	sadd.s32 @!p0 $0x88, s6;
	s7 =	simm.s32 @p2 $0x1082  }
0x22: {  	[simem:s7], [sflag:s8] =	dma.local @!p0 [hbm:s6], $0xF7A  }
0x23: {  	s9 =	sor.u32 $0xD0000000, s2;
	s6 =	simm.s32 $0x108;
	_ =	swait.ge @!p0 [sflag:s8], $0x0  }
0x24: {  	s3 =	sadd.s32 $0x88, s3;
	s6 =	simm.s32 @!p1 $0x1082;
	[sflag:s4] =	ssyncset.s32 $0xFFFFF086  }
0x25: {  	[simem:s6], [sflag:s4] =	dma.local [hbm:s3], $0xF7A  }
0x26: {  	[smem:$0x3F96] =	sst s1;
	(tag) =	ssettag s2;
	_ =	strace s9  }
0x27: {  	s1 =	sld [smem:$0x3FA6]  }
0x28: {  	s2 =	sld [smem:$0x3FA7]  }
0x29: {  	s4 =	sld [smem:$0x3FA9]  }
0x2a: {  	p0 =	seq.s32 s5, $0x0;
	s5 =	sld [smem:$0x3FAA]  }
0x2b: {  	s6 =	sld [smem:$0x3FAB]  }
0x2c: {  	s7 =	sld [smem:$0x3FAC]  }
0x2d: {  	s3 =	simm.s32 $0x108;
	s8 =	sld [smem:$0x3FAD]  }
0x2e: {  	s3 =	simm.s32 @!p0 $0x1082;
	s9 =	sld [smem:$0x3FAE]  }
0x2f: {  	lr =	sadd.s32 s0, s3;
	s0 =	sld [smem:$0x3FA5]  }
0x30: {  	s3 =	sld [smem:$0x3FA8]  }
0x31: {  	[smem:$0x3FB1] =	sst s10  }
0x32: {  	s10 =	sld [smem:$0x3FAF];
	_ =	sdelay $0x3  }
0x33: {  	p0 =	seq.s32 s10, $0x1;
	s10 =	sld [smem:$0x3FB1];
	_ =	sdelay $0x3  }
0x34: {  	[smem:$0x3FB1] =	sst s10  }
0x35: {  	s10 =	sld [smem:$0x3FB0];
	_ =	sdelay $0x3  }
0x36: {  	p1 =	seq.s32 s10, $0x1;
	s10 =	sld [smem:$0x3FB1];
	_ =	sdelay $0x3  }
0x37: {  	[smem:$0x3FB1] =	sst s10  }
0x38: {  	s10 =	sld [smem:$0x3FB2]  }
0x39: {  	_ = 	snop;
	(pc) =	sbr.ind lr, $3  }
0x3a: {  	_ = 	snop  }
0x3b: {  	_ = 	snop  }
0x3c: {  	p2 =	seq.s32 s10, $0x1;
	s10 =	sld [smem:$0x3FB1]  }
0x3d: {  	_ =	shalt  }
0x3e: {  	_ =	shalt  }
0x3f: {  	_ =	shalt  }
0x40: {  	_ =	shalt  }
0x41: {  	_ =	shalt  }
0x42: {  	_ =	shalt  }
0x43: {  	_ =	shalt  }
0x44: {  	_ =	shalt  }
0x45: {  	_ =	shalt  }
0x46: {  	_ =	shalt  }
0x47: {  	_ =	shalt  }
0x48: {  	_ =	shalt  }
0x49: {  	_ =	shalt  }
0x4a: {  	_ =	shalt  }
0x4b: {  	_ =	shalt  }
0x4c: {  	_ =	shalt  }
0x4d: {  	_ =	shalt  }
0x4e: {  	_ =	shalt  }
0x4f: {  	_ =	shalt  }
0x50: {  	_ =	shalt  }
0x51: {  	_ =	shalt  }
0x52: {  	_ =	shalt  }
0x53: {  	_ =	shalt  }
0x54: {  	_ =	shalt  }
0x55: {  	_ =	shalt  }
0x56: {  	_ =	shalt  }
0x57: {  	_ =	shalt  }
0x58: {  	_ =	shalt  }
0x59: {  	_ =	shalt  }
0x5a: {  	_ =	shalt  }
0x5b: {  	_ =	shalt  }
0x5c: {  	_ =	shalt  }
0x5d: {  	_ =	shalt  }
0x5e: {  	_ =	shalt  }
0x5f: {  	_ =	shalt  }
0x60: {  	_ =	shalt  }
0x61: {  	_ =	shalt  }
0x62: {  	_ =	shalt  }
0x63: {  	_ =	shalt  }
0x64: {  	_ =	shalt  }
0x65: {  	_ =	shalt  }
0x66: {  	_ =	shalt  }
0x67: {  	_ =	shalt  }
0x68: {  	_ =	shalt  }
0x69: {  	_ =	shalt  }
0x6a: {  	_ =	shalt  }
0x6b: {  	_ =	shalt  }
0x6c: {  	_ =	shalt  }
0x6d: {  	_ =	shalt  }
0x6e: {  	_ =	shalt  }
0x6f: {  	_ =	shalt  }
0x70: {  	_ =	shalt  }
0x71: {  	_ =	shalt  }
0x72: {  	_ =	shalt  }
0x73: {  	_ =	shalt  }
0x74: {  	_ =	shalt  }
0x75: {  	_ =	shalt  }
0x76: {  	_ =	shalt  }
0x77: {  	_ =	shalt  }
0x78: {  	_ =	shalt  }
0x79: {  	_ =	shalt  }
0x7a: {  	_ =	shalt  }
0x7b: {  	_ =	shalt  }
0x7c: {  	_ =	shalt  }
0x7d: {  	_ =	shalt  }
0x7e: {  	_ =	shalt  }
0x7f: {  	_ =	shalt  }
0x80: {  	_ =	shalt  }
0x81: {  	_ =	shalt  }
0x82: {  	_ =	shalt  }
0x83: {  	_ =	shalt  }
0x84: {  	_ =	shalt  }
0x85: {  	_ =	shalt  }
0x86: {  	_ =	shalt  }
0x87: {  	_ =	shalt  }
.Lfunc_end0:
.L_simem_size_0:
called_computation.1_lowered:
.L_overlay_start_0:
0x88: {  	s2 =	sld [smem:$0x3FD9]  }
0x89: {  	s3 =	sld [smem:$0x3FFE];
	_ =	sdelay $0x1  }
0x8a: {  	s1 =	srdreg.scid  }
0x8b: {  	s0 =	sand.u32 $0x1, s1  }
0x8c: {  	s17 =	sshll.u32 s0, $0xA;
	s2 =	sadd.s32 s3, s2  }
0x8d: {  	s2 =	sadd.s32 s2, s17  }
0x8e: {  	[smem:$0x3FBD] =	sst s2  }
0x8f: {  	_ = 	snop  }
0x90: {  	(tm) =	ssettm $0x1  }
0x91: {  	s18 =	sld [smem:$0x3FFB];
	_ =	sdelay $0x3  }
0x92: {  	_ =	strace s18  }
0x93: {  	s2 =	sld [smem:$0x3FFC];
	_ =	sdelay $0x3  }
0x94: {  	_ =	strace s2  }
0x95: {  	s2 =	sld [smem:$0x3FFD];
	_ =	sdelay $0x3  }
0x96: {  	_ =	strace s2  }
0x97: {  	_ =	strace $0x8FFFFFFF  }
0x98: {  	s19 =	sld [smem:$0x3FDB];
	_ =	sdelay $0x1  }
0x99: {  	s20 =	simm.s32 $_scs_section_size  }
0x9a: {  	s4 =	simm.s32 $_size__tile_overlayer_lowered;
	s5 =	simm.s32 $_tile_overlayer_lowered  }
0x9b: {  	s6 =	simm.s32 $0x1BFF;
	s21 =	sshll.u32 s5, $0x1;
	s3 =	sadd.s32 s20, s19  }
0x9c: {  	s22 =	simm.s32 $0x0;
	s4 =	sshll.u32 s4, $0x1;
	s5 =	sadd.s32 s21, s3  }
0x9d: {  	[timem:s22], [sflag:s6] =	dma.local [hbm:s5], s4  }
0x9e: {  	_ =	swait.ge [sflag:s6], s4  }
0x9f: {  	s4 =	ssub.s32 $0x0, s4;
	[sflag:s6] =	ssyncset.done $0x0  }
0xa0: {  	[sflag:s6] =	ssyncadd.s32 s4;
	_ =	sdelay $0x1  }
0xa1: {  	s23 =	simm.s32 $0x1B8B  }
0xa2: {  	_ =	swait.ge [sflag:s23], $0x1  }
0xa3: {  	[sflag:s23] =	ssyncset.done $0x0  }
0xa4: {  	[sflag:s23] =	ssyncadd.s32 $0xFFFFFFFF  }
0xa5: {  	s4 =	sld [smem:$0x0]  }
0xa6: {  	s5 =	sand.u32 $0xFFFFFFFE, s1  }
0xa7: {  	p0 =	sne.s32 s1, s5  }
0xa8: {  	s5 =	sshll.u32 @p0 s5, $0xE  }
0xa9: {  	s5 =	sadd.s32 @p0 $0x11B8D, s5;
	s6 =	sshll.u32 @p0 s4, $0x11  }
0xaa: {  	s5 =	sor.u32 @p0 s6, s5  }
0xab: {  	[sflag:s5] =	ssyncadd.remote.s32 @p0 $0x1;
	_ =	sdelay $0x1  }
0xac: {  	s5 =	simm.s32 @p0 $0x1B8D  }
0xad: {  	_ =	swait.eq @p0 [sflag:s5], $0x1  }
0xae: {  	[sflag:s5] =	ssyncadd.s32 @p0 $0xFFFFFFFF  }
0xaf: {  	s6 =	sshll.u32 @!p0 s1, $0xE  }
0xb0: {  	s6 =	sor.u32 @!p0 $0x4000, s6;
	s5 =	simm.s32 @!p0 $0x1B8D  }
0xb1: {  	s4 =	sshll.u32 @!p0 s4, $0x11;
	s6 =	sadd.s32 @!p0 $0x11B8D, s6;
	_ =	swait.eq @!p0 [sflag:s5], $0x1  }
0xb2: {  	s4 =	sor.u32 @!p0 s4, s6;
	[sflag:s5] =	ssyncadd.s32 @!p0 $0xFFFFFFFF  }
0xb3: {  	s25 =	simm.s32 $0x1B8E;
	s24 =	sld [smem:$0x3FFE];
	[sflag:s4] =	ssyncadd.remote.s32 @!p0 $0x1  }
0xb4: {  	s26 =	simm.s32 $execute0_lowered;
	[smem:$0x3FD2] =	sst s25  }
0xb5: {  	s5 =	sshll.u32 s26, $0x1;
	_ =	strace $0x80000049;
	[dreg:$0x1] =	wrdreg $0xFFFFFFFF  }
0xb6: {  	s28 =	simm.s32 $_size_execute0_lowered;
	s3 =	sadd.s32 s3, s5;
	[dreg:$0x0] =	wrdreg $0x0  }
0xb7: {  	s5 =	sshll.u32 s28, $0x1;
	[dreg:$0x2] =	wrdreg s3  }
0xb8: {  	[dreg:$0x3] =	wrdreg s5  }
0xb9: {  	[dreg:$0x4] =	wrdreg $0xC0  }
0xba: {  	_ =	task [dreg:s22], $0x5FFFF  }
0xbb: {  	[dreg:$0x1] =	wrdreg $0xFFFFFFFF  }
0xbc: {  	[dreg:$0x0] =	wrdreg $0x60  }
0xbd: {  	[dreg:$0x2] =	wrdreg s24  }
0xbe: {  	[dreg:$0x3] =	wrdreg $0xA  }
0xbf: {  	_ =	task.clear_ibuf [dreg:s22], $0x4FFFF;
	_ =	strace $0x90000049  }
0xc0: {  	s29 =	simm.s32 $0xA;
	_ =	strace $0x8000004B  }
0xc1: {  	_ =	swait.ge [sflag:s29], $0x1  }
0xc2: {  	[sflag:s29] =	ssyncadd.s32 $0xFFFFFFFF  }
0xc3: {  	_ =	strace $0x9000004B  }
0xc4: {  	_ =	sfence  }
0xc5: {  	s30 =	sld [smem:$0x0];
	_ =	sdelay $0x2  }
0xc6: {  	s31 =	sshll.u32 s1, $0xD;
	s1 =	sshrl.u32 s1, $0x2  }
0xc7: {  	s4 =	sand.u32 $0x4000, s31;
	s1 =	sadd.s32 s1, s30  }
0xc8: {  	s0 =	sor.u32 s4, s0;
	s1 =	sshll.u32 s1, $0x11  }
0xc9: {  	s0 =	sor.u32 s1, s0  }
0xca: {  	s0 =	sadd.s32 $0x8F2B, s0  }
0xcb: {  	[sflag:s0] =	ssyncadd.remote.s32 $0x1  }
0xcc: {  	_ =	sfence.sel $0xFFFF  }
0xcd: {  	[dreg:$0x0] =	wrdreg $0xFFFFFFFF;
	(pc) =	sbr.abs _section_cstart, $3  }
0xce: {  	[dreg:$0x1] =	wrdreg $0xFFFFFFFF  }
0xcf: {  	_ =	task.clear_ibuf [dreg:s22], $0x2FFFF;
	_ =	strace $0x9FFFFFFF  }
0xd0: {  	(tm) =	ssettm $0x7FFFFFFF  }
0xd1: {  	_ =	shalt  }
tec
execute0_lowered:
.L_overlay_start_1:
0x0: {  	(tag) =	ssettag $0x1  }
0x1: {  	s8 =	rddreg [dreg:$0x0]  }
0x2: {  	s0 =	rddreg [dreg:$0x1];
	s2 =	simm.s32 $0x0;
	s3 =	srdreg.scid  }
0x3: {  	s1 =	stileid.u32;
	s16 =	simm.s32 $0x9800;
	s18 =	simm.s32 $0x5800  }
0x4: {  	s17 =	simm.s32 $0x2;
	s19 =	simm.s32 $0xD800;
	s26 =	smul.u32 $0xFFFFFFD0, s1  }
0x5: {  	[smem:$0x7FF] =	sst s2;
	s10 =	sand.u32 $0x1, s3;
	s14 =	smul.u32 $0x30, s1  }
0x6: {  	s25 =	sshll.u32 s1, $0x1;
	s3 =	sadd.s32 $0x11C00, s8;
	s30 =	smul.u32 $0x18000, s1  }
0x7: {  	s4 =	sadd.s32 $0x38E00, s8;
	s5 =	sadd.s32 $0x254000, s8;
	s13 =	smul.u32 $0xFFFFFFE8, s10  }
0x8: {  	_ =	strace $0x8000004A;
	s6 =	sor.u32 s10, s25;
	s15 =	smul.u32 $0x18, s10  }
0x9: {  	s9 =	ssub.s32 $0x2, s10;
	s31 =	smul.u32 $0xC000, s10;
	[dreg:$0x2] =	wrdreg s18  }
0xa: {  	s18 =	simm.s32 $0x3;
	[dreg:$0x3] =	wrdreg s19;
	s7 =	smul.u32 $0x18, s6  }
0xb: {  	s19 =	simm.s32 $0x0;
	s11 =	smul.u32 $0xC00, s6;
	s12 =	sshrl.u32 s9, $0x1  }
0xc: {  	s6 =	sadd.s32 $0x3CB000, s8;
	s12 =	ssub.s32 s9, s12;
	s13 =	sadd.s32 s26, s13  }
0xd: {  	s29 =	sadd.s32 s15, s14;
	s14 =	simm.s32 $0x80;
	s15 =	simm.s32 $0x1800  }
0xe: {  	s7 =	ssub.s32 $0x2EE, s7;
	s11 =	sshrl.u32 s11, $0x3;
	s28 =	sadd.s32 $0x2EE, s13  }
0xf: {  	s13 =	sshll.u32 s29, $0xB;
	s10 =	smax.u32 s12, $0x1;
	s11 =	sadd.s32 s8, s11  }
0x10: {  	s8 =	sadd.s32 $0x4B40, s11;
	s9 =	sadd.s32 $0xEB40, s11;
	s11 =	smin.u32 s28, $0x18  }
0x11: {  	s12 =	sadd.s32 s31, s30;
	s7 =	smin.u32 s7, $0x18;
	s11 =	sshll.u32 s11, $0x9  }
0x12: {  	[dreg:$0x4] =	wrdreg s11;
	s11 =	sor.u32 $0x800, s13;
	s13 =	simm.s32 $0xC00  }
.LBB2_1:
0x13: {  	[tilespmem:s2], [sflag:$0x1] =	stream.linear.gather [hbm4b:s8+s2], $0xC00, $0x38;
	[tilespmem:$0x11800] =	vst v63  }
0x14: {  	s20 =	simm.s32 $0x1  }
0x15: {  	[tilespmem:s13], [sflag:$0x1] =	stream.linear.gather [hbm4b:s9+s2], $0xC00, $0x38;
	[tilespmem:$0x11800] =	vst v63  }
0x16: {  	_ =	swait.ge [sflag:s20], $0xC00  }
0x17: {  	[sflag:s20] =	ssyncset.done $0x0  }
0x18: {  	[sflag:s20] =	ssyncadd.s32 $0xFFFFF400  }
0x19: {  	_ =	swait.ge [sflag:s20], $0xC00  }
0x1a: {  	[sflag:s20] =	ssyncset.done $0x0  }
0x1b: {  	[sflag:s20] =	ssyncadd.s32 $0xFFFFF400  }
0x1c: {  	[tilespmem:s15], [sflag:$0x2] =	stream.indirect.gather [hbm4b:s3+s14], $0x80, s2, s14, $0xb8;
	[tilespmem:$0x11800] =	vst v63  }
0x1d: {  	s21 =	smov.u32 s12;
	s22 =	smov.u32 s11;
	s23 =	simm.s32 $0x0  }
0x1e: {  	[tilespmem:s16], [sflag:$0x2] =	stream.indirect.gather [hbm4b:s4+s14], $0x80, s13, s14, $0xb8;
	[tilespmem:$0x11800] =	vst v63  }
.LBB2_2:
0x1f: {  	p0 =	sge.u32 s20, s7  }
0x20: {  	s24 =	sshra.s32 @!p0 s23, $0x2  }
0x21: {  	s26 =	simm.s32 @!p0 $0x80;
	s28 =	simm.s32 @!p0 $0x5800;
	s25 =	sadd.s32 @!p0 $0x80, s24  }
0x22: {  	[tilespmem:s28], [sflag:$0x2] =	stream.indirect.gather @!p0 [hbm4b:s3+s26], $0x80, s25, s26, $0xb8;
	[tilespmem:$0x11800] =	vst v63  }
0x23: {  	s24 =	sadd.s32 @!p0 $0xC80, s24;
	s25 =	simm.s32 @!p0 $0xD800  }
0x24: {  	[tilespmem:s25], [sflag:$0x2] =	stream.indirect.gather @!p0 [hbm4b:s4+s26], $0x80, s24, s26, $0xb8;
	[tilespmem:$0x11800] =	vst v63  }
0x25: {  	_ =	swait.ge [sflag:s17], $0x4000  }
0x26: {  	[sflag:s17] =	ssyncset.done $0x0  }
0x27: {  	[sflag:s17] =	ssyncadd.s32 $0xFFFFC000  }
0x28: {  	_ =	swait.ge [sflag:s17], $0x4000  }
0x29: {  	[sflag:s17] =	ssyncset.done $0x0  }
0x2a: {  	s30 =	sadd.s32 s21, s5;
	[sflag:s17] =	ssyncadd.s32 $0xFFFFC000  }
0x2b: {  	[hbm4b:s30+s2] =	stream.linear.scatter [tilespmem:s15], [sflag:$0x3], $0x4000, $0x38;
	[tilespmem:$0x11800] =	vst v63  }
0x2c: {  	_ =	swait.ge [sflag:s18], $0x4000  }
0x2d: {  	[sflag:s18] =	ssyncset.done $0x0  }
0x2e: {  	s31 =	sadd.s32 s21, s6;
	s25 =	sadd.s32 $0x1, s20;
	[sflag:s18] =	ssyncadd.s32 $0xFFFFC000  }
0x2f: {  	[hbm4b:s31+s2] =	stream.linear.scatter [tilespmem:s16], [sflag:$0x3], $0x4000, $0x38;
	[tilespmem:$0x11800] =	vst v63  }
0x30: {  	p0 =	sge.u32 s25, s7;
	_ =	swait.ge [sflag:s18], $0x4000  }
0x31: {  	s24 =	sshra.s32 @!p0 s23, $0x2;
	s26 =	simm.s32 @!p0 $0x80;
	[sflag:s18] =	ssyncset.done $0x0  }
0x32: {  	s28 =	simm.s32 @!p0 $0x1800;
	s25 =	sadd.s32 @!p0 $0x100, s24;
	[sflag:s18] =	ssyncadd.s32 $0xFFFFC000  }
0x33: {  	[tilespmem:s28], [sflag:$0x2] =	stream.indirect.gather @!p0 [hbm4b:s3+s26], $0x80, s25, s26, $0xb8;
	[tilespmem:$0x11800] =	vst v63  }
0x34: {  	s24 =	sadd.s32 @!p0 $0xD00, s24;
	s25 =	simm.s32 @!p0 $0x9800  }
0x35: {  	[tilespmem:s25], [sflag:$0x2] =	stream.indirect.gather @!p0 [hbm4b:s4+s26], $0x80, s24, s26, $0xb8;
	[tilespmem:$0x11800] =	vst v63  }
0x36: {  	_ =	swait.ge [sflag:s17], $0x4000  }
0x37: {  	[sflag:s17] =	ssyncset.done $0x0  }
0x38: {  	[sflag:s17] =	ssyncadd.s32 $0xFFFFC000  }
0x39: {  	_ =	swait.ge [sflag:s17], $0x4000  }
0x3a: {  	[sflag:s17] =	ssyncset.done $0x0  }
0x3b: {  	s28 =	sadd.s32 s22, s5;
	s26 =	rddreg [dreg:$0x2];
	[sflag:s17] =	ssyncadd.s32 $0xFFFFC000  }
0x3c: {  	[hbm4b:s28+s2] =	stream.linear.scatter [tilespmem:s26], [sflag:$0x3], $0x4000, $0x38;
	[tilespmem:$0x11800] =	vst v63  }
0x3d: {  	_ =	swait.ge [sflag:s18], $0x4000  }
0x3e: {  	[sflag:s18] =	ssyncset.done $0x0  }
0x3f: {  	s30 =	sadd.s32 s22, s6;
	s29 =	rddreg [dreg:$0x3];
	[sflag:s18] =	ssyncadd.s32 $0xFFFFC000  }
0x40: {  	[hbm4b:s30+s2] =	stream.linear.scatter [tilespmem:s29], [sflag:$0x3], $0x4000, $0x38;
	[tilespmem:$0x11800] =	vst v63  }
0x41: {  	_ =	swait.ge [sflag:s18], $0x4000  }
0x42: {  	s23 =	sadd.s32 $0x400, s23;
	s31 =	rddreg [dreg:$0x4]  }
0x43: {  	p0 =	sne.s32 s31, s23  }
.Ltmp0:
0x44: {  	_ = 	snop;
	(pc) =	sbr.rel @p0 .LBB2_2-.Ltmp0, $3  }
0x45: {  	_ =	sdelay $0x1  }
0x46: {  	s21 =	sadd.s32 $0x1000, s21;
	[sflag:s18] =	ssyncset.done $0x0  }
0x47: {  	s20 =	sadd.s32 $0x2, s20;
	s22 =	sadd.s32 $0x1000, s22;
	[sflag:s18] =	ssyncadd.s32 $0xFFFFC000  }
0x48: {  	s19 =	sadd.s32 $0x1, s19  }
0x49: {  	p0 =	sne.s32 s19, s10  }
.Ltmp1:
0x4a: {  	_ = 	snop;
	(pc) =	sbr.rel @p0 .LBB2_1-.Ltmp1, $1  }
0x4b: {  	_ =	sdelay $0x3  }
0x4c: {  	_ =	sfence.sel $0x180000  }
0x4d: {  	[bflag:$0x0] =	sbarrier.arrive $0xFFFF  }
0x4e: {  	p0 =	sne.s32 s1, $0x0;
	_ =	strace $0x9000004A  }
0x4f: {  	s0 =	sadd.s32 @!p0 $0x100000, s0;
	[bflag:$0x2] =	sbarrier.arrive $0xFFFF  }
0x50: {  	[sflag:s0] =	ssyncadd.tile.s32 @!p0 $0x1;
	_ =	shalt  }
.Lfunc_end2:
_tile_overlayer_lowered:
.L_overlay_start_2:
0x51: {  	(tag) =	ssettag $0x2  }
0x52: {  	s0 =	rddreg [dreg:$0x0];
	s2 =	stileid.u32  }
0x53: {  	s1 =	rddreg [dreg:$0x1];
	p0 =	sne.s32 s2, $0x0  }
0x54: {  	s3 =	rddreg [dreg:$0x2];
	[bflag:$0x3] =	sbarrier.arrive $0xFFFF;
	s2 =	simm.s32 @!p0 $0x1C03  }
0x55: {  	[timem:s3], [sflag:s2] =	dma.local @!p0 [hbm:s0], s1  }
0x56: {  	s0 =	simm.s32 @!p0 $0x3  }
0x57: {  	_ =	swait.ge @!p0 [sflag:s0], s1  }
0x58: {  	s1 =	ssub.s32 @!p0 $0x0, s1;
	[sflag:s0] =	ssyncset.done @!p0 $0x0  }
0x59: {  	[sflag:s0] =	ssyncadd.s32 @!p0 s1  }
0x5a: {  	[bflag:$0x3] =	sbarrier.arrive $0xFFFF  }
0x5b: {  	_ =	shalt  }

// kernel: kernel.14.cloned.1.call-start
scs
__scs_entry_jumppad:
0x0: {  	(pc) =	sbr.rel $0x88, $3  }
0x1: {  	(tag) =	ssettag $0x0;
	lr =	simm.s32 $0x1  }
0x2: {  	[smem:$0x3F96] =	sst lr;
	_ =	strace $0xD0000000  }
0x3: {  	_ = 	snop  }
0x4: {  	_ = 	snop  }
0x5: {  	_ = 	snop  }
0x6: {  	_ = 	snop  }
0x7: {  	_ = 	snop  }
__scs_overlays_trampoline_lowered:
0x8: {  	[smem:$0x3FA5] =	sst s0  }
0x9: {  	[smem:$0x3FA6] =	sst s1  }
0xa: {  	[smem:$0x3FA7] =	sst s2  }
0xb: {  	[smem:$0x3FA8] =	sst s3  }
0xc: {  	[smem:$0x3FA9] =	sst s4  }
0xd: {  	[smem:$0x3FAA] =	sst s5  }
0xe: {  	[smem:$0x3FAB] =	sst s6  }
0xf: {  	[smem:$0x3FAC] =	sst s7  }
0x10: {  	[smem:$0x3FAD] =	sst s8  }
0x11: {  	[smem:$0x3FAE] =	sst s9;
	s0 =	simm.s32 @!p0 $0x0  }
0x12: {  	s1 =	sld [smem:$0x3F94];
	s0 =	simm.s32 @p0 $0x1  }
0x13: {  	[smem:$0x3FAF] =	sst s0;
	s0 =	simm.s32 @!p1 $0x0  }
0x14: {  	s2 =	sld [smem:$0x3F93];
	s0 =	simm.s32 @p1 $0x1  }
0x15: {  	[smem:$0x3FB0] =	sst s0;
	s0 =	simm.s32 @!p2 $0x0  }
0x16: {  	s3 =	sld [smem:$0x3FDB];
	s0 =	simm.s32 @p2 $0x1  }
0x17: {  	s4 =	simm.s32 $0x1BF5;
	[smem:$0x3FB2] =	sst s0  }
0x18: {  	s0 =	sld [smem:$0x3F95];
	_ =	swait.ge [sflag:s4], $0x0  }
0x19: {  	s7 =	sld [smem:$0x3F96]  }
0x1a: {  	s8 =	sadd.s32 $0xFFFFE003, lr  }
0x1b: {  	s9 =	sadd.s32 $0xFFFFFEF7, lr;
	s5 =	simm.s32 $0xFFFFFFFF;
	p2 =	slt.u32 s8, $0xFFFFF086  }
0x1c: {  	p1 =	slt.u32 s9, $0xF7A;
	s5 =	simm.s32 @!p2 $0x0  }
0x1d: {  	s5 =	simm.s32 @p1 $0x1;
	p0 =	seq.s32 s7, s2  }
0x1e: {  	s7 =	smul.u32 @!p0 $0xF7A, s2;
	p2 =	seq.s32 @!p0 s5, $0x0  }
0x1f: {  	s9 =	smul.u32 $0xF7A, s1;
	s8 =	simm.s32 @!p0 $0x1BF5;
	p2 =	por !p2, p0  }
0x20: {  	[sflag:s8] =	ssyncset.s32 @!p0 $0xFFFFF086;
	s6 =	sadd.s32 @!p0 s3, s7;
	s7 =	simm.s32 @!p0 $0x108  }
0x21: {  	s3 =	sadd.s32 s3, s9;
	s6 =	sadd.s32 @!p0 $0x88, s6;
	s7 =	simm.s32 @p2 $0x1082  }
0x22: {  	[simem:s7], [sflag:s8] =	dma.local @!p0 [hbm:s6], $0xF7A  }
0x23: {  	s9 =	sor.u32 $0xD0000000, s2;
	s6 =	simm.s32 $0x108;
	_ =	swait.ge @!p0 [sflag:s8], $0x0  }
0x24: {  	s3 =	sadd.s32 $0x88, s3;
	s6 =	simm.s32 @!p1 $0x1082;
	[sflag:s4] =	ssyncset.s32 $0xFFFFF086  }
0x25: {  	[simem:s6], [sflag:s4] =	dma.local [hbm:s3], $0xF7A  }
0x26: {  	[smem:$0x3F96] =	sst s1;
	(tag) =	ssettag s2;
	_ =	strace s9  }
0x27: {  	s1 =	sld [smem:$0x3FA6]  }
0x28: {  	s2 =	sld [smem:$0x3FA7]  }
0x29: {  	s4 =	sld [smem:$0x3FA9]  }
0x2a: {  	p0 =	seq.s32 s5, $0x0;
	s5 =	sld [smem:$0x3FAA]  }
0x2b: {  	s6 =	sld [smem:$0x3FAB]  }
0x2c: {  	s7 =	sld [smem:$0x3FAC]  }
0x2d: {  	s3 =	simm.s32 $0x108;
	s8 =	sld [smem:$0x3FAD]  }
0x2e: {  	s3 =	simm.s32 @!p0 $0x1082;
	s9 =	sld [smem:$0x3FAE]  }
0x2f: {  	lr =	sadd.s32 s0, s3;
	s0 =	sld [smem:$0x3FA5]  }
0x30: {  	s3 =	sld [smem:$0x3FA8]  }
0x31: {  	[smem:$0x3FB1] =	sst s10  }
0x32: {  	s10 =	sld [smem:$0x3FAF];
	_ =	sdelay $0x3  }
0x33: {  	p0 =	seq.s32 s10, $0x1;
	s10 =	sld [smem:$0x3FB1];
	_ =	sdelay $0x3  }
0x34: {  	[smem:$0x3FB1] =	sst s10  }
0x35: {  	s10 =	sld [smem:$0x3FB0];
	_ =	sdelay $0x3  }
0x36: {  	p1 =	seq.s32 s10, $0x1;
	s10 =	sld [smem:$0x3FB1];
	_ =	sdelay $0x3  }
0x37: {  	[smem:$0x3FB1] =	sst s10  }
0x38: {  	s10 =	sld [smem:$0x3FB2]  }
0x39: {  	_ = 	snop;
	(pc) =	sbr.ind lr, $3  }
0x3a: {  	_ = 	snop  }
0x3b: {  	_ = 	snop  }
0x3c: {  	p2 =	seq.s32 s10, $0x1;
	s10 =	sld [smem:$0x3FB1]  }
0x3d: {  	_ =	shalt  }
0x3e: {  	_ =	shalt  }
0x3f: {  	_ =	shalt  }
0x40: {  	_ =	shalt  }
0x41: {  	_ =	shalt  }
0x42: {  	_ =	shalt  }
0x43: {  	_ =	shalt  }
0x44: {  	_ =	shalt  }
0x45: {  	_ =	shalt  }
0x46: {  	_ =	shalt  }
0x47: {  	_ =	shalt  }
0x48: {  	_ =	shalt  }
0x49: {  	_ =	shalt  }
0x4a: {  	_ =	shalt  }
0x4b: {  	_ =	shalt  }
0x4c: {  	_ =	shalt  }
0x4d: {  	_ =	shalt  }
0x4e: {  	_ =	shalt  }
0x4f: {  	_ =	shalt  }
0x50: {  	_ =	shalt  }
0x51: {  	_ =	shalt  }
0x52: {  	_ =	shalt  }
0x53: {  	_ =	shalt  }
0x54: {  	_ =	shalt  }
0x55: {  	_ =	shalt  }
0x56: {  	_ =	shalt  }
0x57: {  	_ =	shalt  }
0x58: {  	_ =	shalt  }
0x59: {  	_ =	shalt  }
0x5a: {  	_ =	shalt  }
0x5b: {  	_ =	shalt  }
0x5c: {  	_ =	shalt  }
0x5d: {  	_ =	shalt  }
0x5e: {  	_ =	shalt  }
0x5f: {  	_ =	shalt  }
0x60: {  	_ =	shalt  }
0x61: {  	_ =	shalt  }
0x62: {  	_ =	shalt  }
0x63: {  	_ =	shalt  }
0x64: {  	_ =	shalt  }
0x65: {  	_ =	shalt  }
0x66: {  	_ =	shalt  }
0x67: {  	_ =	shalt  }
0x68: {  	_ =	shalt  }
0x69: {  	_ =	shalt  }
0x6a: {  	_ =	shalt  }
0x6b: {  	_ =	shalt  }
0x6c: {  	_ =	shalt  }
0x6d: {  	_ =	shalt  }
0x6e: {  	_ =	shalt  }
0x6f: {  	_ =	shalt  }
0x70: {  	_ =	shalt  }
0x71: {  	_ =	shalt  }
0x72: {  	_ =	shalt  }
0x73: {  	_ =	shalt  }
0x74: {  	_ =	shalt  }
0x75: {  	_ =	shalt  }
0x76: {  	_ =	shalt  }
0x77: {  	_ =	shalt  }
0x78: {  	_ =	shalt  }
0x79: {  	_ =	shalt  }
0x7a: {  	_ =	shalt  }
0x7b: {  	_ =	shalt  }
0x7c: {  	_ =	shalt  }
0x7d: {  	_ =	shalt  }
0x7e: {  	_ =	shalt  }
0x7f: {  	_ =	shalt  }
0x80: {  	_ =	shalt  }
0x81: {  	_ =	shalt  }
0x82: {  	_ =	shalt  }
0x83: {  	_ =	shalt  }
0x84: {  	_ =	shalt  }
0x85: {  	_ =	shalt  }
0x86: {  	_ =	shalt  }
0x87: {  	_ =	shalt  }
.Lfunc_end0:
.L_simem_size_0:
called_computation.2_lowered:
.L_overlay_start_0:
0x88: {  	s0 =	sld [smem:$0x3FD9]  }
0x89: {  	s1 =	sld [smem:$0x3FFE];
	_ =	sdelay $0x3  }
0x8a: {  	s0 =	sadd.s32 s1, s0  }
0x8b: {  	[smem:$0x3FBD] =	sst s0  }
0x8c: {  	_ = 	snop  }
0x8d: {  	s0 =	sld [smem:$0x3FD0];
	(tm) =	ssettm $0x1  }
0x8e: {  	s16 =	sld [smem:$0x3FFB];
	_ =	sdelay $0x3  }
0x8f: {  	_ =	strace s16  }
0x90: {  	s1 =	sld [smem:$0x3FFC];
	_ =	sdelay $0x3  }
0x91: {  	_ =	strace s1  }
0x92: {  	s1 =	sld [smem:$0x3FFD];
	_ =	sdelay $0x3  }
0x93: {  	_ =	strace s1  }
0x94: {  	_ =	strace $0x8FFFFFFF  }
0x95: {  	s17 =	sld [smem:$0x3FDB];
	_ =	sdelay $0x1  }
0x96: {  	s2 =	simm.s32 $_scs_section_size  }
0x97: {  	s3 =	simm.s32 $_size__tile_overlayer_lowered;
	s4 =	simm.s32 $_tile_overlayer_lowered  }
0x98: {  	s20 =	simm.s32 $0x1BFF;
	s19 =	sshll.u32 s4, $0x1;
	s1 =	sadd.s32 s2, s17  }
0x99: {  	s5 =	simm.s32 $0x0;
	s18 =	sshll.u32 s3, $0x1;
	s3 =	sadd.s32 s19, s1  }
0x9a: {  	[timem:s5], [sflag:s20] =	dma.local [hbm:s3], s18  }
0x9b: {  	_ =	swait.ge [sflag:s20], s18  }
0x9c: {  	s2 =	ssub.s32 $0x0, s18;
	[sflag:s20] =	ssyncset.done $0x0  }
0x9d: {  	[sflag:s20] =	ssyncadd.s32 s2;
	_ =	sdelay $0x1  }
0x9e: {  	s21 =	simm.s32 $0x1B8B  }
0x9f: {  	_ =	swait.ge [sflag:s21], $0x1  }
0xa0: {  	[sflag:s21] =	ssyncset.done $0x0  }
0xa1: {  	s23 =	simm.s32 $0x1B8E;
	s22 =	sld [smem:$0x3FFE];
	[sflag:s21] =	ssyncadd.s32 $0xFFFFFFFF  }
0xa2: {  	s24 =	simm.s32 $execute0_lowered;
	[smem:$0x3FD2] =	sst s23  }
0xa3: {  	s3 =	sshll.u32 s24, $0x1;
	_ =	strace $0x8000004C;
	[dreg:$0x1] =	wrdreg $0xFFFFFFFF  }
0xa4: {  	s25 =	simm.s32 $_size_execute0_lowered;
	s1 =	sadd.s32 s1, s3;
	[dreg:$0x0] =	wrdreg $0x0  }
0xa5: {  	s3 =	sshll.u32 s25, $0x1;
	[dreg:$0x2] =	wrdreg s1  }
0xa6: {  	[dreg:$0x3] =	wrdreg s3  }
0xa7: {  	[dreg:$0x4] =	wrdreg $0xC0  }
0xa8: {  	_ =	task [dreg:s5], $0x5FFFF  }
0xa9: {  	[dreg:$0x1] =	wrdreg $0xFFFFFFFF  }
0xaa: {  	[dreg:$0x0] =	wrdreg $0x60  }
0xab: {  	[dreg:$0x2] =	wrdreg s22  }
0xac: {  	[dreg:$0x3] =	wrdreg s0  }
0xad: {  	[dreg:$0x4] =	wrdreg $0xA2800  }
0xae: {  	[dreg:$0x5] =	wrdreg $0xA5000  }
0xaf: {  	[dreg:$0x6] =	wrdreg $0xA7800  }
0xb0: {  	[dreg:$0x7] =	wrdreg $0x9  }
0xb1: {  	_ =	task.clear_ibuf [dreg:s5], $0x8FFFF;
	_ =	strace $0x9000004C  }
0xb2: {  	s26 =	simm.s32 $0x9;
	_ =	strace $0x8000004E  }
0xb3: {  	_ =	swait.ge [sflag:s26], $0x1  }
0xb4: {  	[sflag:s26] =	ssyncadd.s32 $0xFFFFFFFF  }
0xb5: {  	_ =	strace $0x9000004E  }
0xb6: {  	_ =	sfence  }
0xb7: {  	s28 =	sld [smem:$0x0];
	_ =	sdelay $0x1  }
0xb8: {  	s29 =	srdreg.scid  }
0xb9: {  	s30 =	sshll.u32 s29, $0xD;
	s31 =	sshrl.u32 s29, $0x2  }
0xba: {  	s2 =	sand.u32 $0x4000, s30;
	s1 =	sand.u32 $0x1, s29;
	s0 =	sadd.s32 s31, s28  }
0xbb: {  	s1 =	sor.u32 s2, s1;
	s0 =	sshll.u32 s0, $0x11  }
0xbc: {  	s0 =	sor.u32 s0, s1  }
0xbd: {  	s0 =	sadd.s32 $0x8F2B, s0  }
0xbe: {  	[sflag:s0] =	ssyncadd.remote.s32 $0x1  }
0xbf: {  	_ =	sfence.sel $0xFFFF  }
0xc0: {  	[dreg:$0x0] =	wrdreg $0xFFFFFFFF;
	(pc) =	sbr.abs _section_cstart, $3  }
0xc1: {  	[dreg:$0x1] =	wrdreg $0xFFFFFFFF  }
0xc2: {  	_ =	task.clear_ibuf [dreg:s5], $0x2FFFF;
	_ =	strace $0x9FFFFFFF  }
0xc3: {  	(tm) =	ssettm $0x7FFFFFFF  }
tec
execute0_lowered:
.L_overlay_start_1:
0x0: {  	(tag) =	ssettag $0x1  }
0x1: {  	s4 =	rddreg [dreg:$0x0]  }
0x2: {  	s2 =	rddreg [dreg:$0x1]  }
0x3: {  	s7 =	rddreg [dreg:$0x2];
	s0 =	stileid.u32  }
0x4: {  	s8 =	rddreg [dreg:$0x3];
	s3 =	smul.u32 $0x500, s0  }
0x5: {  	s9 =	rddreg [dreg:$0x4];
	s10 =	simm.s32 $0x0  }
0x6: {  	[smem:$0x7FF] =	sst s10;
	s3 =	sadd.s32 s3, s4  }
0x7: {  	s1 =	rddreg [dreg:$0x5];
	_ =	strace $0x8000004D;
	s5 =	sadd.s32 $0x7C00, s3  }
0x8: {  	[tilespmem:s10], [sflag:$0x1] =	stream.linear.gather [hbm4b:s5+s10], $0x2800, $0x38;
	[tilespmem:$0xAA00] =	vst v63  }
0x9: {  	s15 =	simm.s32 $0x2800;
	s29 =	sadd.s32 $0xCC00, s3  }
0xa: {  	[tilespmem:s15], [sflag:$0x1] =	stream.linear.gather [hbm4b:s29+s10], $0x2800, $0x38;
	[tilespmem:$0xAA00] =	vst v63  }
0xb: {  	s17 =	simm.s32 $0x5000;
	s30 =	sadd.s32 $0x11C00, s3  }
0xc: {  	[tilespmem:s17], [sflag:$0x1] =	stream.linear.gather [hbm4b:s30+s10], $0x2800, $0x38;
	[tilespmem:$0xAA00] =	vst v63  }
0xd: {  	s16 =	simm.s32 $0x7800;
	s3 =	sadd.s32 $0x2C00, s3  }
0xe: {  	v0 =	vimm.f32 $0.0e+00;
	[tilespmem:s16], [sflag:$0x1] =	stream.linear.gather [hbm4b:s3+s10], $0x2800, $0x38;
	[tilespmem:$0xAA00] =	vst v63  }
0xf: {  	[tilespmem:$0xA000] =	vst v0  }
0x10: {  	[tilespmem:$0xA010] =	vst v0  }
0x11: {  	[tilespmem:$0xA020] =	vst v0  }
0x12: {  	[tilespmem:$0xA030] =	vst v0  }
0x13: {  	[tilespmem:$0xA040] =	vst v0  }
0x14: {  	[tilespmem:$0xA050] =	vst v0  }
0x15: {  	[tilespmem:$0xA060] =	vst v0  }
0x16: {  	[tilespmem:$0xA070] =	vst v0  }
0x17: {  	[tilespmem:$0xA080] =	vst v0  }
0x18: {  	[tilespmem:$0xA090] =	vst v0  }
0x19: {  	[tilespmem:$0xA0A0] =	vst v0  }
0x1a: {  	[tilespmem:$0xA0B0] =	vst v0  }
0x1b: {  	[tilespmem:$0xA0C0] =	vst v0  }
0x1c: {  	[tilespmem:$0xA0D0] =	vst v0  }
0x1d: {  	[tilespmem:$0xA0E0] =	vst v0  }
0x1e: {  	[tilespmem:$0xA0F0] =	vst v0  }
0x1f: {  	[tilespmem:$0xA100] =	vst v0  }
0x20: {  	[tilespmem:$0xA110] =	vst v0  }
0x21: {  	[tilespmem:$0xA120] =	vst v0  }
0x22: {  	[tilespmem:$0xA130] =	vst v0  }
0x23: {  	[tilespmem:$0xA140] =	vst v0  }
0x24: {  	[tilespmem:$0xA150] =	vst v0  }
0x25: {  	[tilespmem:$0xA160] =	vst v0  }
0x26: {  	[tilespmem:$0xA170] =	vst v0  }
0x27: {  	[tilespmem:$0xA180] =	vst v0  }
0x28: {  	[tilespmem:$0xA190] =	vst v0  }
0x29: {  	[tilespmem:$0xA1A0] =	vst v0  }
0x2a: {  	[tilespmem:$0xA1B0] =	vst v0  }
0x2b: {  	[tilespmem:$0xA1C0] =	vst v0  }
0x2c: {  	[tilespmem:$0xA1D0] =	vst v0  }
0x2d: {  	[tilespmem:$0xA1E0] =	vst v0  }
0x2e: {  	[tilespmem:$0xA1F0] =	vst v0  }
0x2f: {  	[tilespmem:$0xA200] =	vst v0  }
0x30: {  	[tilespmem:$0xA210] =	vst v0  }
0x31: {  	[tilespmem:$0xA220] =	vst v0  }
0x32: {  	[tilespmem:$0xA230] =	vst v0  }
0x33: {  	[tilespmem:$0xA240] =	vst v0  }
0x34: {  	s31 =	smul.u32 $0x280, s0;
	[tilespmem:$0xA250] =	vst v0  }
0x35: {  	[tilespmem:$0xA260] =	vst v0  }
0x36: {  	s11 =	simm.s32 $0xA000;
	s12 =	simm.s32 $0x3;
	s13 =	sadd.s32 s31, s7;
	[tilespmem:$0xA270] =	vst v0  }
0x37: {  	[spmem:s13] =	stream.linear.scatter [tilespmem:s11], [sflag:$0x3], $0x280, $0x38;
	[tilespmem:$0xAA00] =	vst v63  }
0x38: {  	_ =	swait.ge [sflag:s12], $0x280  }
0x39: {  	[sflag:s12] =	ssyncset.done $0x0  }
0x3a: {  	s6 =	sadd.s32 s31, s8;
	[sflag:s12] =	ssyncadd.s32 $0xFFFFFD80  }
0x3b: {  	[spmem:s6] =	stream.linear.scatter [tilespmem:s11], [sflag:$0x3], $0x280, $0x38;
	[tilespmem:$0xAA00] =	vst v63  }
0x3c: {  	_ =	swait.ge [sflag:s12], $0x280  }
0x3d: {  	[sflag:s12] =	ssyncset.done $0x0  }
0x3e: {  	s3 =	sadd.s32 s31, s9;
	[sflag:s12] =	ssyncadd.s32 $0xFFFFFD80  }
0x3f: {  	[spmem:s3] =	stream.linear.scatter [tilespmem:s11], [sflag:$0x3], $0x280, $0x38;
	[tilespmem:$0xAA00] =	vst v63  }
0x40: {  	_ =	swait.ge [sflag:s12], $0x280  }
0x41: {  	[sflag:s12] =	ssyncset.done $0x0  }
0x42: {  	[sflag:s12] =	ssyncadd.s32 $0xFFFFFD80  }
0x43: {  	s18 =	simm.s32 $0x1;
	[bflag:$0x0] =	sbarrier.arrive $0xFFFF  }
0x44: {  	_ =	swait.ge [sflag:s18], $0x2800  }
0x45: {  	[sflag:s18] =	ssyncset.done $0x0  }
0x46: {  	[sflag:s18] =	ssyncadd.s32 $0xFFFFD800  }
0x47: {  	_ =	swait.ge [sflag:s18], $0x2800  }
0x48: {  	s20 =	smul.u32 $0xFFFFFFB0, s0;
	[sflag:s18] =	ssyncset.done $0x0  }
0x49: {  	[sflag:s18] =	ssyncadd.s32 $0xFFFFD800  }
0x4a: {  	p0 =	slt.s32 s20, $0xFFFFFB6E;
	s5 =	sshrl.u32 s31, $0x3;
	_ =	swait.ge [sflag:s18], $0x2800  }
0x4b: {  	s20 =	simm.s32 @!p0 $0xFFFFFB6E;
	s19 =	sadd.s32 s5, s4;
	[sflag:s18] =	ssyncset.done $0x0  }
0x4c: {  	s4 =	sadd.s32 s2, s5;
	s14 =	sadd.s32 $0x542600, s19;
	[sflag:s18] =	ssyncadd.s32 $0xFFFFD800  }
0x4d: {  	s5 =	sadd.s32 $0x17200, s19;
	s2 =	sadd.s32 $0x17800, s19;
	_ =	swait.ge [sflag:s18], $0x2800  }
0x4e: {  	s11 =	sadd.s32 $0x542000, s19;
	s12 =	sadd.s32 $0x16C00, s19;
	[sflag:s18] =	ssyncset.done $0x0  }
0x4f: {  	s19 =	simm.s32 $0x80;
	[sflag:s18] =	ssyncadd.s32 $0xFFFFD800;
	s18 =	sadd.s32 $0x4E2, s20  }
0x50: {  	[spmem:s7] =	stream.indirect.scatter.add.f32 [tilespmem:s15], [sflag:$0x2], $0x1, s10, s19, $0xb8;
	[tilespmem:$0xAA00] =	vst v63  }
0x51: {  	p1 =	seq.s32 s18, $0x1  }
.Ltmp0:
0x52: {  	p0 =	por $0x1, $0x1;
	(pc) =	sbr.rel @p1 .LBB2_2-.Ltmp0, $4  }
0x53: {  	[spmem:s8] =	stream.indirect.scatter.add.f32 [tilespmem:s17], [sflag:$0x2], $0x1, s10, s19, $0xb8;
	[tilespmem:$0xAA00] =	vst v63  }
0x54: {  	s21 =	simm.s32 @!p0 $0x2;
	s20 =	simm.s32 $0x5080;
	s15 =	simm.s32 $0x1  }
0x55: {  	[spmem:s9] =	stream.indirect.scatter.add.f32 [tilespmem:s16], [sflag:$0x2], $0x1, s10, s19, $0xb8;
	[tilespmem:$0xAA00] =	vst v63  }
0x56: {  	s17 =	simm.s32 $0x2880;
	s16 =	simm.s32 $0x7880;
	_ =	swait.ge @!p0 [sflag:s21], $0x180  }
.LBB2_1:
0x57: {  	[sflag:s21] =	ssyncset.done @!p0 $0x0  }
0x58: {  	s10 =	sadd.s32 $0x80, s10;
	s22 =	smov.u32 s15;
	s15 =	sadd.s32 $0x1, s15  }
0x59: {  	p1 =	seq.s32 s18, s15;
	[sflag:s21] =	ssyncadd.s32 @!p0 $0xFFFFFE80  }
0x5a: {  	[spmem:s7] =	stream.indirect.scatter.add.f32 [tilespmem:s17], [sflag:$0x2], $0x1, s10, s19, $0xb8;
	[tilespmem:$0xAA00] =	vst v63  }
0x5b: {  	_ = 	snop  }
0x5c: {  	[spmem:s8] =	stream.indirect.scatter.add.f32 [tilespmem:s20], [sflag:$0x2], $0x1, s10, s19, $0xb8;
	[tilespmem:$0xAA00] =	vst v63  }
.Ltmp1:
0x5d: {  	_ = 	snop;
	(pc) =	sbr.rel @!p1 .LBB2_1-.Ltmp1, $4  }
0x5e: {  	p0 =	slt.u32 s22, $0x8  }
0x5f: {  	[spmem:s9] =	stream.indirect.scatter.add.f32 [tilespmem:s16], [sflag:$0x2], $0x1, s10, s19, $0xb8;
	[tilespmem:$0xAA00] =	vst v63  }
0x60: {  	s21 =	simm.s32 @!p0 $0x2;
	s16 =	sadd.s32 $0x80, s16  }
0x61: {  	s17 =	sadd.s32 $0x80, s17;
	s20 =	sadd.s32 $0x80, s20;
	_ =	swait.ge @!p0 [sflag:s21], $0x180  }
.LBB2_2:
0x62: {  	[sflag:s21] =	ssyncset.done @!p0 $0x0  }
0x63: {  	s7 =	simm.s32 $0x2;
	[sflag:s21] =	ssyncadd.s32 @!p0 $0xFFFFFE80  }
0x64: {  	_ =	swait.ge [sflag:s7], $0x180  }
0x65: {  	[sflag:s7] =	ssyncset.done $0x0  }
0x66: {  	[sflag:s7] =	ssyncadd.s32 $0xFFFFFE80  }
0x67: {  	_ =	swait.ge [sflag:s7], $0x180  }
0x68: {  	[sflag:s7] =	ssyncset.done $0x0  }
0x69: {  	[sflag:s7] =	ssyncadd.s32 $0xFFFFFE80  }
0x6a: {  	_ =	swait.ge [sflag:s7], $0x180  }
0x6b: {  	[sflag:s7] =	ssyncset.done $0x0  }
0x6c: {  	[sflag:s7] =	ssyncadd.s32 $0xFFFFFE80  }
0x6d: {  	_ =	swait.ge [sflag:s7], $0x180  }
0x6e: {  	[sflag:s7] =	ssyncset.done $0x0  }
0x6f: {  	[sflag:s7] =	ssyncadd.s32 $0xFFFFFE80  }
0x70: {  	_ =	swait.ge [sflag:s7], $0x180  }
0x71: {  	[sflag:s7] =	ssyncset.done $0x0  }
0x72: {  	[sflag:s7] =	ssyncadd.s32 $0xFFFFFE80  }
0x73: {  	_ =	swait.ge [sflag:s7], $0x180  }
0x74: {  	[sflag:s7] =	ssyncset.done $0x0  }
0x75: {  	[sflag:s7] =	ssyncadd.s32 $0xFFFFFE80  }
0x76: {  	_ =	swait.ge [sflag:s7], $0x180  }
0x77: {  	[sflag:s7] =	ssyncset.done $0x0  }
0x78: {  	[sflag:s7] =	ssyncadd.s32 $0xFFFFFE80  }
0x79: {  	_ =	swait.ge [sflag:s7], $0x180  }
0x7a: {  	[sflag:s7] =	ssyncset.done $0x0  }
0x7b: {  	[sflag:s7] =	ssyncadd.s32 $0xFFFFFE80  }
0x7c: {  	s30 =	simm.s32 $0x2800;
	s31 =	simm.s32 $0x3;
	[bflag:$0x0] =	sbarrier.arrive $0xFFFF  }
0x7d: {  	[tilespmem:s30], [sflag:$0x3] =	stream.linear.gather [spmem:s13], $0x280, $0x38;
	[tilespmem:$0xAA00] =	vst v63  }
0x7e: {  	_ =	swait.ge [sflag:s31], $0x280  }
0x7f: {  	[sflag:s31] =	ssyncset.done $0x0  }
0x80: {  	s8 =	simm.s32 $0x0;
	s9 =	simm.s32 $0xA000;
	[sflag:s31] =	ssyncadd.s32 $0xFFFFFD80  }
0x81: {  	[tilespmem:s9], [sflag:$0x3] =	stream.linear.gather [hbm4b:s14+s8], $0x280, $0x38;
	[tilespmem:$0xAA00] =	vst v63  }
0x82: {  	_ =	swait.ge [sflag:s31], $0x280  }
0x83: {  	[sflag:s31] =	ssyncset.done $0x0  }
0x84: {  	s7 =	simm.s32 $0x0;
	s8 =	simm.s32 $0x40;
	[sflag:s31] =	ssyncadd.s32 $0xFFFFFD80  }
.LBB2_3:
0x85: {  	p0 =	sne.s32 s8, $0x9C0;
	v0 =	vld [tilespmem:s7+$0x2800];
	_ =	sdelay $0x1  }
0x86: {  	v1 =	vld [tilespmem:s7+$0xA000];
	_ =	sdelay $0x2  }
.Ltmp2:
0x87: {  	v0 =	vmul.f32 $9.999999770e-03, v0;
	(pc) =	sbr.rel @p0 .LBB2_3-.Ltmp2, $3  }
0x88: {  	_ = 	snop  }
0x89: {  	v0 =	vadd.f32 v0, v1;
	_ =	sdelay $0x1  }
0x8a: {  	[tilespmem:s7+$0x2800] =	vst v0;
	s7 =	sshra.s32 s8, $0x2;
	s8 =	sadd.s32 $0x40, s8  }
0x8b: {  	v0 =	vld [tilespmem:s7+$0x2800];
	_ =	sdelay $0x1  }
0x8c: {  	v1 =	vld [tilespmem:s7+$0xA000];
	_ =	sdelay $0x2  }
0x8d: {  	v0 =	vmul.f32 $9.999999770e-03, v0;
	_ =	sdelay $0x1  }
0x8e: {  	v0 =	vadd.f32 v0, v1;
	_ =	sdelay $0x1  }
0x8f: {  	s29 =	simm.s32 $0x0;
	s8 =	simm.s32 $0x2800;
	s30 =	simm.s32 $0x3;
	[tilespmem:s7+$0x2800] =	vst v0  }
0x90: {  	[hbm4b:s12+s29] =	stream.linear.scatter [tilespmem:s8], [sflag:$0x3], $0x280, $0x38;
	[tilespmem:$0xAA00] =	vst v63  }
0x91: {  	_ =	swait.ge [sflag:s30], $0x280  }
0x92: {  	[sflag:s30] =	ssyncset.done $0x0  }
0x93: {  	s9 =	simm.s32 $0x5000;
	[sflag:s30] =	ssyncadd.s32 $0xFFFFFD80  }
0x94: {  	[tilespmem:s9], [sflag:$0x3] =	stream.linear.gather [spmem:s6], $0x280, $0x38;
	[tilespmem:$0xAA00] =	vst v63  }
0x95: {  	_ =	swait.ge [sflag:s30], $0x280  }
0x96: {  	[sflag:s30] =	ssyncset.done $0x0  }
0x97: {  	s31 =	simm.s32 $0xA000;
	[sflag:s30] =	ssyncadd.s32 $0xFFFFFD80  }
0x98: {  	[tilespmem:s31], [sflag:$0x3] =	stream.linear.gather [hbm4b:s11+s29], $0x280, $0x38;
	[tilespmem:$0xAA00] =	vst v63  }
0x99: {  	_ =	swait.ge [sflag:s30], $0x280  }
0x9a: {  	[sflag:s30] =	ssyncset.done $0x0  }
0x9b: {  	s7 =	simm.s32 $0x40;
	s6 =	simm.s32 $0x0;
	[sflag:s30] =	ssyncadd.s32 $0xFFFFFD80  }
.LBB2_5:
0x9c: {  	p0 =	sne.s32 s7, $0x9C0;
	v0 =	vld [tilespmem:s6+$0x5000];
	_ =	sdelay $0x1  }
0x9d: {  	v1 =	vld [tilespmem:s6+$0xA000];
	_ =	sdelay $0x2  }
.Ltmp3:
0x9e: {  	v0 =	vmul.f32 $9.999999770e-03, v0;
	(pc) =	sbr.rel @p0 .LBB2_5-.Ltmp3, $3  }
0x9f: {  	_ = 	snop  }
0xa0: {  	v0 =	vadd.f32 v0, v1;
	_ =	sdelay $0x1  }
0xa1: {  	[tilespmem:s6+$0x5000] =	vst v0;
	s6 =	sshra.s32 s7, $0x2;
	s7 =	sadd.s32 $0x40, s7  }
0xa2: {  	v0 =	vld [tilespmem:s6+$0x5000];
	_ =	sdelay $0x1  }
0xa3: {  	v1 =	vld [tilespmem:s6+$0xA000];
	_ =	sdelay $0x2  }
0xa4: {  	v0 =	vmul.f32 $9.999999770e-03, v0;
	_ =	sdelay $0x1  }
0xa5: {  	v0 =	vadd.f32 v0, v1;
	_ =	sdelay $0x1  }
0xa6: {  	s28 =	simm.s32 $0x0;
	s7 =	simm.s32 $0x5000;
	s29 =	simm.s32 $0x3;
	[tilespmem:s6+$0x5000] =	vst v0  }
0xa7: {  	[hbm4b:s5+s28] =	stream.linear.scatter [tilespmem:s7], [sflag:$0x3], $0x280, $0x38;
	[tilespmem:$0xAA00] =	vst v63  }
0xa8: {  	_ =	swait.ge [sflag:s29], $0x280  }
0xa9: {  	[sflag:s29] =	ssyncset.done $0x0  }
0xaa: {  	s30 =	simm.s32 $0x7800;
	[sflag:s29] =	ssyncadd.s32 $0xFFFFFD80  }
0xab: {  	[tilespmem:s30], [sflag:$0x3] =	stream.linear.gather [spmem:s3], $0x280, $0x38;
	[tilespmem:$0xAA00] =	vst v63  }
0xac: {  	_ =	swait.ge [sflag:s29], $0x280  }
0xad: {  	[sflag:s29] =	ssyncset.done $0x0  }
0xae: {  	s31 =	simm.s32 $0xA000;
	[sflag:s29] =	ssyncadd.s32 $0xFFFFFD80  }
0xaf: {  	[tilespmem:s31], [sflag:$0x3] =	stream.linear.gather [hbm4b:s4+s28], $0x280, $0x38;
	[tilespmem:$0xAA00] =	vst v63  }
0xb0: {  	_ =	swait.ge [sflag:s29], $0x280  }
0xb1: {  	[sflag:s29] =	ssyncset.done $0x0  }
0xb2: {  	s3 =	simm.s32 $0x0;
	s4 =	simm.s32 $0x40;
	[sflag:s29] =	ssyncadd.s32 $0xFFFFFD80  }
.LBB2_7:
0xb3: {  	p0 =	sne.s32 s4, $0x9C0;
	v0 =	vld [tilespmem:s3+$0x7800];
	_ =	sdelay $0x1  }
0xb4: {  	v1 =	vld [tilespmem:s3+$0xA000];
	_ =	sdelay $0x2  }
.Ltmp4:
0xb5: {  	v0 =	vmul.f32 $9.999999770e-03, v0;
	(pc) =	sbr.rel @p0 .LBB2_7-.Ltmp4, $3  }
0xb6: {  	_ = 	snop  }
0xb7: {  	v0 =	vadd.f32 v0, v1;
	_ =	sdelay $0x1  }
0xb8: {  	[tilespmem:s3+$0x7800] =	vst v0;
	s3 =	sshra.s32 s4, $0x2;
	s4 =	sadd.s32 $0x40, s4  }
0xb9: {  	v0 =	vld [tilespmem:s3+$0x7800];
	_ =	sdelay $0x1  }
0xba: {  	v1 =	vld [tilespmem:s3+$0xA000];
	_ =	sdelay $0x2  }
0xbb: {  	v0 =	vmul.f32 $9.999999770e-03, v0;
	_ =	sdelay $0x1  }
0xbc: {  	v0 =	vadd.f32 v0, v1;
	_ =	sdelay $0x1  }
0xbd: {  	s30 =	simm.s32 $0x0;
	s4 =	simm.s32 $0x7800;
	s31 =	simm.s32 $0x3;
	[tilespmem:s3+$0x7800] =	vst v0  }
0xbe: {  	[hbm4b:s2+s30] =	stream.linear.scatter [tilespmem:s4], [sflag:$0x3], $0x280, $0x38;
	[tilespmem:$0xAA00] =	vst v63  }
0xbf: {  	_ =	swait.ge [sflag:s31], $0x280  }
0xc0: {  	[sflag:s31] =	ssyncset.done $0x0  }
0xc1: {  	[sflag:s31] =	ssyncadd.s32 $0xFFFFFD80  }
0xc2: {  	_ =	sfence.sel $0x180000  }
0xc3: {  	[bflag:$0x0] =	sbarrier.arrive $0xFFFF  }
0xc4: {  	p0 =	sne.s32 s0, $0x0;
	_ =	strace $0x9000004D  }
0xc5: {  	s0 =	sadd.s32 @!p0 $0x100000, s1;
	[bflag:$0x2] =	sbarrier.arrive $0xFFFF  }
0xc6: {  	[sflag:s0] =	ssyncadd.tile.s32 @!p0 $0x1;
	_ =	shalt  }
.Lfunc_end2:
_tile_overlayer_lowered:
.L_overlay_start_2:
0xc7: {  	(tag) =	ssettag $0x2  }
0xc8: {  	s0 =	rddreg [dreg:$0x0];
	s2 =	stileid.u32  }
0xc9: {  	s1 =	rddreg [dreg:$0x1];
	p0 =	sne.s32 s2, $0x0  }
0xca: {  	s3 =	rddreg [dreg:$0x2];
	[bflag:$0x3] =	sbarrier.arrive $0xFFFF;
	s2 =	simm.s32 @!p0 $0x1C03  }
0xcb: {  	[timem:s3], [sflag:s2] =	dma.local @!p0 [hbm:s0], s1  }
0xcc: {  	s0 =	simm.s32 @!p0 $0x3  }
0xcd: {  	_ =	swait.ge @!p0 [sflag:s0], s1  }
0xce: {  	s1 =	ssub.s32 @!p0 $0x0, s1;
	[sflag:s0] =	ssyncset.done @!p0 $0x0  }
0xcf: {  	[sflag:s0] =	ssyncadd.s32 @!p0 s1  }
0xd0: {  	[bflag:$0x3] =	sbarrier.arrive $0xFFFF  }
0xd1: {  	_ =	shalt  }

// kernel: kernel.8.cloned.1.call-start
scs
__scs_entry_jumppad:
0x0: {  	(pc) =	sbr.rel $0x88, $3  }
0x1: {  	(tag) =	ssettag $0x0;
	lr =	simm.s32 $0x1  }
0x2: {  	[smem:$0x3F96] =	sst lr;
	_ =	strace $0xD0000000  }
0x3: {  	_ = 	snop  }
0x4: {  	_ = 	snop  }
0x5: {  	_ = 	snop  }
0x6: {  	_ = 	snop  }
0x7: {  	_ = 	snop  }
__scs_overlays_trampoline_lowered:
0x8: {  	[smem:$0x3FA5] =	sst s0  }
0x9: {  	[smem:$0x3FA6] =	sst s1  }
0xa: {  	[smem:$0x3FA7] =	sst s2  }
0xb: {  	[smem:$0x3FA8] =	sst s3  }
0xc: {  	[smem:$0x3FA9] =	sst s4  }
0xd: {  	[smem:$0x3FAA] =	sst s5  }
0xe: {  	[smem:$0x3FAB] =	sst s6  }
0xf: {  	[smem:$0x3FAC] =	sst s7  }
0x10: {  	[smem:$0x3FAD] =	sst s8  }
0x11: {  	[smem:$0x3FAE] =	sst s9;
	s0 =	simm.s32 @!p0 $0x0  }
0x12: {  	s1 =	sld [smem:$0x3F94];
	s0 =	simm.s32 @p0 $0x1  }
0x13: {  	[smem:$0x3FAF] =	sst s0;
	s0 =	simm.s32 @!p1 $0x0  }
0x14: {  	s2 =	sld [smem:$0x3F93];
	s0 =	simm.s32 @p1 $0x1  }
0x15: {  	[smem:$0x3FB0] =	sst s0;
	s0 =	simm.s32 @!p2 $0x0  }
0x16: {  	s3 =	sld [smem:$0x3FDB];
	s0 =	simm.s32 @p2 $0x1  }
0x17: {  	s4 =	simm.s32 $0x1BF5;
	[smem:$0x3FB2] =	sst s0  }
0x18: {  	s0 =	sld [smem:$0x3F95];
	_ =	swait.ge [sflag:s4], $0x0  }
0x19: {  	s7 =	sld [smem:$0x3F96]  }
0x1a: {  	s8 =	sadd.s32 $0xFFFFE003, lr  }
0x1b: {  	s9 =	sadd.s32 $0xFFFFFEF7, lr;
	s5 =	simm.s32 $0xFFFFFFFF;
	p2 =	slt.u32 s8, $0xFFFFF086  }
0x1c: {  	p1 =	slt.u32 s9, $0xF7A;
	s5 =	simm.s32 @!p2 $0x0  }
0x1d: {  	s5 =	simm.s32 @p1 $0x1;
	p0 =	seq.s32 s7, s2  }
0x1e: {  	s7 =	smul.u32 @!p0 $0xF7A, s2;
	p2 =	seq.s32 @!p0 s5, $0x0  }
0x1f: {  	s9 =	smul.u32 $0xF7A, s1;
	s8 =	simm.s32 @!p0 $0x1BF5;
	p2 =	por !p2, p0  }
0x20: {  	[sflag:s8] =	ssyncset.s32 @!p0 $0xFFFFF086;
	s6 =	sadd.s32 @!p0 s3, s7;
	s7 =	simm.s32 @!p0 $0x108  }
0x21: {  	s3 =	sadd.s32 s3, s9;
	s6 =	sadd.s32 @!p0 $0x88, s6;
	s7 =	simm.s32 @p2 $0x1082  }
0x22: {  	[simem:s7], [sflag:s8] =	dma.local @!p0 [hbm:s6], $0xF7A  }
0x23: {  	s9 =	sor.u32 $0xD0000000, s2;
	s6 =	simm.s32 $0x108;
	_ =	swait.ge @!p0 [sflag:s8], $0x0  }
0x24: {  	s3 =	sadd.s32 $0x88, s3;
	s6 =	simm.s32 @!p1 $0x1082;
	[sflag:s4] =	ssyncset.s32 $0xFFFFF086  }
0x25: {  	[simem:s6], [sflag:s4] =	dma.local [hbm:s3], $0xF7A  }
0x26: {  	[smem:$0x3F96] =	sst s1;
	(tag) =	ssettag s2;
	_ =	strace s9  }
0x27: {  	s1 =	sld [smem:$0x3FA6]  }
0x28: {  	s2 =	sld [smem:$0x3FA7]  }
0x29: {  	s4 =	sld [smem:$0x3FA9]  }
0x2a: {  	p0 =	seq.s32 s5, $0x0;
	s5 =	sld [smem:$0x3FAA]  }
0x2b: {  	s6 =	sld [smem:$0x3FAB]  }
0x2c: {  	s7 =	sld [smem:$0x3FAC]  }
0x2d: {  	s3 =	simm.s32 $0x108;
	s8 =	sld [smem:$0x3FAD]  }
0x2e: {  	s3 =	simm.s32 @!p0 $0x1082;
	s9 =	sld [smem:$0x3FAE]  }
0x2f: {  	lr =	sadd.s32 s0, s3;
	s0 =	sld [smem:$0x3FA5]  }
0x30: {  	s3 =	sld [smem:$0x3FA8]  }
0x31: {  	[smem:$0x3FB1] =	sst s10  }
0x32: {  	s10 =	sld [smem:$0x3FAF];
	_ =	sdelay $0x3  }
0x33: {  	p0 =	seq.s32 s10, $0x1;
	s10 =	sld [smem:$0x3FB1];
	_ =	sdelay $0x3  }
0x34: {  	[smem:$0x3FB1] =	sst s10  }
0x35: {  	s10 =	sld [smem:$0x3FB0];
	_ =	sdelay $0x3  }
0x36: {  	p1 =	seq.s32 s10, $0x1;
	s10 =	sld [smem:$0x3FB1];
	_ =	sdelay $0x3  }
0x37: {  	[smem:$0x3FB1] =	sst s10  }
0x38: {  	s10 =	sld [smem:$0x3FB2]  }
0x39: {  	_ = 	snop;
	(pc) =	sbr.ind lr, $3  }
0x3a: {  	_ = 	snop  }
0x3b: {  	_ = 	snop  }
0x3c: {  	p2 =	seq.s32 s10, $0x1;
	s10 =	sld [smem:$0x3FB1]  }
0x3d: {  	_ =	shalt  }
0x3e: {  	_ =	shalt  }
0x3f: {  	_ =	shalt  }
0x40: {  	_ =	shalt  }
0x41: {  	_ =	shalt  }
0x42: {  	_ =	shalt  }
0x43: {  	_ =	shalt  }
0x44: {  	_ =	shalt  }
0x45: {  	_ =	shalt  }
0x46: {  	_ =	shalt  }
0x47: {  	_ =	shalt  }
0x48: {  	_ =	shalt  }
0x49: {  	_ =	shalt  }
0x4a: {  	_ =	shalt  }
0x4b: {  	_ =	shalt  }
0x4c: {  	_ =	shalt  }
0x4d: {  	_ =	shalt  }
0x4e: {  	_ =	shalt  }
0x4f: {  	_ =	shalt  }
0x50: {  	_ =	shalt  }
0x51: {  	_ =	shalt  }
0x52: {  	_ =	shalt  }
0x53: {  	_ =	shalt  }
0x54: {  	_ =	shalt  }
0x55: {  	_ =	shalt  }
0x56: {  	_ =	shalt  }
0x57: {  	_ =	shalt  }
0x58: {  	_ =	shalt  }
0x59: {  	_ =	shalt  }
0x5a: {  	_ =	shalt  }
0x5b: {  	_ =	shalt  }
0x5c: {  	_ =	shalt  }
0x5d: {  	_ =	shalt  }
0x5e: {  	_ =	shalt  }
0x5f: {  	_ =	shalt  }
0x60: {  	_ =	shalt  }
0x61: {  	_ =	shalt  }
0x62: {  	_ =	shalt  }
0x63: {  	_ =	shalt  }
0x64: {  	_ =	shalt  }
0x65: {  	_ =	shalt  }
0x66: {  	_ =	shalt  }
0x67: {  	_ =	shalt  }
0x68: {  	_ =	shalt  }
0x69: {  	_ =	shalt  }
0x6a: {  	_ =	shalt  }
0x6b: {  	_ =	shalt  }
0x6c: {  	_ =	shalt  }
0x6d: {  	_ =	shalt  }
0x6e: {  	_ =	shalt  }
0x6f: {  	_ =	shalt  }
0x70: {  	_ =	shalt  }
0x71: {  	_ =	shalt  }
0x72: {  	_ =	shalt  }
0x73: {  	_ =	shalt  }
0x74: {  	_ =	shalt  }
0x75: {  	_ =	shalt  }
0x76: {  	_ =	shalt  }
0x77: {  	_ =	shalt  }
0x78: {  	_ =	shalt  }
0x79: {  	_ =	shalt  }
0x7a: {  	_ =	shalt  }
0x7b: {  	_ =	shalt  }
0x7c: {  	_ =	shalt  }
0x7d: {  	_ =	shalt  }
0x7e: {  	_ =	shalt  }
0x7f: {  	_ =	shalt  }
0x80: {  	_ =	shalt  }
0x81: {  	_ =	shalt  }
0x82: {  	_ =	shalt  }
0x83: {  	_ =	shalt  }
0x84: {  	_ =	shalt  }
0x85: {  	_ =	shalt  }
0x86: {  	_ =	shalt  }
0x87: {  	_ =	shalt  }
.Lfunc_end0:
.L_simem_size_0:
called_computation_lowered:
.L_overlay_start_0:
0x88: {  	s2 =	sld [smem:$0x3FD9]  }
0x89: {  	s3 =	sld [smem:$0x3FFE];
	_ =	sdelay $0x1  }
0x8a: {  	s1 =	srdreg.scid  }
0x8b: {  	s0 =	sand.u32 $0x1, s1  }
0x8c: {  	s16 =	sshll.u32 s0, $0xA;
	s2 =	sadd.s32 s3, s2  }
0x8d: {  	s2 =	sadd.s32 s2, s16  }
0x8e: {  	[smem:$0x3FBD] =	sst s2  }
0x8f: {  	_ = 	snop  }
0x90: {  	(tm) =	ssettm $0x1  }
0x91: {  	s17 =	sld [smem:$0x3FFB];
	_ =	sdelay $0x3  }
0x92: {  	_ =	strace s17  }
0x93: {  	s2 =	sld [smem:$0x3FFC];
	_ =	sdelay $0x3  }
0x94: {  	_ =	strace s2  }
0x95: {  	s2 =	sld [smem:$0x3FFD];
	_ =	sdelay $0x3  }
0x96: {  	_ =	strace s2  }
0x97: {  	_ =	strace $0x8FFFFFFF  }
0x98: {  	s18 =	sld [smem:$0x3FDB];
	_ =	sdelay $0x1  }
0x99: {  	s19 =	simm.s32 $_scs_section_size  }
0x9a: {  	s4 =	simm.s32 $_size__tile_overlayer_lowered;
	s5 =	simm.s32 $_tile_overlayer_lowered  }
0x9b: {  	s22 =	simm.s32 $0x1BFF;
	s21 =	sshll.u32 s5, $0x1;
	s2 =	sadd.s32 s19, s18  }
0x9c: {  	s6 =	simm.s32 $0x0;
	s20 =	sshll.u32 s4, $0x1;
	s4 =	sadd.s32 s21, s2  }
0x9d: {  	[timem:s6], [sflag:s22] =	dma.local [hbm:s4], s20  }
0x9e: {  	_ =	swait.ge [sflag:s22], s20  }
0x9f: {  	s3 =	ssub.s32 $0x0, s20;
	[sflag:s22] =	ssyncset.done $0x0  }
0xa0: {  	[sflag:s22] =	ssyncadd.s32 s3;
	_ =	sdelay $0x1  }
0xa1: {  	s23 =	simm.s32 $0x1B8B  }
0xa2: {  	_ =	swait.ge [sflag:s23], $0x1  }
0xa3: {  	[sflag:s23] =	ssyncset.done $0x0  }
0xa4: {  	s25 =	simm.s32 $0x1B8E;
	s24 =	sld [smem:$0x3FFE];
	[sflag:s23] =	ssyncadd.s32 $0xFFFFFFFF  }
0xa5: {  	s26 =	simm.s32 $execute0_lowered;
	[smem:$0x3FD2] =	sst s25  }
0xa6: {  	s4 =	sshll.u32 s26, $0x1;
	_ =	strace $0x80000046;
	[dreg:$0x1] =	wrdreg $0xFFFFFFFF  }
0xa7: {  	s28 =	simm.s32 $_size_execute0_lowered;
	s2 =	sadd.s32 s2, s4;
	[dreg:$0x0] =	wrdreg $0x0  }
0xa8: {  	s4 =	sshll.u32 s28, $0x1;
	[dreg:$0x2] =	wrdreg s2  }
0xa9: {  	[dreg:$0x3] =	wrdreg s4  }
0xaa: {  	[dreg:$0x4] =	wrdreg $0xC0  }
0xab: {  	_ =	task [dreg:s6], $0x5FFFF  }
0xac: {  	[dreg:$0x1] =	wrdreg $0xFFFFFFFF  }
0xad: {  	[dreg:$0x0] =	wrdreg $0x60  }
0xae: {  	[dreg:$0x2] =	wrdreg s24  }
0xaf: {  	[dreg:$0x3] =	wrdreg $0x9  }
0xb0: {  	_ =	task.clear_ibuf [dreg:s6], $0x4FFFF;
	_ =	strace $0x90000046  }
0xb1: {  	s29 =	simm.s32 $0x9;
	_ =	strace $0x80000048  }
0xb2: {  	_ =	swait.ge [sflag:s29], $0x1  }
0xb3: {  	[sflag:s29] =	ssyncadd.s32 $0xFFFFFFFF  }
0xb4: {  	_ =	strace $0x90000048  }
0xb5: {  	_ =	sfence  }
0xb6: {  	s30 =	sld [smem:$0x0];
	_ =	sdelay $0x2  }
0xb7: {  	s31 =	sshll.u32 s1, $0xD;
	s1 =	sshrl.u32 s1, $0x2  }
0xb8: {  	s3 =	sand.u32 $0x4000, s31;
	s1 =	sadd.s32 s1, s30  }
0xb9: {  	s0 =	sor.u32 s3, s0;
	s1 =	sshll.u32 s1, $0x11  }
0xba: {  	s0 =	sor.u32 s1, s0  }
0xbb: {  	s0 =	sadd.s32 $0x8F2B, s0  }
0xbc: {  	[sflag:s0] =	ssyncadd.remote.s32 $0x1  }
0xbd: {  	_ =	sfence.sel $0xFFFF  }
0xbe: {  	[dreg:$0x0] =	wrdreg $0xFFFFFFFF;
	(pc) =	sbr.abs _section_cstart, $3  }
0xbf: {  	[dreg:$0x1] =	wrdreg $0xFFFFFFFF  }
0xc0: {  	_ =	task.clear_ibuf [dreg:s6], $0x2FFFF;
	_ =	strace $0x9FFFFFFF  }
0xc1: {  	(tm) =	ssettm $0x7FFFFFFF  }
tec
execute0_lowered:
.L_overlay_start_1:
0x0: {  	(tag) =	ssettag $0x1  }
0x1: {  	s1 =	srdreg.scid  }
0x2: {  	s0 =	stileid.u32;
	s6 =	rddreg [dreg:$0x0]  }
0x3: {  	s2 =	simm.s32 $0x0;
	s15 =	simm.s32 $0x1000;
	s16 =	simm.s32 $0x9000  }
0x4: {  	s18 =	simm.s32 $0x5000;
	s17 =	simm.s32 $0x2;
	s19 =	simm.s32 $0xD000  }
0x5: {  	s12 =	sand.u32 $0x1, s1;
	s3 =	sshll.u32 s0, $0x1;
	s1 =	rddreg [dreg:$0x1]  }
0x6: {  	[smem:$0x7FF] =	sst s2;
	s4 =	sadd.s32 $0x38E00, s6;
	s5 =	sadd.s32 $0x60000, s6  }
0x7: {  	s10 =	sshll.u32 s0, $0x5;
	s31 =	sshll.u32 s0, $0x10;
	s7 =	sor.u32 s12, s3  }
0x8: {  	_ =	strace $0x80000047;
	s8 =	sshll.u32 s12, $0x4;
	s11 =	ssub.s32 $0x2, s12  }
0x9: {  	s12 =	sshll.u32 s12, $0xF;
	[dreg:$0x2] =	wrdreg s18;
	s18 =	simm.s32 $0x3  }
0xa: {  	[dreg:$0x3] =	wrdreg s19;
	s19 =	simm.s32 $0x0;
	s3 =	sshll.u32 s7, $0x8  }
0xb: {  	s7 =	sshll.u32 s7, $0x4;
	s13 =	sor.u32 s10, s8;
	s29 =	sshrl.u32 s11, $0x1  }
0xc: {  	s12 =	sor.u32 s12, s31;
	s9 =	sadd.s32 s3, s6;
	s3 =	sadd.s32 $0x11C00, s6  }
0xd: {  	s6 =	sadd.s32 $0x15A000, s6;
	s7 =	sxor.u32 $0x1F4, s7;
	s10 =	sxor.u32 $0x1F4, s13  }
0xe: {  	s11 =	ssub.s32 s11, s29;
	s30 =	sshll.u32 s13, $0xB;
	s13 =	simm.s32 $0x800  }
0xf: {  	s7 =	smin.u32 s7, $0x10;
	s10 =	smin.u32 s10, $0x10;
	s8 =	sadd.s32 $0x2C00, s9  }
0x10: {  	s9 =	sadd.s32 $0xCC00, s9;
	s14 =	sshll.u32 s10, $0x9;
	s10 =	smax.u32 s11, $0x1  }
0x11: {  	s11 =	sor.u32 $0x800, s30;
	[dreg:$0x4] =	wrdreg s14;
	s14 =	simm.s32 $0x80  }
.LBB2_1:
0x12: {  	[tilespmem:s2], [sflag:$0x1] =	stream.linear.gather [hbm4b:s8+s2], $0x800, $0x38;
	[tilespmem:$0x11000] =	vst v63  }
0x13: {  	s20 =	simm.s32 $0x1  }
0x14: {  	[tilespmem:s13], [sflag:$0x1] =	stream.linear.gather [hbm4b:s9+s2], $0x800, $0x38;
	[tilespmem:$0x11000] =	vst v63  }
0x15: {  	_ =	swait.ge [sflag:s20], $0x800  }
0x16: {  	[sflag:s20] =	ssyncset.done $0x0  }
0x17: {  	[sflag:s20] =	ssyncadd.s32 $0xFFFFF800  }
0x18: {  	_ =	swait.ge [sflag:s20], $0x800  }
0x19: {  	[sflag:s20] =	ssyncset.done $0x0  }
0x1a: {  	[sflag:s20] =	ssyncadd.s32 $0xFFFFF800  }
0x1b: {  	[tilespmem:s15], [sflag:$0x2] =	stream.indirect.gather [hbm4b:s3+s14], $0x80, s2, s14, $0xb8;
	[tilespmem:$0x11000] =	vst v63  }
0x1c: {  	s21 =	smov.u32 s12;
	s22 =	smov.u32 s11;
	s23 =	simm.s32 $0x0  }
0x1d: {  	[tilespmem:s16], [sflag:$0x2] =	stream.indirect.gather [hbm4b:s4+s14], $0x80, s13, s14, $0xb8;
	[tilespmem:$0x11000] =	vst v63  }
.LBB2_2:
0x1e: {  	p0 =	sge.u32 s20, s7  }
0x1f: {  	s24 =	sshra.s32 @!p0 s23, $0x2  }
0x20: {  	s26 =	simm.s32 @!p0 $0x80;
	s28 =	simm.s32 @!p0 $0x5000;
	s25 =	sadd.s32 @!p0 $0x80, s24  }
0x21: {  	[tilespmem:s28], [sflag:$0x2] =	stream.indirect.gather @!p0 [hbm4b:s3+s26], $0x80, s25, s26, $0xb8;
	[tilespmem:$0x11000] =	vst v63  }
0x22: {  	s24 =	sadd.s32 @!p0 $0x880, s24;
	s25 =	simm.s32 @!p0 $0xD000  }
0x23: {  	[tilespmem:s25], [sflag:$0x2] =	stream.indirect.gather @!p0 [hbm4b:s4+s26], $0x80, s24, s26, $0xb8;
	[tilespmem:$0x11000] =	vst v63  }
0x24: {  	_ =	swait.ge [sflag:s17], $0x4000  }
0x25: {  	[sflag:s17] =	ssyncset.done $0x0  }
0x26: {  	[sflag:s17] =	ssyncadd.s32 $0xFFFFC000  }
0x27: {  	_ =	swait.ge [sflag:s17], $0x4000  }
0x28: {  	[sflag:s17] =	ssyncset.done $0x0  }
0x29: {  	s30 =	sadd.s32 s21, s5;
	[sflag:s17] =	ssyncadd.s32 $0xFFFFC000  }
0x2a: {  	[hbm4b:s30+s2] =	stream.linear.scatter [tilespmem:s15], [sflag:$0x3], $0x4000, $0x38;
	[tilespmem:$0x11000] =	vst v63  }
0x2b: {  	_ =	swait.ge [sflag:s18], $0x4000  }
0x2c: {  	[sflag:s18] =	ssyncset.done $0x0  }
0x2d: {  	s31 =	sadd.s32 s21, s6;
	s25 =	sadd.s32 $0x1, s20;
	[sflag:s18] =	ssyncadd.s32 $0xFFFFC000  }
0x2e: {  	[hbm4b:s31+s2] =	stream.linear.scatter [tilespmem:s16], [sflag:$0x3], $0x4000, $0x38;
	[tilespmem:$0x11000] =	vst v63  }
0x2f: {  	p0 =	sge.u32 s25, s7;
	_ =	swait.ge [sflag:s18], $0x4000  }
0x30: {  	s24 =	sshra.s32 @!p0 s23, $0x2;
	s26 =	simm.s32 @!p0 $0x80;
	[sflag:s18] =	ssyncset.done $0x0  }
0x31: {  	s28 =	simm.s32 @!p0 $0x1000;
	s25 =	sadd.s32 @!p0 $0x100, s24;
	[sflag:s18] =	ssyncadd.s32 $0xFFFFC000  }
0x32: {  	[tilespmem:s28], [sflag:$0x2] =	stream.indirect.gather @!p0 [hbm4b:s3+s26], $0x80, s25, s26, $0xb8;
	[tilespmem:$0x11000] =	vst v63  }
0x33: {  	s24 =	sadd.s32 @!p0 $0x900, s24;
	s25 =	simm.s32 @!p0 $0x9000  }
0x34: {  	[tilespmem:s25], [sflag:$0x2] =	stream.indirect.gather @!p0 [hbm4b:s4+s26], $0x80, s24, s26, $0xb8;
	[tilespmem:$0x11000] =	vst v63  }
0x35: {  	_ =	swait.ge [sflag:s17], $0x4000  }
0x36: {  	[sflag:s17] =	ssyncset.done $0x0  }
0x37: {  	[sflag:s17] =	ssyncadd.s32 $0xFFFFC000  }
0x38: {  	_ =	swait.ge [sflag:s17], $0x4000  }
0x39: {  	[sflag:s17] =	ssyncset.done $0x0  }
0x3a: {  	s28 =	sadd.s32 s22, s5;
	s26 =	rddreg [dreg:$0x2];
	[sflag:s17] =	ssyncadd.s32 $0xFFFFC000  }
0x3b: {  	[hbm4b:s28+s2] =	stream.linear.scatter [tilespmem:s26], [sflag:$0x3], $0x4000, $0x38;
	[tilespmem:$0x11000] =	vst v63  }
0x3c: {  	_ =	swait.ge [sflag:s18], $0x4000  }
0x3d: {  	[sflag:s18] =	ssyncset.done $0x0  }
0x3e: {  	s30 =	sadd.s32 s22, s6;
	s29 =	rddreg [dreg:$0x3];
	[sflag:s18] =	ssyncadd.s32 $0xFFFFC000  }
0x3f: {  	[hbm4b:s30+s2] =	stream.linear.scatter [tilespmem:s29], [sflag:$0x3], $0x4000, $0x38;
	[tilespmem:$0x11000] =	vst v63  }
0x40: {  	_ =	swait.ge [sflag:s18], $0x4000  }
0x41: {  	s23 =	sadd.s32 $0x400, s23;
	s31 =	rddreg [dreg:$0x4]  }
0x42: {  	p0 =	sne.s32 s31, s23  }
.Ltmp0:
0x43: {  	_ = 	snop;
	(pc) =	sbr.rel @p0 .LBB2_2-.Ltmp0, $3  }
0x44: {  	_ =	sdelay $0x1  }
0x45: {  	s21 =	sadd.s32 $0x1000, s21;
	[sflag:s18] =	ssyncset.done $0x0  }
0x46: {  	s20 =	sadd.s32 $0x2, s20;
	s22 =	sadd.s32 $0x1000, s22;
	[sflag:s18] =	ssyncadd.s32 $0xFFFFC000  }
0x47: {  	s19 =	sadd.s32 $0x1, s19  }
0x48: {  	p0 =	sne.s32 s19, s10  }
.Ltmp1:
0x49: {  	_ = 	snop;
	(pc) =	sbr.rel @p0 .LBB2_1-.Ltmp1, $1  }
0x4a: {  	_ =	sdelay $0x3  }
0x4b: {  	_ =	sfence.sel $0x180000  }
0x4c: {  	[bflag:$0x0] =	sbarrier.arrive $0xFFFF  }
0x4d: {  	p0 =	sne.s32 s0, $0x0;
	_ =	strace $0x90000047  }
0x4e: {  	s0 =	sadd.s32 @!p0 $0x100000, s1;
	[bflag:$0x2] =	sbarrier.arrive $0xFFFF  }
0x4f: {  	[sflag:s0] =	ssyncadd.tile.s32 @!p0 $0x1;
	_ =	shalt  }
.Lfunc_end2:
_tile_overlayer_lowered:
.L_overlay_start_2:
0x50: {  	(tag) =	ssettag $0x2  }
0x51: {  	s0 =	rddreg [dreg:$0x0];
	s2 =	stileid.u32  }
0x52: {  	s1 =	rddreg [dreg:$0x1];
	p0 =	sne.s32 s2, $0x0  }
0x53: {  	s3 =	rddreg [dreg:$0x2];
	[bflag:$0x3] =	sbarrier.arrive $0xFFFF;
	s2 =	simm.s32 @!p0 $0x1C03  }
0x54: {  	[timem:s3], [sflag:s2] =	dma.local @!p0 [hbm:s0], s1  }
0x55: {  	s0 =	simm.s32 @!p0 $0x3  }
0x56: {  	_ =	swait.ge @!p0 [sflag:s0], s1  }
0x57: {  	s1 =	ssub.s32 @!p0 $0x0, s1;
	[sflag:s0] =	ssyncset.done @!p0 $0x0  }
0x58: {  	[sflag:s0] =	ssyncadd.s32 @!p0 s1  }
0x59: {  	[bflag:$0x3] =	sbarrier.arrive $0xFFFF  }
0x5a: {  	_ =	shalt  }

</sc_bundles>
